<compile_context>
chip_gen: v7x
topology: tpu7x:2x2x1
jax: 0.10.2.dev20260603
libtpu: 0.0.44.dev20260713+nightly
codegen_flags: <defaults>
</compile_context>

<pallas_src>
import functools

import jax
import jax.numpy as jnp
from jax import lax
from jax.experimental import pallas as pl
from jax.experimental.pallas import tpu as pltpu
from jax.experimental.pallas import tpu_sc as plsc

N = 131072
E = 2097152
NC = 2
NS = 16
NW = NC * NS
EW = E // NW
CHUNK = 128
NCHUNK = EW // CHUNK
K = 8
GROUP = K * CHUNK
NGROUP = EW // GROUP
BANKS = 4


def _mesh():
    return plsc.VectorSubcoreMesh(core_axis_name="c", subcore_axis_name="s")


def _sc_degree_body(dst2_hbm, ones_hbm, out_hbm, acc_sh,
                    didx0, didx1, didx2, didx3, ones_v, zbuf,
                    isem, ssem):
    didx = (didx0, didx1, didx2, didx3)
    c = lax.axis_index("c")
    s = lax.axis_index("s")
    wid = s * NC + c

    pltpu.sync_copy(ones_hbm, ones_v)
    def _initz(i, _):
        zbuf[pl.ds(i * 16, 16)] = jnp.zeros((16,), jnp.float32)
        return 0
    lax.fori_loop(0, 1024 // 16, _initz, 0, unroll=True)
    myz = N // NS
    def _zero(i, _):
        pltpu.sync_copy(zbuf, acc_sh.at[pl.ds(s * myz + i * 1024, 1024)])
        return 0
    lax.fori_loop(0, myz // 1024, _zero, 0)
    plsc.subcore_barrier()

    base_row = wid * NGROUP

    def _idx_desc(g, j):
        return pltpu.make_async_copy(dst2_hbm.at[base_row + g],
                                     didx[j], isem.at[j])

    def _super(si, _):
        for j in range(BANKS):
            g = si * BANKS + j
            gm1 = g - 1

            @pl.when(jnp.logical_and(g >= BANKS, g - BANKS < NGROUP))
            def _():
                pltpu.make_async_copy(dst2_hbm.at[0],
                                      didx[j], ssem.at[j]).wait()

            @pl.when(g < NGROUP)
            def _():
                _idx_desc(g, j).start()

            jm1 = (j - 1) % BANKS

            @pl.when(jnp.logical_and(gm1 >= 0, gm1 < NGROUP))
            def _():
                _idx_desc(gm1, jm1).wait()
                pltpu.async_copy(ones_v, acc_sh.at[didx[jm1]],
                                 ssem.at[jm1], add=True)
        return 0

    nsuper = (NGROUP + 1 + BANKS - 1) // BANKS + 1
    lax.fori_loop(0, nsuper, _super, 0)
    plsc.subcore_barrier()

    pltpu.sync_copy(acc_sh.at[pl.ds(s * myz, myz)],
                    out_hbm.at[c, pl.ds(s * myz, myz)])


def _sc_degree(dst2, ones_kc):
    f = pl.kernel(
        _sc_degree_body,
        out_type=jax.ShapeDtypeStruct((NC, N), jnp.float32),
        mesh=_mesh(),
        scratch_types=[
            pltpu.MemorySpace.VMEM_SHARED((N,), jnp.float32),
        ] + [pltpu.MemorySpace.VMEM((GROUP,), jnp.int32)] * BANKS + [
            pltpu.MemorySpace.VMEM((GROUP,), jnp.float32),
            pltpu.MemorySpace.VMEM((1024,), jnp.float32),
            pltpu.SemaphoreType.DMA((BANKS,)),
            pltpu.SemaphoreType.DMA((BANKS,)),
        ],
    )
    return f(dst2, ones_kc)


def _sc_scatter_body(src2_hbm, dst2_hbm, u0_hbm, u1_hbm, zero_hbm, out_hbm,
                     acc0_sh, acc1_sh, u0_sh, u1_sh,
                     sidx0, sidx1, sidx2, sidx3,
                     didx0, didx1, didx2, didx3,
                     v0_0, v0_1, v0_2, v0_3,
                     v1_0, v1_1, v1_2, v1_3,
                     isem, gsem, ssem):
    sidx = (sidx0, sidx1, sidx2, sidx3)
    didx = (didx0, didx1, didx2, didx3)
    v0 = (v0_0, v0_1, v0_2, v0_3)
    v1 = (v1_0, v1_1, v1_2, v1_3)
    c = lax.axis_index("c")
    s = lax.axis_index("s")
    wid = s * NC + c

    myz = N // NS
    pltpu.sync_copy(zero_hbm.at[pl.ds(s * myz, myz)],
                    acc0_sh.at[pl.ds(s * myz, myz)])
    pltpu.sync_copy(zero_hbm.at[pl.ds(s * myz, myz)],
                    acc1_sh.at[pl.ds(s * myz, myz)])
    pltpu.sync_copy(u0_hbm.at[pl.ds(s * myz, myz)],
                    u0_sh.at[pl.ds(s * myz, myz)])
    pltpu.sync_copy(u1_hbm.at[pl.ds(s * myz, myz)],
                    u1_sh.at[pl.ds(s * myz, myz)])
    plsc.subcore_barrier()

    base_row = wid * NGROUP

    def _idx_descs(g, j):
        return (pltpu.make_async_copy(src2_hbm.at[base_row + g],
                                      sidx[j], isem.at[j]),
                pltpu.make_async_copy(dst2_hbm.at[base_row + g],
                                      didx[j], isem.at[j]))

    def _gather_descs(j):
        return (pltpu.make_async_copy(u0_sh.at[sidx[j]],
                                      v0[j], gsem.at[j]),
                pltpu.make_async_copy(u1_sh.at[sidx[j]],
                                      v1[j], gsem.at[j]))

    def _scatter_argsets(j):
        return ((v0[j], acc0_sh.at[didx[j]], ssem.at[j]),
                (v1[j], acc1_sh.at[didx[j]], ssem.at[j]))

    def _drain2(j, sem):
        pltpu.make_async_copy(src2_hbm.at[0],
                              sidx[j], sem.at[j]).wait()
        pltpu.make_async_copy(src2_hbm.at[0],
                              sidx[j], sem.at[j]).wait()

    def _super(si, _):
        for j in range(BANKS):
            g = si * BANKS + j
            gm1 = g - 1
            gm2 = g - 2

            @pl.when(jnp.logical_and(g >= BANKS, g - BANKS < NGROUP))
            def _():
                _drain2(j, ssem)

            @pl.when(g < NGROUP)
            def _():
                for d in _idx_descs(g, j):
                    d.start()

            jm1 = (j - 1) % BANKS

            @pl.when(jnp.logical_and(gm1 >= 0, gm1 < NGROUP))
            def _():
                for d in _idx_descs(gm1, jm1):
                    d.wait()
                for d in _gather_descs(jm1):
                    d.start()

            jm2 = (j - 2) % BANKS

            @pl.when(jnp.logical_and(gm2 >= 0, gm2 < NGROUP))
            def _():
                _drain2(jm2, gsem)
                for a in _scatter_argsets(jm2):
                    pltpu.async_copy(*a, add=True)
        return 0

    nsuper = (NGROUP + 2 + BANKS - 1) // BANKS + 1
    lax.fori_loop(0, nsuper, _super, 0)
    plsc.subcore_barrier()

    pltpu.sync_copy(acc0_sh.at[pl.ds(s * myz, myz)],
                    out_hbm.at[c, 0, pl.ds(s * myz, myz)])
    pltpu.sync_copy(acc1_sh.at[pl.ds(s * myz, myz)],
                    out_hbm.at[c, 1, pl.ds(s * myz, myz)])


def _sc_scatter(src2, dst2, u0, u1, zero_n):
    f = pl.kernel(
        _sc_scatter_body,
        out_type=jax.ShapeDtypeStruct((NC, 2, N), jnp.float32),
        mesh=_mesh(),
        scratch_types=[
            pltpu.MemorySpace.VMEM_SHARED((N,), jnp.float32),
            pltpu.MemorySpace.VMEM_SHARED((N,), jnp.float32),
            pltpu.MemorySpace.VMEM_SHARED((N,), jnp.float32),
            pltpu.MemorySpace.VMEM_SHARED((N,), jnp.float32),
        ] + [pltpu.MemorySpace.VMEM((GROUP,), jnp.int32)] * (2 * BANKS)
          + [pltpu.MemorySpace.VMEM((GROUP,), jnp.float32)] * (2 * BANKS) + [
            pltpu.SemaphoreType.DMA((BANKS,)),
            pltpu.SemaphoreType.DMA((BANKS,)),
            pltpu.SemaphoreType.DMA((BANKS,)),
        ],
    )
    return f(src2, dst2, u0, u1, zero_n)


def _tc1_body(degp_ref, x0_ref, x1_ref, u0_ref, u1_ref, dinv_ref):
    deg = degp_ref[0] + degp_ref[1] + 1.0
    dinv = lax.rsqrt(deg)
    dinv_ref[...] = dinv
    u0_ref[...] = x0_ref[...] * dinv
    u1_ref[...] = x1_ref[...] * dinv


def _tc1(degp, x0r, x1r):
    return pl.pallas_call(
        _tc1_body,
        out_shape=[jax.ShapeDtypeStruct((1024, 128), jnp.float32),
                   jax.ShapeDtypeStruct((1024, 128), jnp.float32),
                   jax.ShapeDtypeStruct((1024, 128), jnp.float32)],
    )(degp, x0r, x1r)


def _tc2_body(sa0_ref, sa1_ref, sb0_ref, sb1_ref, x0_ref, x1_ref, dinv_ref,
              w1a_ref, w1b_ref, b1_ref, w2_ref, b2_ref, hq_ref):
    dinv = dinv_ref[...]
    f0 = (sa0_ref[...] + sb0_ref[...] + x0_ref[...] * dinv) * dinv
    f1 = (sa1_ref[...] + sb1_ref[...] + x1_ref[...] * dinv) * dinv
    h1 = (jnp.dot(f0, w1a_ref[...], preferred_element_type=jnp.float32)
          + jnp.dot(f1, w1b_ref[...], preferred_element_type=jnp.float32))
    h1 = jnp.maximum(h1 + b1_ref[...], 0.0)
    hp = jnp.max(h1.reshape(512, 2, 512), axis=1)
    t = jnp.dot(hp, w2_ref[...], preferred_element_type=jnp.float32)

    r3 = jax.lax.rsqrt(jnp.float32(3.0))
    r2 = jax.lax.rsqrt(jnp.float32(2.0))
    rows = lax.broadcasted_iota(jnp.int32, (512, 1024), 0)
    lanes = lax.broadcasted_iota(jnp.int32, (512, 1024), 1)
    corner = ((rows == 0) & (lanes < 8)) | ((rows == 511) & (lanes >= 1016))
    norm2 = jnp.where(corner, r2, r3)

    g2 = t * norm2
    zrow = jnp.zeros((1, 8), jnp.float32)
    top = jnp.concatenate([zrow, g2[511:512, :1016]], axis=1)
    bot = jnp.concatenate([g2[0:1, 8:], zrow], axis=1)
    g2u = jnp.concatenate([top, g2[:511, :]], axis=0)
    g2d = jnp.concatenate([g2[1:, :], bot], axis=0)
    h2 = jnp.maximum(norm2 * (g2u + g2 + g2d) + b2_ref[...], 0.0)
    hq_ref[...] = jnp.max(h2.reshape(256, 2, 1024), axis=1)


def _tc2(sa0, sa1, sb0, sb1, x0cm, x1cm, dinv_cm, w1a, w1b, b1row, w2blk,
         b2row):
    return pl.pallas_call(
        _tc2_body,
        out_shape=jax.ShapeDtypeStruct((256, 1024), jnp.float32),
    )(sa0, sa1, sb0, sb1, x0cm, x1cm, dinv_cm, w1a, w1b, b1row, w2blk, b2row)


def _tc3_body(flat_ref, wmu_ref, bmu_ref, wlv_ref, blv_ref, mu_ref, lv_ref):
    f = flat_ref[...]
    mu_ref[...] = jnp.dot(f, wmu_ref[...],
                          preferred_element_type=jnp.float32) + bmu_ref[...]
    lv_ref[...] = jnp.dot(f, wlv_ref[...],
                          preferred_element_type=jnp.float32) + blv_ref[...]


def _tc3(flat, wmu, bmu, wlv, blv):
    return pl.pallas_call(
        _tc3_body,
        out_shape=[jax.ShapeDtypeStruct((64, 128), jnp.float32),
                   jax.ShapeDtypeStruct((64, 128), jnp.float32)],
    )(flat, wmu, bmu, wlv, blv)


def kernel(x, edge_index, W1, b1, W2, b2, Wmu, bmu, Wlv, blv):
    src2 = edge_index[0].reshape(E // GROUP, GROUP)
    dst2 = edge_index[1].reshape(E // GROUP, GROUP)

    ones_kc = lax.optimization_barrier(jnp.ones((GROUP,), jnp.float32))
    degp = _sc_degree(dst2, ones_kc)

    x0r = x[:, 0].reshape(1024, 128)
    x1r = x[:, 1].reshape(1024, 128)
    u0, u1, dinv_rm = _tc1(degp.reshape(2, 1024, 128), x0r, x1r)

    zero_n = lax.optimization_barrier(jnp.zeros((N,), jnp.float32))
    S = _sc_scatter(src2, dst2, u0.reshape(N), u1.reshape(N), zero_n)

    s_cm = S.reshape(2, 2, 128, 1024).transpose(0, 1, 3, 2)
    x0cm = x[:, 0].reshape(128, 1024).T
    x1cm = x[:, 1].reshape(128, 1024).T
    dinv_cm = dinv_rm.reshape(128, 1024).T
    eye128 = jnp.eye(128, dtype=jnp.float32)
    w1a = jnp.kron(eye128, W1[0:1, :])
    w1b = jnp.kron(eye128, W1[1:2, :])
    w2blk = jnp.kron(eye128, W2)
    b1row = jnp.tile(b1, 128)[None, :]
    b2row = jnp.tile(b2, 128)[None, :]
    hq = _tc2(s_cm[0, 0], s_cm[0, 1], s_cm[1, 0], s_cm[1, 1], x0cm, x1cm,
              dinv_cm, w1a, w1b, b1row, w2blk, b2row)

    flat = hq.reshape(256, 64, 2, 8).transpose(1, 2, 0, 3).reshape(64, 4096)
    mu, logvar = _tc3(flat, Wmu, bmu[None, :], Wlv, blv[None, :])
    return (mu, logvar)

# --- scband reference (transcript-rebuilt; emitter-appended) ---
"""Pipeline reference for scband-gcnencoder-5703716569749 (READ-ONLY COPY).

The authoritative reference and input builder live on the scoring server;
editing this copy changes nothing except your own understanding.
"""

import jax, jax.numpy as jnp
import numpy as np

N = 131072
E = 2097152
NRPOINTS = 2048
LATENT = 128
BATCH = N // NRPOINTS  # 64


def gcn_conv(x, edge_index, W, b):
    # Faithful PyG GCNConv: add self-loops, symmetric normalization, then scatter-add
    n = x.shape[0]
    src = edge_index[0]
    dst = edge_index[1]
    loop = jnp.arange(n, dtype=src.dtype)
    src = jnp.concatenate([src, loop])
    dst = jnp.concatenate([dst, loop])
    deg = jnp.zeros((n,), dtype=x.dtype).at[dst].add(1.0)
    dinv = jax.lax.rsqrt(deg)
    norm = dinv[src] * dinv[dst]
    h = x @ W
    msg = h[src] * norm[:, None]
    out = jnp.zeros((n, W.shape[1]), dtype=x.dtype).at[dst].add(msg)
    return out + b


def pool_pairs(x):
    # MaxPool1d(2, stride=2) applied over the node dimension
    m = x.shape[0] // 2
    xp = x[: m * 2].reshape(m, 2, x.shape[1]).max(axis=1)
    a = jnp.arange(m - 1, dtype=jnp.int32)
    bb = jnp.arange(1, m, dtype=jnp.int32)
    src = jnp.concatenate([a, bb])
    dst = jnp.concatenate([bb, a])
    return xp, jnp.stack([src, dst])


def setup_inputs(seed: int = 0) -> dict:
    key = jax.random.key(seed)
    ks = jax.random.split(key, 10)
    x = jax.random.normal(ks[0], (N, 2), dtype=jnp.float32)
    edge_index = jax.random.randint(ks[1], (2, E), 0, N, dtype=jnp.int32)
    W1 = jax.random.normal(ks[2], (2, 4), dtype=jnp.float32) * (1.0 / np.sqrt(2.0))
    b1 = jnp.zeros((4,), dtype=jnp.float32)
    W2 = jax.random.normal(ks[3], (4, 8), dtype=jnp.float32) * (1.0 / np.sqrt(4.0))
    b2 = jnp.zeros((8,), dtype=jnp.float32)
    second = 2 * NRPOINTS  # flattened per-sample feature size = (N/4)*8/BATCH
    Wmu = jax.random.normal(ks[4], (second, LATENT), dtype=jnp.float32) * (1.0 / np.sqrt(second))
    bmu = jnp.zeros((LATENT,), dtype=jnp.float32)
    Wlv = jax.random.normal(ks[5], (second, LATENT), dtype=jnp.float32) * (1.0 / np.sqrt(second))
    blv = jnp.zeros((LATENT,), dtype=jnp.float32)
    return {"x": x, "edge_index": edge_index, "W1": W1, "b1": b1, "W2": W2, "b2": b2,
            "Wmu": Wmu, "bmu": bmu, "Wlv": Wlv, "blv": blv}


def reference(x, edge_index, W1, b1, W2, b2, Wmu, bmu, Wlv, blv):
    h = jax.nn.relu(gcn_conv(x, edge_index, W1, b1))
    h, ei2 = pool_pairs(h)
    h = jax.nn.relu(gcn_conv(h, ei2, W2, b2))
    h, _ = pool_pairs(h)
    flat = h.reshape(BATCH, -1)
    mu = flat @ Wmu + bmu
    logvar = flat @ Wlv + blv
    return (mu, logvar)

if __name__ == "__main__":
    import jax
    _d = setup_inputs()
    print(jax.jit(kernel)(*tuple(_d.values())))

</pallas_src>

<mosaic_0001>
#map = affine_map<(d0, d1) -> (0, 0)>
#map1 = affine_map<(d0, d1) -> (0)>
#map2 = affine_map<(d0, d1) -> (0, 0, 0)>
module attributes {stable_mosaic.version = 14 : i64} {
  func.func @_sc_scatter_body(%arg0: i32, %arg1: i32, %arg2: memref<2048x1024xi32, #tpu.memory_space<hbm>>, %arg3: memref<2048x1024xi32, #tpu.memory_space<hbm>>, %arg4: memref<131072xf32, #tpu.memory_space<hbm>>, %arg5: memref<131072xf32, #tpu.memory_space<hbm>>, %arg6: memref<131072xf32, #tpu.memory_space<hbm>>, %arg7: memref<2x2x131072xf32, #tpu.memory_space<hbm>>, %arg8: memref<131072xf32, #tpu.memory_space<vmem_shared>>, %arg9: memref<131072xf32, #tpu.memory_space<vmem_shared>>, %arg10: memref<131072xf32, #tpu.memory_space<vmem_shared>>, %arg11: memref<131072xf32, #tpu.memory_space<vmem_shared>>, %arg12: memref<1024xi32, #tpu.memory_space<vmem>>, %arg13: memref<1024xi32, #tpu.memory_space<vmem>>, %arg14: memref<1024xi32, #tpu.memory_space<vmem>>, %arg15: memref<1024xi32, #tpu.memory_space<vmem>>, %arg16: memref<1024xi32, #tpu.memory_space<vmem>>, %arg17: memref<1024xi32, #tpu.memory_space<vmem>>, %arg18: memref<1024xi32, #tpu.memory_space<vmem>>, %arg19: memref<1024xi32, #tpu.memory_space<vmem>>, %arg20: memref<1024xf32, #tpu.memory_space<vmem>>, %arg21: memref<1024xf32, #tpu.memory_space<vmem>>, %arg22: memref<1024xf32, #tpu.memory_space<vmem>>, %arg23: memref<1024xf32, #tpu.memory_space<vmem>>, %arg24: memref<1024xf32, #tpu.memory_space<vmem>>, %arg25: memref<1024xf32, #tpu.memory_space<vmem>>, %arg26: memref<1024xf32, #tpu.memory_space<vmem>>, %arg27: memref<1024xf32, #tpu.memory_space<vmem>>, %arg28: memref<4x!tpu.dma_semaphore, #tpu.memory_space<semaphore_mem>>, %arg29: memref<4x!tpu.dma_semaphore, #tpu.memory_space<semaphore_mem>>, %arg30: memref<4x!tpu.dma_semaphore, #tpu.memory_space<semaphore_mem>>) attributes {dimension_semantics = [#tpu.dimension_semantics<core_parallel>, #tpu.dimension_semantics<subcore_parallel>], iteration_bounds = array<i64: 2, 16>, scalar_prefetch = 0 : i64, scratch_operands = 23 : i64, tpu.core_type = #tpu.core_type<sc_vector_subcore>, window_params = [{transform_indices = #map}, {transform_indices = #map}, {transform_indices = #map1}, {transform_indices = #map1}, {transform_indices = #map1}, {transform_indices = #map2}]} {
    %mul3A = arith.constant 2 : i32
    %mul3A_0 = arith.muli %arg1, %mul3A : i32
    %add3A = arith.addi %mul3A_0, %arg0 : i32
    %mul3A_1 = arith.constant 8192 : i32
    %mul3A_2 = arith.muli %arg1, %mul3A_1 : i32
    %mul3A_3 = arith.constant 8192 : i32
    %mul3A_4 = arith.muli %arg1, %mul3A_3 : i32
    "tpu.region"() ({
      %run_scoped3A_35 = tpu.sem_alloc : memref<!tpu.dma_semaphore, #tpu.memory_space<semaphore_mem>>
      %dma_start3A = tpu.memref_slice %arg8[%mul3A_4] : memref<131072xf32, #tpu.memory_space<vmem_shared>> -> memref<8192xf32, #tpu.memory_space<vmem_shared>>
      %dma_start3A_36 = tpu.memref_slice %arg6[%mul3A_2] : memref<131072xf32, #tpu.memory_space<hbm>> -> memref<8192xf32, #tpu.memory_space<hbm>>
      tpu.enqueue_dma source(%dma_start3A_36 : memref<8192xf32, #tpu.memory_space<hbm>>) target(%dma_start3A : memref<8192xf32, #tpu.memory_space<vmem_shared>>) target_semaphore(%run_scoped3A_35 : memref<!tpu.dma_semaphore, #tpu.memory_space<semaphore_mem>>)
      %dma_wait3A = tpu.memref_slice %arg8[%mul3A_4] : memref<131072xf32, #tpu.memory_space<vmem_shared>> -> memref<8192xf32, #tpu.memory_space<vmem_shared>>
      %dma_wait3A_37 = tpu.memref_slice %arg6[%mul3A_2] : memref<131072xf32, #tpu.memory_space<hbm>> -> memref<8192xf32, #tpu.memory_space<hbm>>
      tpu.wait_dma2 semaphore(%run_scoped3A_35 : memref<!tpu.dma_semaphore, #tpu.memory_space<semaphore_mem>>) src(%dma_wait3A_37 : memref<8192xf32, #tpu.memory_space<hbm>>) dst(%dma_wait3A : memref<8192xf32, #tpu.memory_space<vmem_shared>>)
      tpu.yield
    }) : () -> ()
    %mul3A_5 = arith.constant 8192 : i32
    %mul3A_6 = arith.muli %arg1, %mul3A_5 : i32
    %mul3A_7 = arith.constant 8192 : i32
    %mul3A_8 = arith.muli %arg1, %mul3A_7 : i32
    "tpu.region"() ({
      %run_scoped3A_35 = tpu.sem_alloc : memref<!tpu.dma_semaphore, #tpu.memory_space<semaphore_mem>>
      %dma_start3A = tpu.memref_slice %arg9[%mul3A_8] : memref<131072xf32, #tpu.memory_space<vmem_shared>> -> memref<8192xf32, #tpu.memory_space<vmem_shared>>
      %dma_start3A_36 = tpu.memref_slice %arg6[%mul3A_6] : memref<131072xf32, #tpu.memory_space<hbm>> -> memref<8192xf32, #tpu.memory_space<hbm>>
      tpu.enqueue_dma source(%dma_start3A_36 : memref<8192xf32, #tpu.memory_space<hbm>>) target(%dma_start3A : memref<8192xf32, #tpu.memory_space<vmem_shared>>) target_semaphore(%run_scoped3A_35 : memref<!tpu.dma_semaphore, #tpu.memory_space<semaphore_mem>>)
      %dma_wait3A = tpu.memref_slice %arg9[%mul3A_8] : memref<131072xf32, #tpu.memory_space<vmem_shared>> -> memref<8192xf32, #tpu.memory_space<vmem_shared>>
      %dma_wait3A_37 = tpu.memref_slice %arg6[%mul3A_6] : memref<131072xf32, #tpu.memory_space<hbm>> -> memref<8192xf32, #tpu.memory_space<hbm>>
      tpu.wait_dma2 semaphore(%run_scoped3A_35 : memref<!tpu.dma_semaphore, #tpu.memory_space<semaphore_mem>>) src(%dma_wait3A_37 : memref<8192xf32, #tpu.memory_space<hbm>>) dst(%dma_wait3A : memref<8192xf32, #tpu.memory_space<vmem_shared>>)
      tpu.yield
    }) : () -> ()
    %mul3A_9 = arith.constant 8192 : i32
    %mul3A_10 = arith.muli %arg1, %mul3A_9 : i32
    %mul3A_11 = arith.constant 8192 : i32
    %mul3A_12 = arith.muli %arg1, %mul3A_11 : i32
    "tpu.region"() ({
      %run_scoped3A_35 = tpu.sem_alloc : memref<!tpu.dma_semaphore, #tpu.memory_space<semaphore_mem>>
      %dma_start3A = tpu.memref_slice %arg10[%mul3A_12] : memref<131072xf32, #tpu.memory_space<vmem_shared>> -> memref<8192xf32, #tpu.memory_space<vmem_shared>>
      %dma_start3A_36 = tpu.memref_slice %arg4[%mul3A_10] : memref<131072xf32, #tpu.memory_space<hbm>> -> memref<8192xf32, #tpu.memory_space<hbm>>
      tpu.enqueue_dma source(%dma_start3A_36 : memref<8192xf32, #tpu.memory_space<hbm>>) target(%dma_start3A : memref<8192xf32, #tpu.memory_space<vmem_shared>>) target_semaphore(%run_scoped3A_35 : memref<!tpu.dma_semaphore, #tpu.memory_space<semaphore_mem>>)
      %dma_wait3A = tpu.memref_slice %arg10[%mul3A_12] : memref<131072xf32, #tpu.memory_space<vmem_shared>> -> memref<8192xf32, #tpu.memory_space<vmem_shared>>
      %dma_wait3A_37 = tpu.memref_slice %arg4[%mul3A_10] : memref<131072xf32, #tpu.memory_space<hbm>> -> memref<8192xf32, #tpu.memory_space<hbm>>
      tpu.wait_dma2 semaphore(%run_scoped3A_35 : memref<!tpu.dma_semaphore, #tpu.memory_space<semaphore_mem>>) src(%dma_wait3A_37 : memref<8192xf32, #tpu.memory_space<hbm>>) dst(%dma_wait3A : memref<8192xf32, #tpu.memory_space<vmem_shared>>)
      tpu.yield
    }) : () -> ()
    %mul3A_13 = arith.constant 8192 : i32
    %mul3A_14 = arith.muli %arg1, %mul3A_13 : i32
    %mul3A_15 = arith.constant 8192 : i32
    %mul3A_16 = arith.muli %arg1, %mul3A_15 : i32
    "tpu.region"() ({
      %run_scoped3A_35 = tpu.sem_alloc : memref<!tpu.dma_semaphore, #tpu.memory_space<semaphore_mem>>
      %dma_start3A = tpu.memref_slice %arg11[%mul3A_16] : memref<131072xf32, #tpu.memory_space<vmem_shared>> -> memref<8192xf32, #tpu.memory_space<vmem_shared>>
      %dma_start3A_36 = tpu.memref_slice %arg5[%mul3A_14] : memref<131072xf32, #tpu.memory_space<hbm>> -> memref<8192xf32, #tpu.memory_space<hbm>>
      tpu.enqueue_dma source(%dma_start3A_36 : memref<8192xf32, #tpu.memory_space<hbm>>) target(%dma_start3A : memref<8192xf32, #tpu.memory_space<vmem_shared>>) target_semaphore(%run_scoped3A_35 : memref<!tpu.dma_semaphore, #tpu.memory_space<semaphore_mem>>)
      %dma_wait3A = tpu.memref_slice %arg11[%mul3A_16] : memref<131072xf32, #tpu.memory_space<vmem_shared>> -> memref<8192xf32, #tpu.memory_space<vmem_shared>>
      %dma_wait3A_37 = tpu.memref_slice %arg5[%mul3A_14] : memref<131072xf32, #tpu.memory_space<hbm>> -> memref<8192xf32, #tpu.memory_space<hbm>>
      tpu.wait_dma2 semaphore(%run_scoped3A_35 : memref<!tpu.dma_semaphore, #tpu.memory_space<semaphore_mem>>) src(%dma_wait3A_37 : memref<8192xf32, #tpu.memory_space<hbm>>) dst(%dma_wait3A : memref<8192xf32, #tpu.memory_space<vmem_shared>>)
      tpu.yield
    }) : () -> ()
    %barrier3A = arith.constant 0 : index
    tpu.barrier barrier_id(%barrier3A)
    %mul3A_17 = arith.constant 64 : i32
    %mul3A_18 = arith.muli %add3A, %mul3A_17 : i32
    %scan3A = arith.constant 0 : i32
    %scan3A_19 = arith.constant 0 : i32
    %scan3A_20 = arith.constant 18 : i32
    %scan3A_21 = arith.addi %scan3A_19, %scan3A_20 : i32
    %scan3A_22 = arith.constant 1 : i32
    %scan3A_23 = scf.for %scan3A_35 = %scan3A_19 to %scan3A_21 step %scan3A_22 iter_args(%scan3A_36 = %scan3A) -> (i32)  : i32 {
      %mul3A_37 = arith.constant 4 : i32
      %mul3A_38 = arith.muli %scan3A_35, %mul3A_37 : i32
      %add3A_39 = arith.constant 0 : i32
      %add3A_40 = arith.addi %mul3A_38, %add3A_39 : i32
      %sub3A = arith.constant 1 : i32
      %sub3A_41 = arith.subi %add3A_40, %sub3A : i32
      %sub3A_42 = arith.constant 2 : i32
      %sub3A_43 = arith.subi %add3A_40, %sub3A_42 : i32
      %ge3A = arith.constant 4 : i32
      %ge3A_44 = arith.cmpi sge, %add3A_40, %ge3A : i32
      %sub3A_45 = arith.constant 4 : i32
      %sub3A_46 = arith.subi %add3A_40, %sub3A_45 : i32
      %lt3A = arith.constant 64 : i32
      %lt3A_47 = arith.cmpi slt, %sub3A_46, %lt3A : i32
      %and3A = arith.andi %ge3A_44, %lt3A_47 : i1
      %convert_element_type3A = arith.extui %and3A : i1 to i32
      %cond3A = arith.constant 0 : i32
      %cond3A_48 = arith.cmpi ne, %convert_element_type3A, %cond3A : i32
      scf.if %cond3A_48 {
        %dma_wait3A = arith.constant 0 : i32
        %dma_wait3A_188 = arith.constant 0 : i32
        %dma_wait3A_189 = arith.constant 0 : i32
        %dma_wait3A_190 = tpu.memref_slice %arg2[%dma_wait3A, %dma_wait3A_189] : memref<2048x1024xi32, #tpu.memory_space<hbm>> -> memref<1x1024xi32, #tpu.memory_space<hbm>>
        %dma_wait3A_191 = tpu.memref_squeeze %dma_wait3A_190 : memref<1x1024xi32, #tpu.memory_space<hbm>> -> memref<1024xi32, #tpu.memory_space<hbm>>
        %dma_wait3A_192 = tpu.memref_slice %arg30[%dma_wait3A_188] : memref<4x!tpu.dma_semaphore, #tpu.memory_space<semaphore_mem>> -> memref<1x!tpu.dma_semaphore, #tpu.memory_space<semaphore_mem>>
        %dma_wait3A_193 = tpu.memref_squeeze %dma_wait3A_192 : memref<1x!tpu.dma_semaphore, #tpu.memory_space<semaphore_mem>> -> memref<!tpu.dma_semaphore, #tpu.memory_space<semaphore_mem>>
        %dma_wait3A_194 = arith.constant 0 : i32
        %dma_wait3A_195 = tpu.memref_slice %arg2[%dma_wait3A, %dma_wait3A_194] : memref<2048x1024xi32, #tpu.memory_space<hbm>> -> memref<1x1024xi32, #tpu.memory_space<hbm>>
        %dma_wait3A_196 = tpu.memref_squeeze %dma_wait3A_195 : memref<1x1024xi32, #tpu.memory_space<hbm>> -> memref<1024xi32, #tpu.memory_space<hbm>>
        tpu.wait_dma2 semaphore(%dma_wait3A_193 : memref<!tpu.dma_semaphore, #tpu.memory_space<semaphore_mem>>) src(%dma_wait3A_196 : memref<1024xi32, #tpu.memory_space<hbm>>) dst(%arg12 : memref<1024xi32, #tpu.memory_space<vmem>>)
        %dma_wait3A_197 = arith.constant 0 : i32
        %dma_wait3A_198 = arith.constant 0 : i32
        %dma_wait3A_199 = arith.constant 0 : i32
        %dma_wait3A_200 = tpu.memref_slice %arg2[%dma_wait3A_197, %dma_wait3A_199] : memref<2048x1024xi32, #tpu.memory_space<hbm>> -> memref<1x1024xi32, #tpu.memory_space<hbm>>
        %dma_wait3A_201 = tpu.memref_squeeze %dma_wait3A_200 : memref<1x1024xi32, #tpu.memory_space<hbm>> -> memref<1024xi32, #tpu.memory_space<hbm>>
        %dma_wait3A_202 = tpu.memref_slice %arg30[%dma_wait3A_198] : memref<4x!tpu.dma_semaphore, #tpu.memory_space<semaphore_mem>> -> memref<1x!tpu.dma_semaphore, #tpu.memory_space<semaphore_mem>>
        %dma_wait3A_203 = tpu.memref_squeeze %dma_wait3A_202 : memref<1x!tpu.dma_semaphore, #tpu.memory_space<semaphore_mem>> -> memref<!tpu.dma_semaphore, #tpu.memory_space<semaphore_mem>>
        %dma_wait3A_204 = arith.constant 0 : i32
        %dma_wait3A_205 = tpu.memref_slice %arg2[%dma_wait3A_197, %dma_wait3A_204] : memref<2048x1024xi32, #tpu.memory_space<hbm>> -> memref<1x1024xi32, #tpu.memory_space<hbm>>
        %dma_wait3A_206 = tpu.memref_squeeze %dma_wait3A_205 : memref<1x1024xi32, #tpu.memory_space<hbm>> -> memref<1024xi32, #tpu.memory_space<hbm>>
        tpu.wait_dma2 semaphore(%dma_wait3A_203 : memref<!tpu.dma_semaphore, #tpu.memory_space<semaphore_mem>>) src(%dma_wait3A_206 : memref<1024xi32, #tpu.memory_space<hbm>>) dst(%arg12 : memref<1024xi32, #tpu.memory_space<vmem>>)
      } else {
      }
      %lt3A_49 = arith.constant 64 : i32
      %lt3A_50 = arith.cmpi slt, %add3A_40, %lt3A_49 : i32
      %convert_element_type3A_51 = arith.extui %lt3A_50 : i1 to i32
      %cond3A_52 = arith.constant 0 : i32
      %cond3A_53 = arith.cmpi ne, %convert_element_type3A_51, %cond3A_52 : i32
      scf.if %cond3A_53 {
        %add3A_188 = arith.addi %mul3A_18, %add3A_40 : i32
        %add3A_189 = arith.addi %mul3A_18, %add3A_40 : i32
        %dma_start3A = arith.constant 0 : i32
        %dma_start3A_190 = arith.constant 0 : i32
        %dma_start3A_191 = tpu.memref_slice %arg2[%add3A_188, %dma_start3A_190] : memref<2048x1024xi32, #tpu.memory_space<hbm>> -> memref<1x1024xi32, #tpu.memory_space<hbm>>
        %dma_start3A_192 = tpu.memref_squeeze %dma_start3A_191 : memref<1x1024xi32, #tpu.memory_space<hbm>> -> memref<1024xi32, #tpu.memory_space<hbm>>
        %dma_start3A_193 = tpu.memref_slice %arg28[%dma_start3A] : memref<4x!tpu.dma_semaphore, #tpu.memory_space<semaphore_mem>> -> memref<1x!tpu.dma_semaphore, #tpu.memory_space<semaphore_mem>>
        %dma_start3A_194 = tpu.memref_squeeze %dma_start3A_193 : memref<1x!tpu.dma_semaphore, #tpu.memory_space<semaphore_mem>> -> memref<!tpu.dma_semaphore, #tpu.memory_space<semaphore_mem>>
        %dma_start3A_195 = arith.constant 0 : i32
        %dma_start3A_196 = tpu.memref_slice %arg2[%add3A_188, %dma_start3A_195] : memref<2048x1024xi32, #tpu.memory_space<hbm>> -> memref<1x1024xi32, #tpu.memory_space<hbm>>
        %dma_start3A_197 = tpu.memref_squeeze %dma_start3A_196 : memref<1x1024xi32, #tpu.memory_space<hbm>> -> memref<1024xi32, #tpu.memory_space<hbm>>
        tpu.enqueue_dma source(%dma_start3A_197 : memref<1024xi32, #tpu.memory_space<hbm>>) target(%arg12 : memref<1024xi32, #tpu.memory_space<vmem>>) target_semaphore(%dma_start3A_194 : memref<!tpu.dma_semaphore, #tpu.memory_space<semaphore_mem>>)
        %dma_start3A_198 = arith.constant 0 : i32
        %dma_start3A_199 = arith.constant 0 : i32
        %dma_start3A_200 = tpu.memref_slice %arg3[%add3A_189, %dma_start3A_199] : memref<2048x1024xi32, #tpu.memory_space<hbm>> -> memref<1x1024xi32, #tpu.memory_space<hbm>>
        %dma_start3A_201 = tpu.memref_squeeze %dma_start3A_200 : memref<1x1024xi32, #tpu.memory_space<hbm>> -> memref<1024xi32, #tpu.memory_space<hbm>>
        %dma_start3A_202 = tpu.memref_slice %arg28[%dma_start3A_198] : memref<4x!tpu.dma_semaphore, #tpu.memory_space<semaphore_mem>> -> memref<1x!tpu.dma_semaphore, #tpu.memory_space<semaphore_mem>>
        %dma_start3A_203 = tpu.memref_squeeze %dma_start3A_202 : memref<1x!tpu.dma_semaphore, #tpu.memory_space<semaphore_mem>> -> memref<!tpu.dma_semaphore, #tpu.memory_space<semaphore_mem>>
        %dma_start3A_204 = arith.constant 0 : i32
        %dma_start3A_205 = tpu.memref_slice %arg3[%add3A_189, %dma_start3A_204] : memref<2048x1024xi32, #tpu.memory_space<hbm>> -> memref<1x1024xi32, #tpu.memory_space<hbm>>
        %dma_start3A_206 = tpu.memref_squeeze %dma_start3A_205 : memref<1x1024xi32, #tpu.memory_space<hbm>> -> memref<1024xi32, #tpu.memory_space<hbm>>
        tpu.enqueue_dma source(%dma_start3A_206 : memref<1024xi32, #tpu.memory_space<hbm>>) target(%arg16 : memref<1024xi32, #tpu.memory_space<vmem>>) target_semaphore(%dma_start3A_203 : memref<!tpu.dma_semaphore, #tpu.memory_space<semaphore_mem>>)
      } else {
      }
      %ge3A_54 = arith.constant 0 : i32
      %ge3A_55 = arith.cmpi sge, %sub3A_41, %ge3A_54 : i32
      %lt3A_56 = arith.constant 64 : i32
      %lt3A_57 = arith.cmpi slt, %sub3A_41, %lt3A_56 : i32
      %and3A_58 = arith.andi %ge3A_55, %lt3A_57 : i1
      %convert_element_type3A_59 = arith.extui %and3A_58 : i1 to i32
      %cond3A_60 = arith.constant 0 : i32
      %cond3A_61 = arith.cmpi ne, %convert_element_type3A_59, %cond3A_60 : i32
      scf.if %cond3A_61 {
        %add3A_188 = arith.addi %mul3A_18, %sub3A_41 : i32
        %add3A_189 = arith.addi %mul3A_18, %sub3A_41 : i32
        %dma_wait3A = arith.constant 3 : i32
        %dma_wait3A_190 = arith.constant 0 : i32
        %dma_wait3A_191 = tpu.memref_slice %arg2[%add3A_188, %dma_wait3A_190] : memref<2048x1024xi32, #tpu.memory_space<hbm>> -> memref<1x1024xi32, #tpu.memory_space<hbm>>
        %dma_wait3A_192 = tpu.memref_squeeze %dma_wait3A_191 : memref<1x1024xi32, #tpu.memory_space<hbm>> -> memref<1024xi32, #tpu.memory_space<hbm>>
        %dma_wait3A_193 = tpu.memref_slice %arg28[%dma_wait3A] : memref<4x!tpu.dma_semaphore, #tpu.memory_space<semaphore_mem>> -> memref<1x!tpu.dma_semaphore, #tpu.memory_space<semaphore_mem>>
        %dma_wait3A_194 = tpu.memref_squeeze %dma_wait3A_193 : memref<1x!tpu.dma_semaphore, #tpu.memory_space<semaphore_mem>> -> memref<!tpu.dma_semaphore, #tpu.memory_space<semaphore_mem>>
        %dma_wait3A_195 = arith.constant 0 : i32
        %dma_wait3A_196 = tpu.memref_slice %arg2[%add3A_188, %dma_wait3A_195] : memref<2048x1024xi32, #tpu.memory_space<hbm>> -> memref<1x1024xi32, #tpu.memory_space<hbm>>
        %dma_wait3A_197 = tpu.memref_squeeze %dma_wait3A_196 : memref<1x1024xi32, #tpu.memory_space<hbm>> -> memref<1024xi32, #tpu.memory_space<hbm>>
        tpu.wait_dma2 semaphore(%dma_wait3A_194 : memref<!tpu.dma_semaphore, #tpu.memory_space<semaphore_mem>>) src(%dma_wait3A_197 : memref<1024xi32, #tpu.memory_space<hbm>>) dst(%arg15 : memref<1024xi32, #tpu.memory_space<vmem>>)
        %dma_wait3A_198 = arith.constant 3 : i32
        %dma_wait3A_199 = arith.constant 0 : i32
        %dma_wait3A_200 = tpu.memref_slice %arg3[%add3A_189, %dma_wait3A_199] : memref<2048x1024xi32, #tpu.memory_space<hbm>> -> memref<1x1024xi32, #tpu.memory_space<hbm>>
        %dma_wait3A_201 = tpu.memref_squeeze %dma_wait3A_200 : memref<1x1024xi32, #tpu.memory_space<hbm>> -> memref<1024xi32, #tpu.memory_space<hbm>>
        %dma_wait3A_202 = tpu.memref_slice %arg28[%dma_wait3A_198] : memref<4x!tpu.dma_semaphore, #tpu.memory_space<semaphore_mem>> -> memref<1x!tpu.dma_semaphore, #tpu.memory_space<semaphore_mem>>
        %dma_wait3A_203 = tpu.memref_squeeze %dma_wait3A_202 : memref<1x!tpu.dma_semaphore, #tpu.memory_space<semaphore_mem>> -> memref<!tpu.dma_semaphore, #tpu.memory_space<semaphore_mem>>
        %dma_wait3A_204 = arith.constant 0 : i32
        %dma_wait3A_205 = tpu.memref_slice %arg3[%add3A_189, %dma_wait3A_204] : memref<2048x1024xi32, #tpu.memory_space<hbm>> -> memref<1x1024xi32, #tpu.memory_space<hbm>>
        %dma_wait3A_206 = tpu.memref_squeeze %dma_wait3A_205 : memref<1x1024xi32, #tpu.memory_space<hbm>> -> memref<1024xi32, #tpu.memory_space<hbm>>
        tpu.wait_dma2 semaphore(%dma_wait3A_203 : memref<!tpu.dma_semaphore, #tpu.memory_space<semaphore_mem>>) src(%dma_wait3A_206 : memref<1024xi32, #tpu.memory_space<hbm>>) dst(%arg19 : memref<1024xi32, #tpu.memory_space<vmem>>)
        %dma_start3A = arith.constant 3 : i32
        %dma_start3A_207 = arith.constant 0 : i32
        %dma_start3A_208 = tpu.memref_slice %arg10[%dma_start3A_207] : memref<131072xf32, #tpu.memory_space<vmem_shared>> -> memref<131072xf32, #tpu.memory_space<vmem_shared>>
        %dma_start3A_209 = tpu.memref_slice %arg29[%dma_start3A] : memref<4x!tpu.dma_semaphore, #tpu.memory_space<semaphore_mem>> -> memref<1x!tpu.dma_semaphore, #tpu.memory_space<semaphore_mem>>
        %dma_start3A_210 = tpu.memref_squeeze %dma_start3A_209 : memref<1x!tpu.dma_semaphore, #tpu.memory_space<semaphore_mem>> -> memref<!tpu.dma_semaphore, #tpu.memory_space<semaphore_mem>>
        tpu.enqueue_indirect_dma source(%dma_start3A_208 : memref<131072xf32, #tpu.memory_space<vmem_shared>>) target(%arg23 : memref<1024xf32, #tpu.memory_space<vmem>>) offsets(%arg15 : memref<1024xi32, #tpu.memory_space<vmem>>) semaphore(%dma_start3A_210 : memref<!tpu.dma_semaphore, #tpu.memory_space<semaphore_mem>>)
        %dma_start3A_211 = arith.constant 3 : i32
        %dma_start3A_212 = arith.constant 0 : i32
        %dma_start3A_213 = tpu.memref_slice %arg11[%dma_start3A_212] : memref<131072xf32, #tpu.memory_space<vmem_shared>> -> memref<131072xf32, #tpu.memory_space<vmem_shared>>
        %dma_start3A_214 = tpu.memref_slice %arg29[%dma_start3A_211] : memref<4x!tpu.dma_semaphore, #tpu.memory_space<semaphore_mem>> -> memref<1x!tpu.dma_semaphore, #tpu.memory_space<semaphore_mem>>
        %dma_start3A_215 = tpu.memref_squeeze %dma_start3A_214 : memref<1x!tpu.dma_semaphore, #tpu.memory_space<semaphore_mem>> -> memref<!tpu.dma_semaphore, #tpu.memory_space<semaphore_mem>>
        tpu.enqueue_indirect_dma source(%dma_start3A_213 : memref<131072xf32, #tpu.memory_space<vmem_shared>>) target(%arg27 : memref<1024xf32, #tpu.memory_space<vmem>>) offsets(%arg15 : memref<1024xi32, #tpu.memory_space<vmem>>) semaphore(%dma_start3A_215 : memref<!tpu.dma_semaphore, #tpu.memory_space<semaphore_mem>>)
      } else {
      }
      %ge3A_62 = arith.constant 0 : i32
      %ge3A_63 = arith.cmpi sge, %sub3A_43, %ge3A_62 : i32
      %lt3A_64 = arith.constant 64 : i32
      %lt3A_65 = arith.cmpi slt, %sub3A_43, %lt3A_64 : i32
      %and3A_66 = arith.andi %ge3A_63, %lt3A_65 : i1
      %convert_element_type3A_67 = arith.extui %and3A_66 : i1 to i32
      %cond3A_68 = arith.constant 0 : i32
      %cond3A_69 = arith.cmpi ne, %convert_element_type3A_67, %cond3A_68 : i32
      scf.if %cond3A_69 {
        %dma_wait3A = arith.constant 0 : i32
        %dma_wait3A_188 = arith.constant 2 : i32
        %dma_wait3A_189 = arith.constant 0 : i32
        %dma_wait3A_190 = tpu.memref_slice %arg2[%dma_wait3A, %dma_wait3A_189] : memref<2048x1024xi32, #tpu.memory_space<hbm>> -> memref<1x1024xi32, #tpu.memory_space<hbm>>
        %dma_wait3A_191 = tpu.memref_squeeze %dma_wait3A_190 : memref<1x1024xi32, #tpu.memory_space<hbm>> -> memref<1024xi32, #tpu.memory_space<hbm>>
        %dma_wait3A_192 = tpu.memref_slice %arg29[%dma_wait3A_188] : memref<4x!tpu.dma_semaphore, #tpu.memory_space<semaphore_mem>> -> memref<1x!tpu.dma_semaphore, #tpu.memory_space<semaphore_mem>>
        %dma_wait3A_193 = tpu.memref_squeeze %dma_wait3A_192 : memref<1x!tpu.dma_semaphore, #tpu.memory_space<semaphore_mem>> -> memref<!tpu.dma_semaphore, #tpu.memory_space<semaphore_mem>>
        %dma_wait3A_194 = arith.constant 0 : i32
        %dma_wait3A_195 = tpu.memref_slice %arg2[%dma_wait3A, %dma_wait3A_194] : memref<2048x1024xi32, #tpu.memory_space<hbm>> -> memref<1x1024xi32, #tpu.memory_space<hbm>>
        %dma_wait3A_196 = tpu.memref_squeeze %dma_wait3A_195 : memref<1x1024xi32, #tpu.memory_space<hbm>> -> memref<1024xi32, #tpu.memory_space<hbm>>
        tpu.wait_dma2 semaphore(%dma_wait3A_193 : memref<!tpu.dma_semaphore, #tpu.memory_space<semaphore_mem>>) src(%dma_wait3A_196 : memref<1024xi32, #tpu.memory_space<hbm>>) dst(%arg14 : memref<1024xi32, #tpu.memory_space<vmem>>)
        %dma_wait3A_197 = arith.constant 0 : i32
        %dma_wait3A_198 = arith.constant 2 : i32
        %dma_wait3A_199 = arith.constant 0 : i32
        %dma_wait3A_200 = tpu.memref_slice %arg2[%dma_wait3A_197, %dma_wait3A_199] : memref<2048x1024xi32, #tpu.memory_space<hbm>> -> memref<1x1024xi32, #tpu.memory_space<hbm>>
        %dma_wait3A_201 = tpu.memref_squeeze %dma_wait3A_200 : memref<1x1024xi32, #tpu.memory_space<hbm>> -> memref<1024xi32, #tpu.memory_space<hbm>>
        %dma_wait3A_202 = tpu.memref_slice %arg29[%dma_wait3A_198] : memref<4x!tpu.dma_semaphore, #tpu.memory_space<semaphore_mem>> -> memref<1x!tpu.dma_semaphore, #tpu.memory_space<semaphore_mem>>
        %dma_wait3A_203 = tpu.memref_squeeze %dma_wait3A_202 : memref<1x!tpu.dma_semaphore, #tpu.memory_space<semaphore_mem>> -> memref<!tpu.dma_semaphore, #tpu.memory_space<semaphore_mem>>
        %dma_wait3A_204 = arith.constant 0 : i32
        %dma_wait3A_205 = tpu.memref_slice %arg2[%dma_wait3A_197, %dma_wait3A_204] : memref<2048x1024xi32, #tpu.memory_space<hbm>> -> memref<1x1024xi32, #tpu.memory_space<hbm>>
        %dma_wait3A_206 = tpu.memref_squeeze %dma_wait3A_205 : memref<1x1024xi32, #tpu.memory_space<hbm>> -> memref<1024xi32, #tpu.memory_space<hbm>>
        tpu.wait_dma2 semaphore(%dma_wait3A_203 : memref<!tpu.dma_semaphore, #tpu.memory_space<semaphore_mem>>) src(%dma_wait3A_206 : memref<1024xi32, #tpu.memory_space<hbm>>) dst(%arg14 : memref<1024xi32, #tpu.memory_space<vmem>>)
        %dma_start3A = arith.constant 2 : i32
        %dma_start3A_207 = arith.constant 0 : i32
        %dma_start3A_208 = tpu.memref_slice %arg8[%dma_start3A_207] : memref<131072xf32, #tpu.memory_space<vmem_shared>> -> memref<131072xf32, #tpu.memory_space<vmem_shared>>
        %dma_start3A_209 = tpu.memref_slice %arg30[%dma_start3A] : memref<4x!tpu.dma_semaphore, #tpu.memory_space<semaphore_mem>> -> memref<1x!tpu.dma_semaphore, #tpu.memory_space<semaphore_mem>>
        %dma_start3A_210 = tpu.memref_squeeze %dma_start3A_209 : memref<1x!tpu.dma_semaphore, #tpu.memory_space<semaphore_mem>> -> memref<!tpu.dma_semaphore, #tpu.memory_space<semaphore_mem>>
        tpu.enqueue_indirect_dma source(%arg22 : memref<1024xf32, #tpu.memory_space<vmem>>) target(%dma_start3A_208 : memref<131072xf32, #tpu.memory_space<vmem_shared>>) offsets(%arg18 : memref<1024xi32, #tpu.memory_space<vmem>>) semaphore(%dma_start3A_210 : memref<!tpu.dma_semaphore, #tpu.memory_space<semaphore_mem>>) {add = true}
        %dma_start3A_211 = arith.constant 2 : i32
        %dma_start3A_212 = arith.constant 0 : i32
        %dma_start3A_213 = tpu.memref_slice %arg9[%dma_start3A_212] : memref<131072xf32, #tpu.memory_space<vmem_shared>> -> memref<131072xf32, #tpu.memory_space<vmem_shared>>
        %dma_start3A_214 = tpu.memref_slice %arg30[%dma_start3A_211] : memref<4x!tpu.dma_semaphore, #tpu.memory_space<semaphore_mem>> -> memref<1x!tpu.dma_semaphore, #tpu.memory_space<semaphore_mem>>
        %dma_start3A_215 = tpu.memref_squeeze %dma_start3A_214 : memref<1x!tpu.dma_semaphore, #tpu.memory_space<semaphore_mem>> -> memref<!tpu.dma_semaphore, #tpu.memory_space<semaphore_mem>>
        tpu.enqueue_indirect_dma source(%arg26 : memref<1024xf32, #tpu.memory_space<vmem>>) target(%dma_start3A_213 : memref<131072xf32, #tpu.memory_space<vmem_shared>>) offsets(%arg18 : memref<1024xi32, #tpu.memory_space<vmem>>) semaphore(%dma_start3A_215 : memref<!tpu.dma_semaphore, #tpu.memory_space<semaphore_mem>>) {add = true}
      } else {
      }
      %mul3A_70 = arith.constant 4 : i32
      %mul3A_71 = arith.muli %scan3A_35, %mul3A_70 : i32
      %add3A_72 = arith.constant 1 : i32
      %add3A_73 = arith.addi %mul3A_71, %add3A_72 : i32
      %sub3A_74 = arith.constant 1 : i32
      %sub3A_75 = arith.subi %add3A_73, %sub3A_74 : i32
      %sub3A_76 = arith.constant 2 : i32
      %sub3A_77 = arith.subi %add3A_73, %sub3A_76 : i32
      %ge3A_78 = arith.constant 4 : i32
      %ge3A_79 = arith.cmpi sge, %add3A_73, %ge3A_78 : i32
      %sub3A_80 = arith.constant 4 : i32
      %sub3A_81 = arith.subi %add3A_73, %sub3A_80 : i32
      %lt3A_82 = arith.constant 64 : i32
      %lt3A_83 = arith.cmpi slt, %sub3A_81, %lt3A_82 : i32
      %and3A_84 = arith.andi %ge3A_79, %lt3A_83 : i1
      %convert_element_type3A_85 = arith.extui %and3A_84 : i1 to i32
      %cond3A_86 = arith.constant 0 : i32
      %cond3A_87 = arith.cmpi ne, %convert_element_type3A_85, %cond3A_86 : i32
      scf.if %cond3A_87 {
        %dma_wait3A = arith.constant 0 : i32
        %dma_wait3A_188 = arith.constant 1 : i32
        %dma_wait3A_189 = arith.constant 0 : i32
        %dma_wait3A_190 = tpu.memref_slice %arg2[%dma_wait3A, %dma_wait3A_189] : memref<2048x1024xi32, #tpu.memory_space<hbm>> -> memref<1x1024xi32, #tpu.memory_space<hbm>>
        %dma_wait3A_191 = tpu.memref_squeeze %dma_wait3A_190 : memref<1x1024xi32, #tpu.memory_space<hbm>> -> memref<1024xi32, #tpu.memory_space<hbm>>
        %dma_wait3A_192 = tpu.memref_slice %arg30[%dma_wait3A_188] : memref<4x!tpu.dma_semaphore, #tpu.memory_space<semaphore_mem>> -> memref<1x!tpu.dma_semaphore, #tpu.memory_space<semaphore_mem>>
        %dma_wait3A_193 = tpu.memref_squeeze %dma_wait3A_192 : memref<1x!tpu.dma_semaphore, #tpu.memory_space<semaphore_mem>> -> memref<!tpu.dma_semaphore, #tpu.memory_space<semaphore_mem>>
        %dma_wait3A_194 = arith.constant 0 : i32
        %dma_wait3A_195 = tpu.memref_slice %arg2[%dma_wait3A, %dma_wait3A_194] : memref<2048x1024xi32, #tpu.memory_space<hbm>> -> memref<1x1024xi32, #tpu.memory_space<hbm>>
        %dma_wait3A_196 = tpu.memref_squeeze %dma_wait3A_195 : memref<1x1024xi32, #tpu.memory_space<hbm>> -> memref<1024xi32, #tpu.memory_space<hbm>>
        tpu.wait_dma2 semaphore(%dma_wait3A_193 : memref<!tpu.dma_semaphore, #tpu.memory_space<semaphore_mem>>) src(%dma_wait3A_196 : memref<1024xi32, #tpu.memory_space<hbm>>) dst(%arg13 : memref<1024xi32, #tpu.memory_space<vmem>>)
        %dma_wait3A_197 = arith.constant 0 : i32
        %dma_wait3A_198 = arith.constant 1 : i32
        %dma_wait3A_199 = arith.constant 0 : i32
        %dma_wait3A_200 = tpu.memref_slice %arg2[%dma_wait3A_197, %dma_wait3A_199] : memref<2048x1024xi32, #tpu.memory_space<hbm>> -> memref<1x1024xi32, #tpu.memory_space<hbm>>
        %dma_wait3A_201 = tpu.memref_squeeze %dma_wait3A_200 : memref<1x1024xi32, #tpu.memory_space<hbm>> -> memref<1024xi32, #tpu.memory_space<hbm>>
        %dma_wait3A_202 = tpu.memref_slice %arg30[%dma_wait3A_198] : memref<4x!tpu.dma_semaphore, #tpu.memory_space<semaphore_mem>> -> memref<1x!tpu.dma_semaphore, #tpu.memory_space<semaphore_mem>>
        %dma_wait3A_203 = tpu.memref_squeeze %dma_wait3A_202 : memref<1x!tpu.dma_semaphore, #tpu.memory_space<semaphore_mem>> -> memref<!tpu.dma_semaphore, #tpu.memory_space<semaphore_mem>>
        %dma_wait3A_204 = arith.constant 0 : i32
        %dma_wait3A_205 = tpu.memref_slice %arg2[%dma_wait3A_197, %dma_wait3A_204] : memref<2048x1024xi32, #tpu.memory_space<hbm>> -> memref<1x1024xi32, #tpu.memory_space<hbm>>
        %dma_wait3A_206 = tpu.memref_squeeze %dma_wait3A_205 : memref<1x1024xi32, #tpu.memory_space<hbm>> -> memref<1024xi32, #tpu.memory_space<hbm>>
        tpu.wait_dma2 semaphore(%dma_wait3A_203 : memref<!tpu.dma_semaphore, #tpu.memory_space<semaphore_mem>>) src(%dma_wait3A_206 : memref<1024xi32, #tpu.memory_space<hbm>>) dst(%arg13 : memref<1024xi32, #tpu.memory_space<vmem>>)
      } else {
      }
      %lt3A_88 = arith.constant 64 : i32
      %lt3A_89 = arith.cmpi slt, %add3A_73, %lt3A_88 : i32
      %convert_element_type3A_90 = arith.extui %lt3A_89 : i1 to i32
      %cond3A_91 = arith.constant 0 : i32
      %cond3A_92 = arith.cmpi ne, %convert_element_type3A_90, %cond3A_91 : i32
      scf.if %cond3A_92 {
        %add3A_188 = arith.addi %mul3A_18, %add3A_73 : i32
        %add3A_189 = arith.addi %mul3A_18, %add3A_73 : i32
        %dma_start3A = arith.constant 1 : i32
        %dma_start3A_190 = arith.constant 0 : i32
        %dma_start3A_191 = tpu.memref_slice %arg2[%add3A_188, %dma_start3A_190] : memref<2048x1024xi32, #tpu.memory_space<hbm>> -> memref<1x1024xi32, #tpu.memory_space<hbm>>
        %dma_start3A_192 = tpu.memref_squeeze %dma_start3A_191 : memref<1x1024xi32, #tpu.memory_space<hbm>> -> memref<1024xi32, #tpu.memory_space<hbm>>
        %dma_start3A_193 = tpu.memref_slice %arg28[%dma_start3A] : memref<4x!tpu.dma_semaphore, #tpu.memory_space<semaphore_mem>> -> memref<1x!tpu.dma_semaphore, #tpu.memory_space<semaphore_mem>>
        %dma_start3A_194 = tpu.memref_squeeze %dma_start3A_193 : memref<1x!tpu.dma_semaphore, #tpu.memory_space<semaphore_mem>> -> memref<!tpu.dma_semaphore, #tpu.memory_space<semaphore_mem>>
        %dma_start3A_195 = arith.constant 0 : i32
        %dma_start3A_196 = tpu.memref_slice %arg2[%add3A_188, %dma_start3A_195] : memref<2048x1024xi32, #tpu.memory_space<hbm>> -> memref<1x1024xi32, #tpu.memory_space<hbm>>
        %dma_start3A_197 = tpu.memref_squeeze %dma_start3A_196 : memref<1x1024xi32, #tpu.memory_space<hbm>> -> memref<1024xi32, #tpu.memory_space<hbm>>
        tpu.enqueue_dma source(%dma_start3A_197 : memref<1024xi32, #tpu.memory_space<hbm>>) target(%arg13 : memref<1024xi32, #tpu.memory_space<vmem>>) target_semaphore(%dma_start3A_194 : memref<!tpu.dma_semaphore, #tpu.memory_space<semaphore_mem>>)
        %dma_start3A_198 = arith.constant 1 : i32
        %dma_start3A_199 = arith.constant 0 : i32
        %dma_start3A_200 = tpu.memref_slice %arg3[%add3A_189, %dma_start3A_199] : memref<2048x1024xi32, #tpu.memory_space<hbm>> -> memref<1x1024xi32, #tpu.memory_space<hbm>>
        %dma_start3A_201 = tpu.memref_squeeze %dma_start3A_200 : memref<1x1024xi32, #tpu.memory_space<hbm>> -> memref<1024xi32, #tpu.memory_space<hbm>>
        %dma_start3A_202 = tpu.memref_slice %arg28[%dma_start3A_198] : memref<4x!tpu.dma_semaphore, #tpu.memory_space<semaphore_mem>> -> memref<1x!tpu.dma_semaphore, #tpu.memory_space<semaphore_mem>>
        %dma_start3A_203 = tpu.memref_squeeze %dma_start3A_202 : memref<1x!tpu.dma_semaphore, #tpu.memory_space<semaphore_mem>> -> memref<!tpu.dma_semaphore, #tpu.memory_space<semaphore_mem>>
        %dma_start3A_204 = arith.constant 0 : i32
        %dma_start3A_205 = tpu.memref_slice %arg3[%add3A_189, %dma_start3A_204] : memref<2048x1024xi32, #tpu.memory_space<hbm>> -> memref<1x1024xi32, #tpu.memory_space<hbm>>
        %dma_start3A_206 = tpu.memref_squeeze %dma_start3A_205 : memref<1x1024xi32, #tpu.memory_space<hbm>> -> memref<1024xi32, #tpu.memory_space<hbm>>
        tpu.enqueue_dma source(%dma_start3A_206 : memref<1024xi32, #tpu.memory_space<hbm>>) target(%arg17 : memref<1024xi32, #tpu.memory_space<vmem>>) target_semaphore(%dma_start3A_203 : memref<!tpu.dma_semaphore, #tpu.memory_space<semaphore_mem>>)
      } else {
      }
      %ge3A_93 = arith.constant 0 : i32
      %ge3A_94 = arith.cmpi sge, %sub3A_75, %ge3A_93 : i32
      %lt3A_95 = arith.constant 64 : i32
      %lt3A_96 = arith.cmpi slt, %sub3A_75, %lt3A_95 : i32
      %and3A_97 = arith.andi %ge3A_94, %lt3A_96 : i1
      %convert_element_type3A_98 = arith.extui %and3A_97 : i1 to i32
      %cond3A_99 = arith.constant 0 : i32
      %cond3A_100 = arith.cmpi ne, %convert_element_type3A_98, %cond3A_99 : i32
      scf.if %cond3A_100 {
        %add3A_188 = arith.addi %mul3A_18, %sub3A_75 : i32
        %add3A_189 = arith.addi %mul3A_18, %sub3A_75 : i32
        %dma_wait3A = arith.constant 0 : i32
        %dma_wait3A_190 = arith.constant 0 : i32
        %dma_wait3A_191 = tpu.memref_slice %arg2[%add3A_188, %dma_wait3A_190] : memref<2048x1024xi32, #tpu.memory_space<hbm>> -> memref<1x1024xi32, #tpu.memory_space<hbm>>
        %dma_wait3A_192 = tpu.memref_squeeze %dma_wait3A_191 : memref<1x1024xi32, #tpu.memory_space<hbm>> -> memref<1024xi32, #tpu.memory_space<hbm>>
        %dma_wait3A_193 = tpu.memref_slice %arg28[%dma_wait3A] : memref<4x!tpu.dma_semaphore, #tpu.memory_space<semaphore_mem>> -> memref<1x!tpu.dma_semaphore, #tpu.memory_space<semaphore_mem>>
        %dma_wait3A_194 = tpu.memref_squeeze %dma_wait3A_193 : memref<1x!tpu.dma_semaphore, #tpu.memory_space<semaphore_mem>> -> memref<!tpu.dma_semaphore, #tpu.memory_space<semaphore_mem>>
        %dma_wait3A_195 = arith.constant 0 : i32
        %dma_wait3A_196 = tpu.memref_slice %arg2[%add3A_188, %dma_wait3A_195] : memref<2048x1024xi32, #tpu.memory_space<hbm>> -> memref<1x1024xi32, #tpu.memory_space<hbm>>
        %dma_wait3A_197 = tpu.memref_squeeze %dma_wait3A_196 : memref<1x1024xi32, #tpu.memory_space<hbm>> -> memref<1024xi32, #tpu.memory_space<hbm>>
        tpu.wait_dma2 semaphore(%dma_wait3A_194 : memref<!tpu.dma_semaphore, #tpu.memory_space<semaphore_mem>>) src(%dma_wait3A_197 : memref<1024xi32, #tpu.memory_space<hbm>>) dst(%arg12 : memref<1024xi32, #tpu.memory_space<vmem>>)
        %dma_wait3A_198 = arith.constant 0 : i32
        %dma_wait3A_199 = arith.constant 0 : i32
        %dma_wait3A_200 = tpu.memref_slice %arg3[%add3A_189, %dma_wait3A_199] : memref<2048x1024xi32, #tpu.memory_space<hbm>> -> memref<1x1024xi32, #tpu.memory_space<hbm>>
        %dma_wait3A_201 = tpu.memref_squeeze %dma_wait3A_200 : memref<1x1024xi32, #tpu.memory_space<hbm>> -> memref<1024xi32, #tpu.memory_space<hbm>>
        %dma_wait3A_202 = tpu.memref_slice %arg28[%dma_wait3A_198] : memref<4x!tpu.dma_semaphore, #tpu.memory_space<semaphore_mem>> -> memref<1x!tpu.dma_semaphore, #tpu.memory_space<semaphore_mem>>
        %dma_wait3A_203 = tpu.memref_squeeze %dma_wait3A_202 : memref<1x!tpu.dma_semaphore, #tpu.memory_space<semaphore_mem>> -> memref<!tpu.dma_semaphore, #tpu.memory_space<semaphore_mem>>
        %dma_wait3A_204 = arith.constant 0 : i32
        %dma_wait3A_205 = tpu.memref_slice %arg3[%add3A_189, %dma_wait3A_204] : memref<2048x1024xi32, #tpu.memory_space<hbm>> -> memref<1x1024xi32, #tpu.memory_space<hbm>>
        %dma_wait3A_206 = tpu.memref_squeeze %dma_wait3A_205 : memref<1x1024xi32, #tpu.memory_space<hbm>> -> memref<1024xi32, #tpu.memory_space<hbm>>
        tpu.wait_dma2 semaphore(%dma_wait3A_203 : memref<!tpu.dma_semaphore, #tpu.memory_space<semaphore_mem>>) src(%dma_wait3A_206 : memref<1024xi32, #tpu.memory_space<hbm>>) dst(%arg16 : memref<1024xi32, #tpu.memory_space<vmem>>)
        %dma_start3A = arith.constant 0 : i32
        %dma_start3A_207 = arith.constant 0 : i32
        %dma_start3A_208 = tpu.memref_slice %arg10[%dma_start3A_207] : memref<131072xf32, #tpu.memory_space<vmem_shared>> -> memref<131072xf32, #tpu.memory_space<vmem_shared>>
        %dma_start3A_209 = tpu.memref_slice %arg29[%dma_start3A] : memref<4x!tpu.dma_semaphore, #tpu.memory_space<semaphore_mem>> -> memref<1x!tpu.dma_semaphore, #tpu.memory_space<semaphore_mem>>
        %dma_start3A_210 = tpu.memref_squeeze %dma_start3A_209 : memref<1x!tpu.dma_semaphore, #tpu.memory_space<semaphore_mem>> -> memref<!tpu.dma_semaphore, #tpu.memory_space<semaphore_mem>>
        tpu.enqueue_indirect_dma source(%dma_start3A_208 : memref<131072xf32, #tpu.memory_space<vmem_shared>>) target(%arg20 : memref<1024xf32, #tpu.memory_space<vmem>>) offsets(%arg12 : memref<1024xi32, #tpu.memory_space<vmem>>) semaphore(%dma_start3A_210 : memref<!tpu.dma_semaphore, #tpu.memory_space<semaphore_mem>>)
        %dma_start3A_211 = arith.constant 0 : i32
        %dma_start3A_212 = arith.constant 0 : i32
        %dma_start3A_213 = tpu.memref_slice %arg11[%dma_start3A_212] : memref<131072xf32, #tpu.memory_space<vmem_shared>> -> memref<131072xf32, #tpu.memory_space<vmem_shared>>
        %dma_start3A_214 = tpu.memref_slice %arg29[%dma_start3A_211] : memref<4x!tpu.dma_semaphore, #tpu.memory_space<semaphore_mem>> -> memref<1x!tpu.dma_semaphore, #tpu.memory_space<semaphore_mem>>
        %dma_start3A_215 = tpu.memref_squeeze %dma_start3A_214 : memref<1x!tpu.dma_semaphore, #tpu.memory_space<semaphore_mem>> -> memref<!tpu.dma_semaphore, #tpu.memory_space<semaphore_mem>>
        tpu.enqueue_indirect_dma source(%dma_start3A_213 : memref<131072xf32, #tpu.memory_space<vmem_shared>>) target(%arg24 : memref<1024xf32, #tpu.memory_space<vmem>>) offsets(%arg12 : memref<1024xi32, #tpu.memory_space<vmem>>) semaphore(%dma_start3A_215 : memref<!tpu.dma_semaphore, #tpu.memory_space<semaphore_mem>>)
      } else {
      }
      %ge3A_101 = arith.constant 0 : i32
      %ge3A_102 = arith.cmpi sge, %sub3A_77, %ge3A_101 : i32
      %lt3A_103 = arith.constant 64 : i32
      %lt3A_104 = arith.cmpi slt, %sub3A_77, %lt3A_103 : i32
      %and3A_105 = arith.andi %ge3A_102, %lt3A_104 : i1
      %convert_element_type3A_106 = arith.extui %and3A_105 : i1 to i32
      %cond3A_107 = arith.constant 0 : i32
      %cond3A_108 = arith.cmpi ne, %convert_element_type3A_106, %cond3A_107 : i32
      scf.if %cond3A_108 {
        %dma_wait3A = arith.constant 0 : i32
        %dma_wait3A_188 = arith.constant 3 : i32
        %dma_wait3A_189 = arith.constant 0 : i32
        %dma_wait3A_190 = tpu.memref_slice %arg2[%dma_wait3A, %dma_wait3A_189] : memref<2048x1024xi32, #tpu.memory_space<hbm>> -> memref<1x1024xi32, #tpu.memory_space<hbm>>
        %dma_wait3A_191 = tpu.memref_squeeze %dma_wait3A_190 : memref<1x1024xi32, #tpu.memory_space<hbm>> -> memref<1024xi32, #tpu.memory_space<hbm>>
        %dma_wait3A_192 = tpu.memref_slice %arg29[%dma_wait3A_188] : memref<4x!tpu.dma_semaphore, #tpu.memory_space<semaphore_mem>> -> memref<1x!tpu.dma_semaphore, #tpu.memory_space<semaphore_mem>>
        %dma_wait3A_193 = tpu.memref_squeeze %dma_wait3A_192 : memref<1x!tpu.dma_semaphore, #tpu.memory_space<semaphore_mem>> -> memref<!tpu.dma_semaphore, #tpu.memory_space<semaphore_mem>>
        %dma_wait3A_194 = arith.constant 0 : i32
        %dma_wait3A_195 = tpu.memref_slice %arg2[%dma_wait3A, %dma_wait3A_194] : memref<2048x1024xi32, #tpu.memory_space<hbm>> -> memref<1x1024xi32, #tpu.memory_space<hbm>>
        %dma_wait3A_196 = tpu.memref_squeeze %dma_wait3A_195 : memref<1x1024xi32, #tpu.memory_space<hbm>> -> memref<1024xi32, #tpu.memory_space<hbm>>
        tpu.wait_dma2 semaphore(%dma_wait3A_193 : memref<!tpu.dma_semaphore, #tpu.memory_space<semaphore_mem>>) src(%dma_wait3A_196 : memref<1024xi32, #tpu.memory_space<hbm>>) dst(%arg15 : memref<1024xi32, #tpu.memory_space<vmem>>)
        %dma_wait3A_197 = arith.constant 0 : i32
        %dma_wait3A_198 = arith.constant 3 : i32
        %dma_wait3A_199 = arith.constant 0 : i32
        %dma_wait3A_200 = tpu.memref_slice %arg2[%dma_wait3A_197, %dma_wait3A_199] : memref<2048x1024xi32, #tpu.memory_space<hbm>> -> memref<1x1024xi32, #tpu.memory_space<hbm>>
        %dma_wait3A_201 = tpu.memref_squeeze %dma_wait3A_200 : memref<1x1024xi32, #tpu.memory_space<hbm>> -> memref<1024xi32, #tpu.memory_space<hbm>>
        %dma_wait3A_202 = tpu.memref_slice %arg29[%dma_wait3A_198] : memref<4x!tpu.dma_semaphore, #tpu.memory_space<semaphore_mem>> -> memref<1x!tpu.dma_semaphore, #tpu.memory_space<semaphore_mem>>
        %dma_wait3A_203 = tpu.memref_squeeze %dma_wait3A_202 : memref<1x!tpu.dma_semaphore, #tpu.memory_space<semaphore_mem>> -> memref<!tpu.dma_semaphore, #tpu.memory_space<semaphore_mem>>
        %dma_wait3A_204 = arith.constant 0 : i32
        %dma_wait3A_205 = tpu.memref_slice %arg2[%dma_wait3A_197, %dma_wait3A_204] : memref<2048x1024xi32, #tpu.memory_space<hbm>> -> memref<1x1024xi32, #tpu.memory_space<hbm>>
        %dma_wait3A_206 = tpu.memref_squeeze %dma_wait3A_205 : memref<1x1024xi32, #tpu.memory_space<hbm>> -> memref<1024xi32, #tpu.memory_space<hbm>>
        tpu.wait_dma2 semaphore(%dma_wait3A_203 : memref<!tpu.dma_semaphore, #tpu.memory_space<semaphore_mem>>) src(%dma_wait3A_206 : memref<1024xi32, #tpu.memory_space<hbm>>) dst(%arg15 : memref<1024xi32, #tpu.memory_space<vmem>>)
        %dma_start3A = arith.constant 3 : i32
        %dma_start3A_207 = arith.constant 0 : i32
        %dma_start3A_208 = tpu.memref_slice %arg8[%dma_start3A_207] : memref<131072xf32, #tpu.memory_space<vmem_shared>> -> memref<131072xf32, #tpu.memory_space<vmem_shared>>
        %dma_start3A_209 = tpu.memref_slice %arg30[%dma_start3A] : memref<4x!tpu.dma_semaphore, #tpu.memory_space<semaphore_mem>> -> memref<1x!tpu.dma_semaphore, #tpu.memory_space<semaphore_mem>>
        %dma_start3A_210 = tpu.memref_squeeze %dma_start3A_209 : memref<1x!tpu.dma_semaphore, #tpu.memory_space<semaphore_mem>> -> memref<!tpu.dma_semaphore, #tpu.memory_space<semaphore_mem>>
        tpu.enqueue_indirect_dma source(%arg23 : memref<1024xf32, #tpu.memory_space<vmem>>) target(%dma_start3A_208 : memref<131072xf32, #tpu.memory_space<vmem_shared>>) offsets(%arg19 : memref<1024xi32, #tpu.memory_space<vmem>>) semaphore(%dma_start3A_210 : memref<!tpu.dma_semaphore, #tpu.memory_space<semaphore_mem>>) {add = true}
        %dma_start3A_211 = arith.constant 3 : i32
        %dma_start3A_212 = arith.constant 0 : i32
        %dma_start3A_213 = tpu.memref_slice %arg9[%dma_start3A_212] : memref<131072xf32, #tpu.memory_space<vmem_shared>> -> memref<131072xf32, #tpu.memory_space<vmem_shared>>
        %dma_start3A_214 = tpu.memref_slice %arg30[%dma_start3A_211] : memref<4x!tpu.dma_semaphore, #tpu.memory_space<semaphore_mem>> -> memref<1x!tpu.dma_semaphore, #tpu.memory_space<semaphore_mem>>
        %dma_start3A_215 = tpu.memref_squeeze %dma_start3A_214 : memref<1x!tpu.dma_semaphore, #tpu.memory_space<semaphore_mem>> -> memref<!tpu.dma_semaphore, #tpu.memory_space<semaphore_mem>>
        tpu.enqueue_indirect_dma source(%arg27 : memref<1024xf32, #tpu.memory_space<vmem>>) target(%dma_start3A_213 : memref<131072xf32, #tpu.memory_space<vmem_shared>>) offsets(%arg19 : memref<1024xi32, #tpu.memory_space<vmem>>) semaphore(%dma_start3A_215 : memref<!tpu.dma_semaphore, #tpu.memory_space<semaphore_mem>>) {add = true}
      } else {
      }
      %mul3A_109 = arith.constant 4 : i32
      %mul3A_110 = arith.muli %scan3A_35, %mul3A_109 : i32
      %add3A_111 = arith.constant 2 : i32
      %add3A_112 = arith.addi %mul3A_110, %add3A_111 : i32
      %sub3A_113 = arith.constant 1 : i32
      %sub3A_114 = arith.subi %add3A_112, %sub3A_113 : i32
      %sub3A_115 = arith.constant 2 : i32
      %sub3A_116 = arith.subi %add3A_112, %sub3A_115 : i32
      %ge3A_117 = arith.constant 4 : i32
      %ge3A_118 = arith.cmpi sge, %add3A_112, %ge3A_117 : i32
      %sub3A_119 = arith.constant 4 : i32
      %sub3A_120 = arith.subi %add3A_112, %sub3A_119 : i32
      %lt3A_121 = arith.constant 64 : i32
      %lt3A_122 = arith.cmpi slt, %sub3A_120, %lt3A_121 : i32
      %and3A_123 = arith.andi %ge3A_118, %lt3A_122 : i1
      %convert_element_type3A_124 = arith.extui %and3A_123 : i1 to i32
      %cond3A_125 = arith.constant 0 : i32
      %cond3A_126 = arith.cmpi ne, %convert_element_type3A_124, %cond3A_125 : i32
      scf.if %cond3A_126 {
        %dma_wait3A = arith.constant 0 : i32
        %dma_wait3A_188 = arith.constant 2 : i32
        %dma_wait3A_189 = arith.constant 0 : i32
        %dma_wait3A_190 = tpu.memref_slice %arg2[%dma_wait3A, %dma_wait3A_189] : memref<2048x1024xi32, #tpu.memory_space<hbm>> -> memref<1x1024xi32, #tpu.memory_space<hbm>>
        %dma_wait3A_191 = tpu.memref_squeeze %dma_wait3A_190 : memref<1x1024xi32, #tpu.memory_space<hbm>> -> memref<1024xi32, #tpu.memory_space<hbm>>
        %dma_wait3A_192 = tpu.memref_slice %arg30[%dma_wait3A_188] : memref<4x!tpu.dma_semaphore, #tpu.memory_space<semaphore_mem>> -> memref<1x!tpu.dma_semaphore, #tpu.memory_space<semaphore_mem>>
        %dma_wait3A_193 = tpu.memref_squeeze %dma_wait3A_192 : memref<1x!tpu.dma_semaphore, #tpu.memory_space<semaphore_mem>> -> memref<!tpu.dma_semaphore, #tpu.memory_space<semaphore_mem>>
        %dma_wait3A_194 = arith.constant 0 : i32
        %dma_wait3A_195 = tpu.memref_slice %arg2[%dma_wait3A, %dma_wait3A_194] : memref<2048x1024xi32, #tpu.memory_space<hbm>> -> memref<1x1024xi32, #tpu.memory_space<hbm>>
        %dma_wait3A_196 = tpu.memref_squeeze %dma_wait3A_195 : memref<1x1024xi32, #tpu.memory_space<hbm>> -> memref<1024xi32, #tpu.memory_space<hbm>>
        tpu.wait_dma2 semaphore(%dma_wait3A_193 : memref<!tpu.dma_semaphore, #tpu.memory_space<semaphore_mem>>) src(%dma_wait3A_196 : memref<1024xi32, #tpu.memory_space<hbm>>) dst(%arg14 : memref<1024xi32, #tpu.memory_space<vmem>>)
        %dma_wait3A_197 = arith.constant 0 : i32
        %dma_wait3A_198 = arith.constant 2 : i32
        %dma_wait3A_199 = arith.constant 0 : i32
        %dma_wait3A_200 = tpu.memref_slice %arg2[%dma_wait3A_197, %dma_wait3A_199] : memref<2048x1024xi32, #tpu.memory_space<hbm>> -> memref<1x1024xi32, #tpu.memory_space<hbm>>
        %dma_wait3A_201 = tpu.memref_squeeze %dma_wait3A_200 : memref<1x1024xi32, #tpu.memory_space<hbm>> -> memref<1024xi32, #tpu.memory_space<hbm>>
        %dma_wait3A_202 = tpu.memref_slice %arg30[%dma_wait3A_198] : memref<4x!tpu.dma_semaphore, #tpu.memory_space<semaphore_mem>> -> memref<1x!tpu.dma_semaphore, #tpu.memory_space<semaphore_mem>>
        %dma_wait3A_203 = tpu.memref_squeeze %dma_wait3A_202 : memref<1x!tpu.dma_semaphore, #tpu.memory_space<semaphore_mem>> -> memref<!tpu.dma_semaphore, #tpu.memory_space<semaphore_mem>>
        %dma_wait3A_204 = arith.constant 0 : i32
        %dma_wait3A_205 = tpu.memref_slice %arg2[%dma_wait3A_197, %dma_wait3A_204] : memref<2048x1024xi32, #tpu.memory_space<hbm>> -> memref<1x1024xi32, #tpu.memory_space<hbm>>
        %dma_wait3A_206 = tpu.memref_squeeze %dma_wait3A_205 : memref<1x1024xi32, #tpu.memory_space<hbm>> -> memref<1024xi32, #tpu.memory_space<hbm>>
        tpu.wait_dma2 semaphore(%dma_wait3A_203 : memref<!tpu.dma_semaphore, #tpu.memory_space<semaphore_mem>>) src(%dma_wait3A_206 : memref<1024xi32, #tpu.memory_space<hbm>>) dst(%arg14 : memref<1024xi32, #tpu.memory_space<vmem>>)
      } else {
      }
      %lt3A_127 = arith.constant 64 : i32
      %lt3A_128 = arith.cmpi slt, %add3A_112, %lt3A_127 : i32
      %convert_element_type3A_129 = arith.extui %lt3A_128 : i1 to i32
      %cond3A_130 = arith.constant 0 : i32
      %cond3A_131 = arith.cmpi ne, %convert_element_type3A_129, %cond3A_130 : i32
      scf.if %cond3A_131 {
        %add3A_188 = arith.addi %mul3A_18, %add3A_112 : i32
        %add3A_189 = arith.addi %mul3A_18, %add3A_112 : i32
        %dma_start3A = arith.constant 2 : i32
        %dma_start3A_190 = arith.constant 0 : i32
        %dma_start3A_191 = tpu.memref_slice %arg2[%add3A_188, %dma_start3A_190] : memref<2048x1024xi32, #tpu.memory_space<hbm>> -> memref<1x1024xi32, #tpu.memory_space<hbm>>
        %dma_start3A_192 = tpu.memref_squeeze %dma_start3A_191 : memref<1x1024xi32, #tpu.memory_space<hbm>> -> memref<1024xi32, #tpu.memory_space<hbm>>
        %dma_start3A_193 = tpu.memref_slice %arg28[%dma_start3A] : memref<4x!tpu.dma_semaphore, #tpu.memory_space<semaphore_mem>> -> memref<1x!tpu.dma_semaphore, #tpu.memory_space<semaphore_mem>>
        %dma_start3A_194 = tpu.memref_squeeze %dma_start3A_193 : memref<1x!tpu.dma_semaphore, #tpu.memory_space<semaphore_mem>> -> memref<!tpu.dma_semaphore, #tpu.memory_space<semaphore_mem>>
        %dma_start3A_195 = arith.constant 0 : i32
        %dma_start3A_196 = tpu.memref_slice %arg2[%add3A_188, %dma_start3A_195] : memref<2048x1024xi32, #tpu.memory_space<hbm>> -> memref<1x1024xi32, #tpu.memory_space<hbm>>
        %dma_start3A_197 = tpu.memref_squeeze %dma_start3A_196 : memref<1x1024xi32, #tpu.memory_space<hbm>> -> memref<1024xi32, #tpu.memory_space<hbm>>
        tpu.enqueue_dma source(%dma_start3A_197 : memref<1024xi32, #tpu.memory_space<hbm>>) target(%arg14 : memref<1024xi32, #tpu.memory_space<vmem>>) target_semaphore(%dma_start3A_194 : memref<!tpu.dma_semaphore, #tpu.memory_space<semaphore_mem>>)
        %dma_start3A_198 = arith.constant 2 : i32
        %dma_start3A_199 = arith.constant 0 : i32
        %dma_start3A_200 = tpu.memref_slice %arg3[%add3A_189, %dma_start3A_199] : memref<2048x1024xi32, #tpu.memory_space<hbm>> -> memref<1x1024xi32, #tpu.memory_space<hbm>>
        %dma_start3A_201 = tpu.memref_squeeze %dma_start3A_200 : memref<1x1024xi32, #tpu.memory_space<hbm>> -> memref<1024xi32, #tpu.memory_space<hbm>>
        %dma_start3A_202 = tpu.memref_slice %arg28[%dma_start3A_198] : memref<4x!tpu.dma_semaphore, #tpu.memory_space<semaphore_mem>> -> memref<1x!tpu.dma_semaphore, #tpu.memory_space<semaphore_mem>>
        %dma_start3A_203 = tpu.memref_squeeze %dma_start3A_202 : memref<1x!tpu.dma_semaphore, #tpu.memory_space<semaphore_mem>> -> memref<!tpu.dma_semaphore, #tpu.memory_space<semaphore_mem>>
        %dma_start3A_204 = arith.constant 0 : i32
        %dma_start3A_205 = tpu.memref_slice %arg3[%add3A_189, %dma_start3A_204] : memref<2048x1024xi32, #tpu.memory_space<hbm>> -> memref<1x1024xi32, #tpu.memory_space<hbm>>
        %dma_start3A_206 = tpu.memref_squeeze %dma_start3A_205 : memref<1x1024xi32, #tpu.memory_space<hbm>> -> memref<1024xi32, #tpu.memory_space<hbm>>
        tpu.enqueue_dma source(%dma_start3A_206 : memref<1024xi32, #tpu.memory_space<hbm>>) target(%arg18 : memref<1024xi32, #tpu.memory_space<vmem>>) target_semaphore(%dma_start3A_203 : memref<!tpu.dma_semaphore, #tpu.memory_space<semaphore_mem>>)
      } else {
      }
      %ge3A_132 = arith.constant 0 : i32
      %ge3A_133 = arith.cmpi sge, %sub3A_114, %ge3A_132 : i32
      %lt3A_134 = arith.constant 64 : i32
      %lt3A_135 = arith.cmpi slt, %sub3A_114, %lt3A_134 : i32
      %and3A_136 = arith.andi %ge3A_133, %lt3A_135 : i1
      %convert_element_type3A_137 = arith.extui %and3A_136 : i1 to i32
      %cond3A_138 = arith.constant 0 : i32
      %cond3A_139 = arith.cmpi ne, %convert_element_type3A_137, %cond3A_138 : i32
      scf.if %cond3A_139 {
        %add3A_188 = arith.addi %mul3A_18, %sub3A_114 : i32
        %add3A_189 = arith.addi %mul3A_18, %sub3A_114 : i32
        %dma_wait3A = arith.constant 1 : i32
        %dma_wait3A_190 = arith.constant 0 : i32
        %dma_wait3A_191 = tpu.memref_slice %arg2[%add3A_188, %dma_wait3A_190] : memref<2048x1024xi32, #tpu.memory_space<hbm>> -> memref<1x1024xi32, #tpu.memory_space<hbm>>
        %dma_wait3A_192 = tpu.memref_squeeze %dma_wait3A_191 : memref<1x1024xi32, #tpu.memory_space<hbm>> -> memref<1024xi32, #tpu.memory_space<hbm>>
        %dma_wait3A_193 = tpu.memref_slice %arg28[%dma_wait3A] : memref<4x!tpu.dma_semaphore, #tpu.memory_space<semaphore_mem>> -> memref<1x!tpu.dma_semaphore, #tpu.memory_space<semaphore_mem>>
        %dma_wait3A_194 = tpu.memref_squeeze %dma_wait3A_193 : memref<1x!tpu.dma_semaphore, #tpu.memory_space<semaphore_mem>> -> memref<!tpu.dma_semaphore, #tpu.memory_space<semaphore_mem>>
        %dma_wait3A_195 = arith.constant 0 : i32
        %dma_wait3A_196 = tpu.memref_slice %arg2[%add3A_188, %dma_wait3A_195] : memref<2048x1024xi32, #tpu.memory_space<hbm>> -> memref<1x1024xi32, #tpu.memory_space<hbm>>
        %dma_wait3A_197 = tpu.memref_squeeze %dma_wait3A_196 : memref<1x1024xi32, #tpu.memory_space<hbm>> -> memref<1024xi32, #tpu.memory_space<hbm>>
        tpu.wait_dma2 semaphore(%dma_wait3A_194 : memref<!tpu.dma_semaphore, #tpu.memory_space<semaphore_mem>>) src(%dma_wait3A_197 : memref<1024xi32, #tpu.memory_space<hbm>>) dst(%arg13 : memref<1024xi32, #tpu.memory_space<vmem>>)
        %dma_wait3A_198 = arith.constant 1 : i32
        %dma_wait3A_199 = arith.constant 0 : i32
        %dma_wait3A_200 = tpu.memref_slice %arg3[%add3A_189, %dma_wait3A_199] : memref<2048x1024xi32, #tpu.memory_space<hbm>> -> memref<1x1024xi32, #tpu.memory_space<hbm>>
        %dma_wait3A_201 = tpu.memref_squeeze %dma_wait3A_200 : memref<1x1024xi32, #tpu.memory_space<hbm>> -> memref<1024xi32, #tpu.memory_space<hbm>>
        %dma_wait3A_202 = tpu.memref_slice %arg28[%dma_wait3A_198] : memref<4x!tpu.dma_semaphore, #tpu.memory_space<semaphore_mem>> -> memref<1x!tpu.dma_semaphore, #tpu.memory_space<semaphore_mem>>
        %dma_wait3A_203 = tpu.memref_squeeze %dma_wait3A_202 : memref<1x!tpu.dma_semaphore, #tpu.memory_space<semaphore_mem>> -> memref<!tpu.dma_semaphore, #tpu.memory_space<semaphore_mem>>
        %dma_wait3A_204 = arith.constant 0 : i32
        %dma_wait3A_205 = tpu.memref_slice %arg3[%add3A_189, %dma_wait3A_204] : memref<2048x1024xi32, #tpu.memory_space<hbm>> -> memref<1x1024xi32, #tpu.memory_space<hbm>>
        %dma_wait3A_206 = tpu.memref_squeeze %dma_wait3A_205 : memref<1x1024xi32, #tpu.memory_space<hbm>> -> memref<1024xi32, #tpu.memory_space<hbm>>
        tpu.wait_dma2 semaphore(%dma_wait3A_203 : memref<!tpu.dma_semaphore, #tpu.memory_space<semaphore_mem>>) src(%dma_wait3A_206 : memref<1024xi32, #tpu.memory_space<hbm>>) dst(%arg17 : memref<1024xi32, #tpu.memory_space<vmem>>)
        %dma_start3A = arith.constant 1 : i32
        %dma_start3A_207 = arith.constant 0 : i32
        %dma_start3A_208 = tpu.memref_slice %arg10[%dma_start3A_207] : memref<131072xf32, #tpu.memory_space<vmem_shared>> -> memref<131072xf32, #tpu.memory_space<vmem_shared>>
        %dma_start3A_209 = tpu.memref_slice %arg29[%dma_start3A] : memref<4x!tpu.dma_semaphore, #tpu.memory_space<semaphore_mem>> -> memref<1x!tpu.dma_semaphore, #tpu.memory_space<semaphore_mem>>
        %dma_start3A_210 = tpu.memref_squeeze %dma_start3A_209 : memref<1x!tpu.dma_semaphore, #tpu.memory_space<semaphore_mem>> -> memref<!tpu.dma_semaphore, #tpu.memory_space<semaphore_mem>>
        tpu.enqueue_indirect_dma source(%dma_start3A_208 : memref<131072xf32, #tpu.memory_space<vmem_shared>>) target(%arg21 : memref<1024xf32, #tpu.memory_space<vmem>>) offsets(%arg13 : memref<1024xi32, #tpu.memory_space<vmem>>) semaphore(%dma_start3A_210 : memref<!tpu.dma_semaphore, #tpu.memory_space<semaphore_mem>>)
        %dma_start3A_211 = arith.constant 1 : i32
        %dma_start3A_212 = arith.constant 0 : i32
        %dma_start3A_213 = tpu.memref_slice %arg11[%dma_start3A_212] : memref<131072xf32, #tpu.memory_space<vmem_shared>> -> memref<131072xf32, #tpu.memory_space<vmem_shared>>
        %dma_start3A_214 = tpu.memref_slice %arg29[%dma_start3A_211] : memref<4x!tpu.dma_semaphore, #tpu.memory_space<semaphore_mem>> -> memref<1x!tpu.dma_semaphore, #tpu.memory_space<semaphore_mem>>
        %dma_start3A_215 = tpu.memref_squeeze %dma_start3A_214 : memref<1x!tpu.dma_semaphore, #tpu.memory_space<semaphore_mem>> -> memref<!tpu.dma_semaphore, #tpu.memory_space<semaphore_mem>>
        tpu.enqueue_indirect_dma source(%dma_start3A_213 : memref<131072xf32, #tpu.memory_space<vmem_shared>>) target(%arg25 : memref<1024xf32, #tpu.memory_space<vmem>>) offsets(%arg13 : memref<1024xi32, #tpu.memory_space<vmem>>) semaphore(%dma_start3A_215 : memref<!tpu.dma_semaphore, #tpu.memory_space<semaphore_mem>>)
      } else {
      }
      %ge3A_140 = arith.constant 0 : i32
      %ge3A_141 = arith.cmpi sge, %sub3A_116, %ge3A_140 : i32
      %lt3A_142 = arith.constant 64 : i32
      %lt3A_143 = arith.cmpi slt, %sub3A_116, %lt3A_142 : i32
      %and3A_144 = arith.andi %ge3A_141, %lt3A_143 : i1
      %convert_element_type3A_145 = arith.extui %and3A_144 : i1 to i32
      %cond3A_146 = arith.constant 0 : i32
      %cond3A_147 = arith.cmpi ne, %convert_element_type3A_145, %cond3A_146 : i32
      scf.if %cond3A_147 {
        %dma_wait3A = arith.constant 0 : i32
        %dma_wait3A_188 = arith.constant 0 : i32
        %dma_wait3A_189 = arith.constant 0 : i32
        %dma_wait3A_190 = tpu.memref_slice %arg2[%dma_wait3A, %dma_wait3A_189] : memref<2048x1024xi32, #tpu.memory_space<hbm>> -> memref<1x1024xi32, #tpu.memory_space<hbm>>
        %dma_wait3A_191 = tpu.memref_squeeze %dma_wait3A_190 : memref<1x1024xi32, #tpu.memory_space<hbm>> -> memref<1024xi32, #tpu.memory_space<hbm>>
        %dma_wait3A_192 = tpu.memref_slice %arg29[%dma_wait3A_188] : memref<4x!tpu.dma_semaphore, #tpu.memory_space<semaphore_mem>> -> memref<1x!tpu.dma_semaphore, #tpu.memory_space<semaphore_mem>>
        %dma_wait3A_193 = tpu.memref_squeeze %dma_wait3A_192 : memref<1x!tpu.dma_semaphore, #tpu.memory_space<semaphore_mem>> -> memref<!tpu.dma_semaphore, #tpu.memory_space<semaphore_mem>>
        %dma_wait3A_194 = arith.constant 0 : i32
        %dma_wait3A_195 = tpu.memref_slice %arg2[%dma_wait3A, %dma_wait3A_194] : memref<2048x1024xi32, #tpu.memory_space<hbm>> -> memref<1x1024xi32, #tpu.memory_space<hbm>>
        %dma_wait3A_196 = tpu.memref_squeeze %dma_wait3A_195 : memref<1x1024xi32, #tpu.memory_space<hbm>> -> memref<1024xi32, #tpu.memory_space<hbm>>
        tpu.wait_dma2 semaphore(%dma_wait3A_193 : memref<!tpu.dma_semaphore, #tpu.memory_space<semaphore_mem>>) src(%dma_wait3A_196 : memref<1024xi32, #tpu.memory_space<hbm>>) dst(%arg12 : memref<1024xi32, #tpu.memory_space<vmem>>)
        %dma_wait3A_197 = arith.constant 0 : i32
        %dma_wait3A_198 = arith.constant 0 : i32
        %dma_wait3A_199 = arith.constant 0 : i32
        %dma_wait3A_200 = tpu.memref_slice %arg2[%dma_wait3A_197, %dma_wait3A_199] : memref<2048x1024xi32, #tpu.memory_space<hbm>> -> memref<1x1024xi32, #tpu.memory_space<hbm>>
        %dma_wait3A_201 = tpu.memref_squeeze %dma_wait3A_200 : memref<1x1024xi32, #tpu.memory_space<hbm>> -> memref<1024xi32, #tpu.memory_space<hbm>>
        %dma_wait3A_202 = tpu.memref_slice %arg29[%dma_wait3A_198] : memref<4x!tpu.dma_semaphore, #tpu.memory_space<semaphore_mem>> -> memref<1x!tpu.dma_semaphore, #tpu.memory_space<semaphore_mem>>
        %dma_wait3A_203 = tpu.memref_squeeze %dma_wait3A_202 : memref<1x!tpu.dma_semaphore, #tpu.memory_space<semaphore_mem>> -> memref<!tpu.dma_semaphore, #tpu.memory_space<semaphore_mem>>
        %dma_wait3A_204 = arith.constant 0 : i32
        %dma_wait3A_205 = tpu.memref_slice %arg2[%dma_wait3A_197, %dma_wait3A_204] : memref<2048x1024xi32, #tpu.memory_space<hbm>> -> memref<1x1024xi32, #tpu.memory_space<hbm>>
        %dma_wait3A_206 = tpu.memref_squeeze %dma_wait3A_205 : memref<1x1024xi32, #tpu.memory_space<hbm>> -> memref<1024xi32, #tpu.memory_space<hbm>>
        tpu.wait_dma2 semaphore(%dma_wait3A_203 : memref<!tpu.dma_semaphore, #tpu.memory_space<semaphore_mem>>) src(%dma_wait3A_206 : memref<1024xi32, #tpu.memory_space<hbm>>) dst(%arg12 : memref<1024xi32, #tpu.memory_space<vmem>>)
        %dma_start3A = arith.constant 0 : i32
        %dma_start3A_207 = arith.constant 0 : i32
        %dma_start3A_208 = tpu.memref_slice %arg8[%dma_start3A_207] : memref<131072xf32, #tpu.memory_space<vmem_shared>> -> memref<131072xf32, #tpu.memory_space<vmem_shared>>
        %dma_start3A_209 = tpu.memref_slice %arg30[%dma_start3A] : memref<4x!tpu.dma_semaphore, #tpu.memory_space<semaphore_mem>> -> memref<1x!tpu.dma_semaphore, #tpu.memory_space<semaphore_mem>>
        %dma_start3A_210 = tpu.memref_squeeze %dma_start3A_209 : memref<1x!tpu.dma_semaphore, #tpu.memory_space<semaphore_mem>> -> memref<!tpu.dma_semaphore, #tpu.memory_space<semaphore_mem>>
        tpu.enqueue_indirect_dma source(%arg20 : memref<1024xf32, #tpu.memory_space<vmem>>) target(%dma_start3A_208 : memref<131072xf32, #tpu.memory_space<vmem_shared>>) offsets(%arg16 : memref<1024xi32, #tpu.memory_space<vmem>>) semaphore(%dma_start3A_210 : memref<!tpu.dma_semaphore, #tpu.memory_space<semaphore_mem>>) {add = true}
        %dma_start3A_211 = arith.constant 0 : i32
        %dma_start3A_212 = arith.constant 0 : i32
        %dma_start3A_213 = tpu.memref_slice %arg9[%dma_start3A_212] : memref<131072xf32, #tpu.memory_space<vmem_shared>> -> memref<131072xf32, #tpu.memory_space<vmem_shared>>
        %dma_start3A_214 = tpu.memref_slice %arg30[%dma_start3A_211] : memref<4x!tpu.dma_semaphore, #tpu.memory_space<semaphore_mem>> -> memref<1x!tpu.dma_semaphore, #tpu.memory_space<semaphore_mem>>
        %dma_start3A_215 = tpu.memref_squeeze %dma_start3A_214 : memref<1x!tpu.dma_semaphore, #tpu.memory_space<semaphore_mem>> -> memref<!tpu.dma_semaphore, #tpu.memory_space<semaphore_mem>>
        tpu.enqueue_indirect_dma source(%arg24 : memref<1024xf32, #tpu.memory_space<vmem>>) target(%dma_start3A_213 : memref<131072xf32, #tpu.memory_space<vmem_shared>>) offsets(%arg16 : memref<1024xi32, #tpu.memory_space<vmem>>) semaphore(%dma_start3A_215 : memref<!tpu.dma_semaphore, #tpu.memory_space<semaphore_mem>>) {add = true}
      } else {
      }
      %mul3A_148 = arith.constant 4 : i32
      %mul3A_149 = arith.muli %scan3A_35, %mul3A_148 : i32
      %add3A_150 = arith.constant 3 : i32
      %add3A_151 = arith.addi %mul3A_149, %add3A_150 : i32
      %sub3A_152 = arith.constant 1 : i32
      %sub3A_153 = arith.subi %add3A_151, %sub3A_152 : i32
      %sub3A_154 = arith.constant 2 : i32
      %sub3A_155 = arith.subi %add3A_151, %sub3A_154 : i32
      %ge3A_156 = arith.constant 4 : i32
      %ge3A_157 = arith.cmpi sge, %add3A_151, %ge3A_156 : i32
      %sub3A_158 = arith.constant 4 : i32
      %sub3A_159 = arith.subi %add3A_151, %sub3A_158 : i32
      %lt3A_160 = arith.constant 64 : i32
      %lt3A_161 = arith.cmpi slt, %sub3A_159, %lt3A_160 : i32
      %and3A_162 = arith.andi %ge3A_157, %lt3A_161 : i1
      %convert_element_type3A_163 = arith.extui %and3A_162 : i1 to i32
      %cond3A_164 = arith.constant 0 : i32
      %cond3A_165 = arith.cmpi ne, %convert_element_type3A_163, %cond3A_164 : i32
      scf.if %cond3A_165 {
        %dma_wait3A = arith.constant 0 : i32
        %dma_wait3A_188 = arith.constant 3 : i32
        %dma_wait3A_189 = arith.constant 0 : i32
        %dma_wait3A_190 = tpu.memref_slice %arg2[%dma_wait3A, %dma_wait3A_189] : memref<2048x1024xi32, #tpu.memory_space<hbm>> -> memref<1x1024xi32, #tpu.memory_space<hbm>>
        %dma_wait3A_191 = tpu.memref_squeeze %dma_wait3A_190 : memref<1x1024xi32, #tpu.memory_space<hbm>> -> memref<1024xi32, #tpu.memory_space<hbm>>
        %dma_wait3A_192 = tpu.memref_slice %arg30[%dma_wait3A_188] : memref<4x!tpu.dma_semaphore, #tpu.memory_space<semaphore_mem>> -> memref<1x!tpu.dma_semaphore, #tpu.memory_space<semaphore_mem>>
        %dma_wait3A_193 = tpu.memref_squeeze %dma_wait3A_192 : memref<1x!tpu.dma_semaphore, #tpu.memory_space<semaphore_mem>> -> memref<!tpu.dma_semaphore, #tpu.memory_space<semaphore_mem>>
        %dma_wait3A_194 = arith.constant 0 : i32
        %dma_wait3A_195 = tpu.memref_slice %arg2[%dma_wait3A, %dma_wait3A_194] : memref<2048x1024xi32, #tpu.memory_space<hbm>> -> memref<1x1024xi32, #tpu.memory_space<hbm>>
        %dma_wait3A_196 = tpu.memref_squeeze %dma_wait3A_195 : memref<1x1024xi32, #tpu.memory_space<hbm>> -> memref<1024xi32, #tpu.memory_space<hbm>>
        tpu.wait_dma2 semaphore(%dma_wait3A_193 : memref<!tpu.dma_semaphore, #tpu.memory_space<semaphore_mem>>) src(%dma_wait3A_196 : memref<1024xi32, #tpu.memory_space<hbm>>) dst(%arg15 : memref<1024xi32, #tpu.memory_space<vmem>>)
        %dma_wait3A_197 = arith.constant 0 : i32
        %dma_wait3A_198 = arith.constant 3 : i32
        %dma_wait3A_199 = arith.constant 0 : i32
        %dma_wait3A_200 = tpu.memref_slice %arg2[%dma_wait3A_197, %dma_wait3A_199] : memref<2048x1024xi32, #tpu.memory_space<hbm>> -> memref<1x1024xi32, #tpu.memory_space<hbm>>
        %dma_wait3A_201 = tpu.memref_squeeze %dma_wait3A_200 : memref<1x1024xi32, #tpu.memory_space<hbm>> -> memref<1024xi32, #tpu.memory_space<hbm>>
        %dma_wait3A_202 = tpu.memref_slice %arg30[%dma_wait3A_198] : memref<4x!tpu.dma_semaphore, #tpu.memory_space<semaphore_mem>> -> memref<1x!tpu.dma_semaphore, #tpu.memory_space<semaphore_mem>>
        %dma_wait3A_203 = tpu.memref_squeeze %dma_wait3A_202 : memref<1x!tpu.dma_semaphore, #tpu.memory_space<semaphore_mem>> -> memref<!tpu.dma_semaphore, #tpu.memory_space<semaphore_mem>>
        %dma_wait3A_204 = arith.constant 0 : i32
        %dma_wait3A_205 = tpu.memref_slice %arg2[%dma_wait3A_197, %dma_wait3A_204] : memref<2048x1024xi32, #tpu.memory_space<hbm>> -> memref<1x1024xi32, #tpu.memory_space<hbm>>
        %dma_wait3A_206 = tpu.memref_squeeze %dma_wait3A_205 : memref<1x1024xi32, #tpu.memory_space<hbm>> -> memref<1024xi32, #tpu.memory_space<hbm>>
        tpu.wait_dma2 semaphore(%dma_wait3A_203 : memref<!tpu.dma_semaphore, #tpu.memory_space<semaphore_mem>>) src(%dma_wait3A_206 : memref<1024xi32, #tpu.memory_space<hbm>>) dst(%arg15 : memref<1024xi32, #tpu.memory_space<vmem>>)
      } else {
      }
      %lt3A_166 = arith.constant 64 : i32
      %lt3A_167 = arith.cmpi slt, %add3A_151, %lt3A_166 : i32
      %convert_element_type3A_168 = arith.extui %lt3A_167 : i1 to i32
      %cond3A_169 = arith.constant 0 : i32
      %cond3A_170 = arith.cmpi ne, %convert_element_type3A_168, %cond3A_169 : i32
      scf.if %cond3A_170 {
        %add3A_188 = arith.addi %mul3A_18, %add3A_151 : i32
        %add3A_189 = arith.addi %mul3A_18, %add3A_151 : i32
        %dma_start3A = arith.constant 3 : i32
        %dma_start3A_190 = arith.constant 0 : i32
        %dma_start3A_191 = tpu.memref_slice %arg2[%add3A_188, %dma_start3A_190] : memref<2048x1024xi32, #tpu.memory_space<hbm>> -> memref<1x1024xi32, #tpu.memory_space<hbm>>
        %dma_start3A_192 = tpu.memref_squeeze %dma_start3A_191 : memref<1x1024xi32, #tpu.memory_space<hbm>> -> memref<1024xi32, #tpu.memory_space<hbm>>
        %dma_start3A_193 = tpu.memref_slice %arg28[%dma_start3A] : memref<4x!tpu.dma_semaphore, #tpu.memory_space<semaphore_mem>> -> memref<1x!tpu.dma_semaphore, #tpu.memory_space<semaphore_mem>>
        %dma_start3A_194 = tpu.memref_squeeze %dma_start3A_193 : memref<1x!tpu.dma_semaphore, #tpu.memory_space<semaphore_mem>> -> memref<!tpu.dma_semaphore, #tpu.memory_space<semaphore_mem>>
        %dma_start3A_195 = arith.constant 0 : i32
        %dma_start3A_196 = tpu.memref_slice %arg2[%add3A_188, %dma_start3A_195] : memref<2048x1024xi32, #tpu.memory_space<hbm>> -> memref<1x1024xi32, #tpu.memory_space<hbm>>
        %dma_start3A_197 = tpu.memref_squeeze %dma_start3A_196 : memref<1x1024xi32, #tpu.memory_space<hbm>> -> memref<1024xi32, #tpu.memory_space<hbm>>
        tpu.enqueue_dma source(%dma_start3A_197 : memref<1024xi32, #tpu.memory_space<hbm>>) target(%arg15 : memref<1024xi32, #tpu.memory_space<vmem>>) target_semaphore(%dma_start3A_194 : memref<!tpu.dma_semaphore, #tpu.memory_space<semaphore_mem>>)
        %dma_start3A_198 = arith.constant 3 : i32
        %dma_start3A_199 = arith.constant 0 : i32
        %dma_start3A_200 = tpu.memref_slice %arg3[%add3A_189, %dma_start3A_199] : memref<2048x1024xi32, #tpu.memory_space<hbm>> -> memref<1x1024xi32, #tpu.memory_space<hbm>>
        %dma_start3A_201 = tpu.memref_squeeze %dma_start3A_200 : memref<1x1024xi32, #tpu.memory_space<hbm>> -> memref<1024xi32, #tpu.memory_space<hbm>>
        %dma_start3A_202 = tpu.memref_slice %arg28[%dma_start3A_198] : memref<4x!tpu.dma_semaphore, #tpu.memory_space<semaphore_mem>> -> memref<1x!tpu.dma_semaphore, #tpu.memory_space<semaphore_mem>>
        %dma_start3A_203 = tpu.memref_squeeze %dma_start3A_202 : memref<1x!tpu.dma_semaphore, #tpu.memory_space<semaphore_mem>> -> memref<!tpu.dma_semaphore, #tpu.memory_space<semaphore_mem>>
        %dma_start3A_204 = arith.constant 0 : i32
        %dma_start3A_205 = tpu.memref_slice %arg3[%add3A_189, %dma_start3A_204] : memref<2048x1024xi32, #tpu.memory_space<hbm>> -> memref<1x1024xi32, #tpu.memory_space<hbm>>
        %dma_start3A_206 = tpu.memref_squeeze %dma_start3A_205 : memref<1x1024xi32, #tpu.memory_space<hbm>> -> memref<1024xi32, #tpu.memory_space<hbm>>
        tpu.enqueue_dma source(%dma_start3A_206 : memref<1024xi32, #tpu.memory_space<hbm>>) target(%arg19 : memref<1024xi32, #tpu.memory_space<vmem>>) target_semaphore(%dma_start3A_203 : memref<!tpu.dma_semaphore, #tpu.memory_space<semaphore_mem>>)
      } else {
      }
      %ge3A_171 = arith.constant 0 : i32
      %ge3A_172 = arith.cmpi sge, %sub3A_153, %ge3A_171 : i32
      %lt3A_173 = arith.constant 64 : i32
      %lt3A_174 = arith.cmpi slt, %sub3A_153, %lt3A_173 : i32
      %and3A_175 = arith.andi %ge3A_172, %lt3A_174 : i1
      %convert_element_type3A_176 = arith.extui %and3A_175 : i1 to i32
      %cond3A_177 = arith.constant 0 : i32
      %cond3A_178 = arith.cmpi ne, %convert_element_type3A_176, %cond3A_177 : i32
      scf.if %cond3A_178 {
        %add3A_188 = arith.addi %mul3A_18, %sub3A_153 : i32
        %add3A_189 = arith.addi %mul3A_18, %sub3A_153 : i32
        %dma_wait3A = arith.constant 2 : i32
        %dma_wait3A_190 = arith.constant 0 : i32
        %dma_wait3A_191 = tpu.memref_slice %arg2[%add3A_188, %dma_wait3A_190] : memref<2048x1024xi32, #tpu.memory_space<hbm>> -> memref<1x1024xi32, #tpu.memory_space<hbm>>
        %dma_wait3A_192 = tpu.memref_squeeze %dma_wait3A_191 : memref<1x1024xi32, #tpu.memory_space<hbm>> -> memref<1024xi32, #tpu.memory_space<hbm>>
        %dma_wait3A_193 = tpu.memref_slice %arg28[%dma_wait3A] : memref<4x!tpu.dma_semaphore, #tpu.memory_space<semaphore_mem>> -> memref<1x!tpu.dma_semaphore, #tpu.memory_space<semaphore_mem>>
        %dma_wait3A_194 = tpu.memref_squeeze %dma_wait3A_193 : memref<1x!tpu.dma_semaphore, #tpu.memory_space<semaphore_mem>> -> memref<!tpu.dma_semaphore, #tpu.memory_space<semaphore_mem>>
        %dma_wait3A_195 = arith.constant 0 : i32
        %dma_wait3A_196 = tpu.memref_slice %arg2[%add3A_188, %dma_wait3A_195] : memref<2048x1024xi32, #tpu.memory_space<hbm>> -> memref<1x1024xi32, #tpu.memory_space<hbm>>
        %dma_wait3A_197 = tpu.memref_squeeze %dma_wait3A_196 : memref<1x1024xi32, #tpu.memory_space<hbm>> -> memref<1024xi32, #tpu.memory_space<hbm>>
        tpu.wait_dma2 semaphore(%dma_wait3A_194 : memref<!tpu.dma_semaphore, #tpu.memory_space<semaphore_mem>>) src(%dma_wait3A_197 : memref<1024xi32, #tpu.memory_space<hbm>>) dst(%arg14 : memref<1024xi32, #tpu.memory_space<vmem>>)
        %dma_wait3A_198 = arith.constant 2 : i32
        %dma_wait3A_199 = arith.constant 0 : i32
        %dma_wait3A_200 = tpu.memref_slice %arg3[%add3A_189, %dma_wait3A_199] : memref<2048x1024xi32, #tpu.memory_space<hbm>> -> memref<1x1024xi32, #tpu.memory_space<hbm>>
        %dma_wait3A_201 = tpu.memref_squeeze %dma_wait3A_200 : memref<1x1024xi32, #tpu.memory_space<hbm>> -> memref<1024xi32, #tpu.memory_space<hbm>>
        %dma_wait3A_202 = tpu.memref_slice %arg28[%dma_wait3A_198] : memref<4x!tpu.dma_semaphore, #tpu.memory_space<semaphore_mem>> -> memref<1x!tpu.dma_semaphore, #tpu.memory_space<semaphore_mem>>
        %dma_wait3A_203 = tpu.memref_squeeze %dma_wait3A_202 : memref<1x!tpu.dma_semaphore, #tpu.memory_space<semaphore_mem>> -> memref<!tpu.dma_semaphore, #tpu.memory_space<semaphore_mem>>
        %dma_wait3A_204 = arith.constant 0 : i32
        %dma_wait3A_205 = tpu.memref_slice %arg3[%add3A_189, %dma_wait3A_204] : memref<2048x1024xi32, #tpu.memory_space<hbm>> -> memref<1x1024xi32, #tpu.memory_space<hbm>>
        %dma_wait3A_206 = tpu.memref_squeeze %dma_wait3A_205 : memref<1x1024xi32, #tpu.memory_space<hbm>> -> memref<1024xi32, #tpu.memory_space<hbm>>
        tpu.wait_dma2 semaphore(%dma_wait3A_203 : memref<!tpu.dma_semaphore, #tpu.memory_space<semaphore_mem>>) src(%dma_wait3A_206 : memref<1024xi32, #tpu.memory_space<hbm>>) dst(%arg18 : memref<1024xi32, #tpu.memory_space<vmem>>)
        %dma_start3A = arith.constant 2 : i32
        %dma_start3A_207 = arith.constant 0 : i32
        %dma_start3A_208 = tpu.memref_slice %arg10[%dma_start3A_207] : memref<131072xf32, #tpu.memory_space<vmem_shared>> -> memref<131072xf32, #tpu.memory_space<vmem_shared>>
        %dma_start3A_209 = tpu.memref_slice %arg29[%dma_start3A] : memref<4x!tpu.dma_semaphore, #tpu.memory_space<semaphore_mem>> -> memref<1x!tpu.dma_semaphore, #tpu.memory_space<semaphore_mem>>
        %dma_start3A_210 = tpu.memref_squeeze %dma_start3A_209 : memref<1x!tpu.dma_semaphore, #tpu.memory_space<semaphore_mem>> -> memref<!tpu.dma_semaphore, #tpu.memory_space<semaphore_mem>>
        tpu.enqueue_indirect_dma source(%dma_start3A_208 : memref<131072xf32, #tpu.memory_space<vmem_shared>>) target(%arg22 : memref<1024xf32, #tpu.memory_space<vmem>>) offsets(%arg14 : memref<1024xi32, #tpu.memory_space<vmem>>) semaphore(%dma_start3A_210 : memref<!tpu.dma_semaphore, #tpu.memory_space<semaphore_mem>>)
        %dma_start3A_211 = arith.constant 2 : i32
        %dma_start3A_212 = arith.constant 0 : i32
        %dma_start3A_213 = tpu.memref_slice %arg11[%dma_start3A_212] : memref<131072xf32, #tpu.memory_space<vmem_shared>> -> memref<131072xf32, #tpu.memory_space<vmem_shared>>
        %dma_start3A_214 = tpu.memref_slice %arg29[%dma_start3A_211] : memref<4x!tpu.dma_semaphore, #tpu.memory_space<semaphore_mem>> -> memref<1x!tpu.dma_semaphore, #tpu.memory_space<semaphore_mem>>
        %dma_start3A_215 = tpu.memref_squeeze %dma_start3A_214 : memref<1x!tpu.dma_semaphore, #tpu.memory_space<semaphore_mem>> -> memref<!tpu.dma_semaphore, #tpu.memory_space<semaphore_mem>>
        tpu.enqueue_indirect_dma source(%dma_start3A_213 : memref<131072xf32, #tpu.memory_space<vmem_shared>>) target(%arg26 : memref<1024xf32, #tpu.memory_space<vmem>>) offsets(%arg14 : memref<1024xi32, #tpu.memory_space<vmem>>) semaphore(%dma_start3A_215 : memref<!tpu.dma_semaphore, #tpu.memory_space<semaphore_mem>>)
      } else {
      }
      %ge3A_179 = arith.constant 0 : i32
      %ge3A_180 = arith.cmpi sge, %sub3A_155, %ge3A_179 : i32
      %lt3A_181 = arith.constant 64 : i32
      %lt3A_182 = arith.cmpi slt, %sub3A_155, %lt3A_181 : i32
      %and3A_183 = arith.andi %ge3A_180, %lt3A_182 : i1
      %convert_element_type3A_184 = arith.extui %and3A_183 : i1 to i32
      %cond3A_185 = arith.constant 0 : i32
      %cond3A_186 = arith.cmpi ne, %convert_element_type3A_184, %cond3A_185 : i32
      scf.if %cond3A_186 {
        %dma_wait3A = arith.constant 0 : i32
        %dma_wait3A_188 = arith.constant 1 : i32
        %dma_wait3A_189 = arith.constant 0 : i32
        %dma_wait3A_190 = tpu.memref_slice %arg2[%dma_wait3A, %dma_wait3A_189] : memref<2048x1024xi32, #tpu.memory_space<hbm>> -> memref<1x1024xi32, #tpu.memory_space<hbm>>
        %dma_wait3A_191 = tpu.memref_squeeze %dma_wait3A_190 : memref<1x1024xi32, #tpu.memory_space<hbm>> -> memref<1024xi32, #tpu.memory_space<hbm>>
        %dma_wait3A_192 = tpu.memref_slice %arg29[%dma_wait3A_188] : memref<4x!tpu.dma_semaphore, #tpu.memory_space<semaphore_mem>> -> memref<1x!tpu.dma_semaphore, #tpu.memory_space<semaphore_mem>>
        %dma_wait3A_193 = tpu.memref_squeeze %dma_wait3A_192 : memref<1x!tpu.dma_semaphore, #tpu.memory_space<semaphore_mem>> -> memref<!tpu.dma_semaphore, #tpu.memory_space<semaphore_mem>>
        %dma_wait3A_194 = arith.constant 0 : i32
        %dma_wait3A_195 = tpu.memref_slice %arg2[%dma_wait3A, %dma_wait3A_194] : memref<2048x1024xi32, #tpu.memory_space<hbm>> -> memref<1x1024xi32, #tpu.memory_space<hbm>>
        %dma_wait3A_196 = tpu.memref_squeeze %dma_wait3A_195 : memref<1x1024xi32, #tpu.memory_space<hbm>> -> memref<1024xi32, #tpu.memory_space<hbm>>
        tpu.wait_dma2 semaphore(%dma_wait3A_193 : memref<!tpu.dma_semaphore, #tpu.memory_space<semaphore_mem>>) src(%dma_wait3A_196 : memref<1024xi32, #tpu.memory_space<hbm>>) dst(%arg13 : memref<1024xi32, #tpu.memory_space<vmem>>)
        %dma_wait3A_197 = arith.constant 0 : i32
        %dma_wait3A_198 = arith.constant 1 : i32
        %dma_wait3A_199 = arith.constant 0 : i32
        %dma_wait3A_200 = tpu.memref_slice %arg2[%dma_wait3A_197, %dma_wait3A_199] : memref<2048x1024xi32, #tpu.memory_space<hbm>> -> memref<1x1024xi32, #tpu.memory_space<hbm>>
        %dma_wait3A_201 = tpu.memref_squeeze %dma_wait3A_200 : memref<1x1024xi32, #tpu.memory_space<hbm>> -> memref<1024xi32, #tpu.memory_space<hbm>>
        %dma_wait3A_202 = tpu.memref_slice %arg29[%dma_wait3A_198] : memref<4x!tpu.dma_semaphore, #tpu.memory_space<semaphore_mem>> -> memref<1x!tpu.dma_semaphore, #tpu.memory_space<semaphore_mem>>
        %dma_wait3A_203 = tpu.memref_squeeze %dma_wait3A_202 : memref<1x!tpu.dma_semaphore, #tpu.memory_space<semaphore_mem>> -> memref<!tpu.dma_semaphore, #tpu.memory_space<semaphore_mem>>
        %dma_wait3A_204 = arith.constant 0 : i32
        %dma_wait3A_205 = tpu.memref_slice %arg2[%dma_wait3A_197, %dma_wait3A_204] : memref<2048x1024xi32, #tpu.memory_space<hbm>> -> memref<1x1024xi32, #tpu.memory_space<hbm>>
        %dma_wait3A_206 = tpu.memref_squeeze %dma_wait3A_205 : memref<1x1024xi32, #tpu.memory_space<hbm>> -> memref<1024xi32, #tpu.memory_space<hbm>>
        tpu.wait_dma2 semaphore(%dma_wait3A_203 : memref<!tpu.dma_semaphore, #tpu.memory_space<semaphore_mem>>) src(%dma_wait3A_206 : memref<1024xi32, #tpu.memory_space<hbm>>) dst(%arg13 : memref<1024xi32, #tpu.memory_space<vmem>>)
        %dma_start3A = arith.constant 1 : i32
        %dma_start3A_207 = arith.constant 0 : i32
        %dma_start3A_208 = tpu.memref_slice %arg8[%dma_start3A_207] : memref<131072xf32, #tpu.memory_space<vmem_shared>> -> memref<131072xf32, #tpu.memory_space<vmem_shared>>
        %dma_start3A_209 = tpu.memref_slice %arg30[%dma_start3A] : memref<4x!tpu.dma_semaphore, #tpu.memory_space<semaphore_mem>> -> memref<1x!tpu.dma_semaphore, #tpu.memory_space<semaphore_mem>>
        %dma_start3A_210 = tpu.memref_squeeze %dma_start3A_209 : memref<1x!tpu.dma_semaphore, #tpu.memory_space<semaphore_mem>> -> memref<!tpu.dma_semaphore, #tpu.memory_space<semaphore_mem>>
        tpu.enqueue_indirect_dma source(%arg21 : memref<1024xf32, #tpu.memory_space<vmem>>) target(%dma_start3A_208 : memref<131072xf32, #tpu.memory_space<vmem_shared>>) offsets(%arg17 : memref<1024xi32, #tpu.memory_space<vmem>>) semaphore(%dma_start3A_210 : memref<!tpu.dma_semaphore, #tpu.memory_space<semaphore_mem>>) {add = true}
        %dma_start3A_211 = arith.constant 1 : i32
        %dma_start3A_212 = arith.constant 0 : i32
        %dma_start3A_213 = tpu.memref_slice %arg9[%dma_start3A_212] : memref<131072xf32, #tpu.memory_space<vmem_shared>> -> memref<131072xf32, #tpu.memory_space<vmem_shared>>
        %dma_start3A_214 = tpu.memref_slice %arg30[%dma_start3A_211] : memref<4x!tpu.dma_semaphore, #tpu.memory_space<semaphore_mem>> -> memref<1x!tpu.dma_semaphore, #tpu.memory_space<semaphore_mem>>
        %dma_start3A_215 = tpu.memref_squeeze %dma_start3A_214 : memref<1x!tpu.dma_semaphore, #tpu.memory_space<semaphore_mem>> -> memref<!tpu.dma_semaphore, #tpu.memory_space<semaphore_mem>>
        tpu.enqueue_indirect_dma source(%arg25 : memref<1024xf32, #tpu.memory_space<vmem>>) target(%dma_start3A_213 : memref<131072xf32, #tpu.memory_space<vmem_shared>>) offsets(%arg17 : memref<1024xi32, #tpu.memory_space<vmem>>) semaphore(%dma_start3A_215 : memref<!tpu.dma_semaphore, #tpu.memory_space<semaphore_mem>>) {add = true}
      } else {
      }
      %scan3A_187 = arith.constant 0 : i32
      scf.yield %scan3A_187 : i32
    }
    %scan3A_24 = arith.constant 18 : i32
    %barrier3A_25 = arith.constant 0 : index
    tpu.barrier barrier_id(%barrier3A_25)
    %mul3A_26 = arith.constant 8192 : i32
    %mul3A_27 = arith.muli %arg1, %mul3A_26 : i32
    %mul3A_28 = arith.constant 8192 : i32
    %mul3A_29 = arith.muli %arg1, %mul3A_28 : i32
    %run_scoped3A = arith.constant 0 : i32
    "tpu.region"() ({
      %run_scoped3A_35 = tpu.sem_alloc : memref<!tpu.dma_semaphore, #tpu.memory_space<semaphore_mem>>
      %dma_start3A = tpu.memref_slice %arg7[%arg0, %run_scoped3A, %mul3A_29] : memref<2x2x131072xf32, #tpu.memory_space<hbm>> -> memref<1x1x8192xf32, #tpu.memory_space<hbm>>
      %dma_start3A_36 = tpu.memref_squeeze %dma_start3A : memref<1x1x8192xf32, #tpu.memory_space<hbm>> -> memref<8192xf32, #tpu.memory_space<hbm>>
      %dma_start3A_37 = tpu.memref_slice %arg8[%mul3A_27] : memref<131072xf32, #tpu.memory_space<vmem_shared>> -> memref<8192xf32, #tpu.memory_space<vmem_shared>>
      tpu.enqueue_dma source(%dma_start3A_37 : memref<8192xf32, #tpu.memory_space<vmem_shared>>) target(%dma_start3A_36 : memref<8192xf32, #tpu.memory_space<hbm>>) target_semaphore(%run_scoped3A_35 : memref<!tpu.dma_semaphore, #tpu.memory_space<semaphore_mem>>)
      %dma_wait3A = tpu.memref_slice %arg7[%arg0, %run_scoped3A, %mul3A_29] : memref<2x2x131072xf32, #tpu.memory_space<hbm>> -> memref<1x1x8192xf32, #tpu.memory_space<hbm>>
      %dma_wait3A_38 = tpu.memref_squeeze %dma_wait3A : memref<1x1x8192xf32, #tpu.memory_space<hbm>> -> memref<8192xf32, #tpu.memory_space<hbm>>
      %dma_wait3A_39 = tpu.memref_slice %arg8[%mul3A_27] : memref<131072xf32, #tpu.memory_space<vmem_shared>> -> memref<8192xf32, #tpu.memory_space<vmem_shared>>
      tpu.wait_dma2 semaphore(%run_scoped3A_35 : memref<!tpu.dma_semaphore, #tpu.memory_space<semaphore_mem>>) src(%dma_wait3A_39 : memref<8192xf32, #tpu.memory_space<vmem_shared>>) dst(%dma_wait3A_38 : memref<8192xf32, #tpu.memory_space<hbm>>)
      tpu.yield
    }) : () -> ()
    %mul3A_30 = arith.constant 8192 : i32
    %mul3A_31 = arith.muli %arg1, %mul3A_30 : i32
    %mul3A_32 = arith.constant 8192 : i32
    %mul3A_33 = arith.muli %arg1, %mul3A_32 : i32
    %run_scoped3A_34 = arith.constant 1 : i32
    "tpu.region"() ({
      %run_scoped3A_35 = tpu.sem_alloc : memref<!tpu.dma_semaphore, #tpu.memory_space<semaphore_mem>>
      %dma_start3A = tpu.memref_slice %arg7[%arg0, %run_scoped3A_34, %mul3A_33] : memref<2x2x131072xf32, #tpu.memory_space<hbm>> -> memref<1x1x8192xf32, #tpu.memory_space<hbm>>
      %dma_start3A_36 = tpu.memref_squeeze %dma_start3A : memref<1x1x8192xf32, #tpu.memory_space<hbm>> -> memref<8192xf32, #tpu.memory_space<hbm>>
      %dma_start3A_37 = tpu.memref_slice %arg9[%mul3A_31] : memref<131072xf32, #tpu.memory_space<vmem_shared>> -> memref<8192xf32, #tpu.memory_space<vmem_shared>>
      tpu.enqueue_dma source(%dma_start3A_37 : memref<8192xf32, #tpu.memory_space<vmem_shared>>) target(%dma_start3A_36 : memref<8192xf32, #tpu.memory_space<hbm>>) target_semaphore(%run_scoped3A_35 : memref<!tpu.dma_semaphore, #tpu.memory_space<semaphore_mem>>)
      %dma_wait3A = tpu.memref_slice %arg7[%arg0, %run_scoped3A_34, %mul3A_33] : memref<2x2x131072xf32, #tpu.memory_space<hbm>> -> memref<1x1x8192xf32, #tpu.memory_space<hbm>>
      %dma_wait3A_38 = tpu.memref_squeeze %dma_wait3A : memref<1x1x8192xf32, #tpu.memory_space<hbm>> -> memref<8192xf32, #tpu.memory_space<hbm>>
      %dma_wait3A_39 = tpu.memref_slice %arg9[%mul3A_31] : memref<131072xf32, #tpu.memory_space<vmem_shared>> -> memref<8192xf32, #tpu.memory_space<vmem_shared>>
      tpu.wait_dma2 semaphore(%run_scoped3A_35 : memref<!tpu.dma_semaphore, #tpu.memory_space<semaphore_mem>>) src(%dma_wait3A_39 : memref<8192xf32, #tpu.memory_space<vmem_shared>>) dst(%dma_wait3A_38 : memref<8192xf32, #tpu.memory_space<hbm>>)
      tpu.yield
    }) : () -> ()
    return
  }
}

#map = affine_map<(d0, d1) -> (0, 0)>
#map1 = affine_map<(d0, d1) -> (0)>
module attributes {stable_mosaic.version = 14 : i64} {
  func.func @_sc_degree_body(%arg0: i32, %arg1: i32, %arg2: memref<2048x1024xi32, #tpu.memory_space<hbm>>, %arg3: memref<1024xf32, #tpu.memory_space<hbm>>, %arg4: memref<2x131072xf32, #tpu.memory_space<hbm>>, %arg5: memref<131072xf32, #tpu.memory_space<vmem_shared>>, %arg6: memref<1024xi32, #tpu.memory_space<vmem>>, %arg7: memref<1024xi32, #tpu.memory_space<vmem>>, %arg8: memref<1024xi32, #tpu.memory_space<vmem>>, %arg9: memref<1024xi32, #tpu.memory_space<vmem>>, %arg10: memref<1024xf32, #tpu.memory_space<vmem>>, %arg11: memref<1024xf32, #tpu.memory_space<vmem>>, %arg12: memref<4x!tpu.dma_semaphore, #tpu.memory_space<semaphore_mem>>, %arg13: memref<4x!tpu.dma_semaphore, #tpu.memory_space<semaphore_mem>>) attributes {dimension_semantics = [#tpu.dimension_semantics<core_parallel>, #tpu.dimension_semantics<subcore_parallel>], iteration_bounds = array<i64: 2, 16>, scalar_prefetch = 0 : i64, scratch_operands = 9 : i64, tpu.core_type = #tpu.core_type<sc_vector_subcore>, window_params = [{transform_indices = #map}, {transform_indices = #map1}, {transform_indices = #map}]} {
    %mul3A = arith.constant 2 : i32
    %mul3A_0 = arith.muli %arg1, %mul3A : i32
    %add3A = arith.addi %mul3A_0, %arg0 : i32
    "tpu.region"() ({
      %run_scoped3A = tpu.sem_alloc : memref<!tpu.dma_semaphore, #tpu.memory_space<semaphore_mem>>
      tpu.enqueue_dma source(%arg3 : memref<1024xf32, #tpu.memory_space<hbm>>) target(%arg10 : memref<1024xf32, #tpu.memory_space<vmem>>) target_semaphore(%run_scoped3A : memref<!tpu.dma_semaphore, #tpu.memory_space<semaphore_mem>>)
      tpu.wait_dma2 semaphore(%run_scoped3A : memref<!tpu.dma_semaphore, #tpu.memory_space<semaphore_mem>>) src(%arg3 : memref<1024xf32, #tpu.memory_space<hbm>>) dst(%arg10 : memref<1024xf32, #tpu.memory_space<vmem>>)
      tpu.yield
    }) : () -> ()
    %scan3A = arith.constant 0 : i32
    %scan3A_1 = arith.constant 0 : i32
    %broadcast_in_dim3A = arith.constant 0.000000e+00 : f32
    %broadcast_in_dim3A_2 = vector.broadcast %broadcast_in_dim3A : f32 to vector<16xf32>
    %mul3A_3 = arith.constant 16 : i32
    %mul3A_4 = arith.muli %scan3A_1, %mul3A_3 : i32
    %swap3A = arith.index_cast %mul3A_4 : i32 to index
    %swap3A_5 = tpu.vector_load %arg11[%swap3A] {strides = array<i32>} : memref<1024xf32, #tpu.memory_space<vmem>>, vector<16xf32>,
    %swap3A_6 = vector.shape_cast %swap3A_5 : vector<16xf32> to vector<16xf32>
    %swap3A_7 = vector.shape_cast %broadcast_in_dim3A_2 : vector<16xf32> to vector<16xf32>
    tpu.vector_store %arg11[%swap3A], %swap3A_7 {strides = array<i32>} : memref<1024xf32, #tpu.memory_space<vmem>>, vector<16xf32>,
    %scan3A_8 = arith.constant 0 : i32
    %scan3A_9 = arith.constant 1 : i32
    %broadcast_in_dim3A_10 = arith.constant 0.000000e+00 : f32
    %broadcast_in_dim3A_11 = vector.broadcast %broadcast_in_dim3A_10 : f32 to vector<16xf32>
    %mul3A_12 = arith.constant 16 : i32
    %mul3A_13 = arith.muli %scan3A_9, %mul3A_12 : i32
    %swap3A_14 = arith.index_cast %mul3A_13 : i32 to index
    %swap3A_15 = tpu.vector_load %arg11[%swap3A_14] {strides = array<i32>} : memref<1024xf32, #tpu.memory_space<vmem>>, vector<16xf32>,
    %swap3A_16 = vector.shape_cast %swap3A_15 : vector<16xf32> to vector<16xf32>
    %swap3A_17 = vector.shape_cast %broadcast_in_dim3A_11 : vector<16xf32> to vector<16xf32>
    tpu.vector_store %arg11[%swap3A_14], %swap3A_17 {strides = array<i32>} : memref<1024xf32, #tpu.memory_space<vmem>>, vector<16xf32>,
    %scan3A_18 = arith.constant 0 : i32
    %scan3A_19 = arith.constant 2 : i32
    %broadcast_in_dim3A_20 = arith.constant 0.000000e+00 : f32
    %broadcast_in_dim3A_21 = vector.broadcast %broadcast_in_dim3A_20 : f32 to vector<16xf32>
    %mul3A_22 = arith.constant 16 : i32
    %mul3A_23 = arith.muli %scan3A_19, %mul3A_22 : i32
    %swap3A_24 = arith.index_cast %mul3A_23 : i32 to index
    %swap3A_25 = tpu.vector_load %arg11[%swap3A_24] {strides = array<i32>} : memref<1024xf32, #tpu.memory_space<vmem>>, vector<16xf32>,
    %swap3A_26 = vector.shape_cast %swap3A_25 : vector<16xf32> to vector<16xf32>
    %swap3A_27 = vector.shape_cast %broadcast_in_dim3A_21 : vector<16xf32> to vector<16xf32>
    tpu.vector_store %arg11[%swap3A_24], %swap3A_27 {strides = array<i32>} : memref<1024xf32, #tpu.memory_space<vmem>>, vector<16xf32>,
    %scan3A_28 = arith.constant 0 : i32
    %scan3A_29 = arith.constant 3 : i32
    %broadcast_in_dim3A_30 = arith.constant 0.000000e+00 : f32
    %broadcast_in_dim3A_31 = vector.broadcast %broadcast_in_dim3A_30 : f32 to vector<16xf32>
    %mul3A_32 = arith.constant 16 : i32
    %mul3A_33 = arith.muli %scan3A_29, %mul3A_32 : i32
    %swap3A_34 = arith.index_cast %mul3A_33 : i32 to index
    %swap3A_35 = tpu.vector_load %arg11[%swap3A_34] {strides = array<i32>} : memref<1024xf32, #tpu.memory_space<vmem>>, vector<16xf32>,
    %swap3A_36 = vector.shape_cast %swap3A_35 : vector<16xf32> to vector<16xf32>
    %swap3A_37 = vector.shape_cast %broadcast_in_dim3A_31 : vector<16xf32> to vector<16xf32>
    tpu.vector_store %arg11[%swap3A_34], %swap3A_37 {strides = array<i32>} : memref<1024xf32, #tpu.memory_space<vmem>>, vector<16xf32>,
    %scan3A_38 = arith.constant 0 : i32
    %scan3A_39 = arith.constant 4 : i32
    %broadcast_in_dim3A_40 = arith.constant 0.000000e+00 : f32
    %broadcast_in_dim3A_41 = vector.broadcast %broadcast_in_dim3A_40 : f32 to vector<16xf32>
    %mul3A_42 = arith.constant 16 : i32
    %mul3A_43 = arith.muli %scan3A_39, %mul3A_42 : i32
    %swap3A_44 = arith.index_cast %mul3A_43 : i32 to index
    %swap3A_45 = tpu.vector_load %arg11[%swap3A_44] {strides = array<i32>} : memref<1024xf32, #tpu.memory_space<vmem>>, vector<16xf32>,
    %swap3A_46 = vector.shape_cast %swap3A_45 : vector<16xf32> to vector<16xf32>
    %swap3A_47 = vector.shape_cast %broadcast_in_dim3A_41 : vector<16xf32> to vector<16xf32>
    tpu.vector_store %arg11[%swap3A_44], %swap3A_47 {strides = array<i32>} : memref<1024xf32, #tpu.memory_space<vmem>>, vector<16xf32>,
    %scan3A_48 = arith.constant 0 : i32
    %scan3A_49 = arith.constant 5 : i32
    %broadcast_in_dim3A_50 = arith.constant 0.000000e+00 : f32
    %broadcast_in_dim3A_51 = vector.broadcast %broadcast_in_dim3A_50 : f32 to vector<16xf32>
    %mul3A_52 = arith.constant 16 : i32
    %mul3A_53 = arith.muli %scan3A_49, %mul3A_52 : i32
    %swap3A_54 = arith.index_cast %mul3A_53 : i32 to index
    %swap3A_55 = tpu.vector_load %arg11[%swap3A_54] {strides = array<i32>} : memref<1024xf32, #tpu.memory_space<vmem>>, vector<16xf32>,
    %swap3A_56 = vector.shape_cast %swap3A_55 : vector<16xf32> to vector<16xf32>
    %swap3A_57 = vector.shape_cast %broadcast_in_dim3A_51 : vector<16xf32> to vector<16xf32>
    tpu.vector_store %arg11[%swap3A_54], %swap3A_57 {strides = array<i32>} : memref<1024xf32, #tpu.memory_space<vmem>>, vector<16xf32>,
    %scan3A_58 = arith.constant 0 : i32
    %scan3A_59 = arith.constant 6 : i32
    %broadcast_in_dim3A_60 = arith.constant 0.000000e+00 : f32
    %broadcast_in_dim3A_61 = vector.broadcast %broadcast_in_dim3A_60 : f32 to vector<16xf32>
    %mul3A_62 = arith.constant 16 : i32
    %mul3A_63 = arith.muli %scan3A_59, %mul3A_62 : i32
    %swap3A_64 = arith.index_cast %mul3A_63 : i32 to index
    %swap3A_65 = tpu.vector_load %arg11[%swap3A_64] {strides = array<i32>} : memref<1024xf32, #tpu.memory_space<vmem>>, vector<16xf32>,
    %swap3A_66 = vector.shape_cast %swap3A_65 : vector<16xf32> to vector<16xf32>
    %swap3A_67 = vector.shape_cast %broadcast_in_dim3A_61 : vector<16xf32> to vector<16xf32>
    tpu.vector_store %arg11[%swap3A_64], %swap3A_67 {strides = array<i32>} : memref<1024xf32, #tpu.memory_space<vmem>>, vector<16xf32>,
    %scan3A_68 = arith.constant 0 : i32
    %scan3A_69 = arith.constant 7 : i32
    %broadcast_in_dim3A_70 = arith.constant 0.000000e+00 : f32
    %broadcast_in_dim3A_71 = vector.broadcast %broadcast_in_dim3A_70 : f32 to vector<16xf32>
    %mul3A_72 = arith.constant 16 : i32
    %mul3A_73 = arith.muli %scan3A_69, %mul3A_72 : i32
    %swap3A_74 = arith.index_cast %mul3A_73 : i32 to index
    %swap3A_75 = tpu.vector_load %arg11[%swap3A_74] {strides = array<i32>} : memref<1024xf32, #tpu.memory_space<vmem>>, vector<16xf32>,
    %swap3A_76 = vector.shape_cast %swap3A_75 : vector<16xf32> to vector<16xf32>
    %swap3A_77 = vector.shape_cast %broadcast_in_dim3A_71 : vector<16xf32> to vector<16xf32>
    tpu.vector_store %arg11[%swap3A_74], %swap3A_77 {strides = array<i32>} : memref<1024xf32, #tpu.memory_space<vmem>>, vector<16xf32>,
    %scan3A_78 = arith.constant 0 : i32
    %scan3A_79 = arith.constant 8 : i32
    %broadcast_in_dim3A_80 = arith.constant 0.000000e+00 : f32
    %broadcast_in_dim3A_81 = vector.broadcast %broadcast_in_dim3A_80 : f32 to vector<16xf32>
    %mul3A_82 = arith.constant 16 : i32
    %mul3A_83 = arith.muli %scan3A_79, %mul3A_82 : i32
    %swap3A_84 = arith.index_cast %mul3A_83 : i32 to index
    %swap3A_85 = tpu.vector_load %arg11[%swap3A_84] {strides = array<i32>} : memref<1024xf32, #tpu.memory_space<vmem>>, vector<16xf32>,
    %swap3A_86 = vector.shape_cast %swap3A_85 : vector<16xf32> to vector<16xf32>
    %swap3A_87 = vector.shape_cast %broadcast_in_dim3A_81 : vector<16xf32> to vector<16xf32>
    tpu.vector_store %arg11[%swap3A_84], %swap3A_87 {strides = array<i32>} : memref<1024xf32, #tpu.memory_space<vmem>>, vector<16xf32>,
    %scan3A_88 = arith.constant 0 : i32
    %scan3A_89 = arith.constant 9 : i32
    %broadcast_in_dim3A_90 = arith.constant 0.000000e+00 : f32
    %broadcast_in_dim3A_91 = vector.broadcast %broadcast_in_dim3A_90 : f32 to vector<16xf32>
    %mul3A_92 = arith.constant 16 : i32
    %mul3A_93 = arith.muli %scan3A_89, %mul3A_92 : i32
    %swap3A_94 = arith.index_cast %mul3A_93 : i32 to index
    %swap3A_95 = tpu.vector_load %arg11[%swap3A_94] {strides = array<i32>} : memref<1024xf32, #tpu.memory_space<vmem>>, vector<16xf32>,
    %swap3A_96 = vector.shape_cast %swap3A_95 : vector<16xf32> to vector<16xf32>
    %swap3A_97 = vector.shape_cast %broadcast_in_dim3A_91 : vector<16xf32> to vector<16xf32>
    tpu.vector_store %arg11[%swap3A_94], %swap3A_97 {strides = array<i32>} : memref<1024xf32, #tpu.memory_space<vmem>>, vector<16xf32>,
    %scan3A_98 = arith.constant 0 : i32
    %scan3A_99 = arith.constant 10 : i32
    %broadcast_in_dim3A_100 = arith.constant 0.000000e+00 : f32
    %broadcast_in_dim3A_101 = vector.broadcast %broadcast_in_dim3A_100 : f32 to vector<16xf32>
    %mul3A_102 = arith.constant 16 : i32
    %mul3A_103 = arith.muli %scan3A_99, %mul3A_102 : i32
    %swap3A_104 = arith.index_cast %mul3A_103 : i32 to index
    %swap3A_105 = tpu.vector_load %arg11[%swap3A_104] {strides = array<i32>} : memref<1024xf32, #tpu.memory_space<vmem>>, vector<16xf32>,
    %swap3A_106 = vector.shape_cast %swap3A_105 : vector<16xf32> to vector<16xf32>
    %swap3A_107 = vector.shape_cast %broadcast_in_dim3A_101 : vector<16xf32> to vector<16xf32>
    tpu.vector_store %arg11[%swap3A_104], %swap3A_107 {strides = array<i32>} : memref<1024xf32, #tpu.memory_space<vmem>>, vector<16xf32>,
    %scan3A_108 = arith.constant 0 : i32
    %scan3A_109 = arith.constant 11 : i32
    %broadcast_in_dim3A_110 = arith.constant 0.000000e+00 : f32
    %broadcast_in_dim3A_111 = vector.broadcast %broadcast_in_dim3A_110 : f32 to vector<16xf32>
    %mul3A_112 = arith.constant 16 : i32
    %mul3A_113 = arith.muli %scan3A_109, %mul3A_112 : i32
    %swap3A_114 = arith.index_cast %mul3A_113 : i32 to index
    %swap3A_115 = tpu.vector_load %arg11[%swap3A_114] {strides = array<i32>} : memref<1024xf32, #tpu.memory_space<vmem>>, vector<16xf32>,
    %swap3A_116 = vector.shape_cast %swap3A_115 : vector<16xf32> to vector<16xf32>
    %swap3A_117 = vector.shape_cast %broadcast_in_dim3A_111 : vector<16xf32> to vector<16xf32>
    tpu.vector_store %arg11[%swap3A_114], %swap3A_117 {strides = array<i32>} : memref<1024xf32, #tpu.memory_space<vmem>>, vector<16xf32>,
    %scan3A_118 = arith.constant 0 : i32
    %scan3A_119 = arith.constant 12 : i32
    %broadcast_in_dim3A_120 = arith.constant 0.000000e+00 : f32
    %broadcast_in_dim3A_121 = vector.broadcast %broadcast_in_dim3A_120 : f32 to vector<16xf32>
    %mul3A_122 = arith.constant 16 : i32
    %mul3A_123 = arith.muli %scan3A_119, %mul3A_122 : i32
    %swap3A_124 = arith.index_cast %mul3A_123 : i32 to index
    %swap3A_125 = tpu.vector_load %arg11[%swap3A_124] {strides = array<i32>} : memref<1024xf32, #tpu.memory_space<vmem>>, vector<16xf32>,
    %swap3A_126 = vector.shape_cast %swap3A_125 : vector<16xf32> to vector<16xf32>
    %swap3A_127 = vector.shape_cast %broadcast_in_dim3A_121 : vector<16xf32> to vector<16xf32>
    tpu.vector_store %arg11[%swap3A_124], %swap3A_127 {strides = array<i32>} : memref<1024xf32, #tpu.memory_space<vmem>>, vector<16xf32>,
    %scan3A_128 = arith.constant 0 : i32
    %scan3A_129 = arith.constant 13 : i32
    %broadcast_in_dim3A_130 = arith.constant 0.000000e+00 : f32
    %broadcast_in_dim3A_131 = vector.broadcast %broadcast_in_dim3A_130 : f32 to vector<16xf32>
    %mul3A_132 = arith.constant 16 : i32
    %mul3A_133 = arith.muli %scan3A_129, %mul3A_132 : i32
    %swap3A_134 = arith.index_cast %mul3A_133 : i32 to index
    %swap3A_135 = tpu.vector_load %arg11[%swap3A_134] {strides = array<i32>} : memref<1024xf32, #tpu.memory_space<vmem>>, vector<16xf32>,
    %swap3A_136 = vector.shape_cast %swap3A_135 : vector<16xf32> to vector<16xf32>
    %swap3A_137 = vector.shape_cast %broadcast_in_dim3A_131 : vector<16xf32> to vector<16xf32>
    tpu.vector_store %arg11[%swap3A_134], %swap3A_137 {strides = array<i32>} : memref<1024xf32, #tpu.memory_space<vmem>>, vector<16xf32>,
    %scan3A_138 = arith.constant 0 : i32
    %scan3A_139 = arith.constant 14 : i32
    %broadcast_in_dim3A_140 = arith.constant 0.000000e+00 : f32
    %broadcast_in_dim3A_141 = vector.broadcast %broadcast_in_dim3A_140 : f32 to vector<16xf32>
    %mul3A_142 = arith.constant 16 : i32
    %mul3A_143 = arith.muli %scan3A_139, %mul3A_142 : i32
    %swap3A_144 = arith.index_cast %mul3A_143 : i32 to index
    %swap3A_145 = tpu.vector_load %arg11[%swap3A_144] {strides = array<i32>} : memref<1024xf32, #tpu.memory_space<vmem>>, vector<16xf32>,
    %swap3A_146 = vector.shape_cast %swap3A_145 : vector<16xf32> to vector<16xf32>
    %swap3A_147 = vector.shape_cast %broadcast_in_dim3A_141 : vector<16xf32> to vector<16xf32>
    tpu.vector_store %arg11[%swap3A_144], %swap3A_147 {strides = array<i32>} : memref<1024xf32, #tpu.memory_space<vmem>>, vector<16xf32>,
    %scan3A_148 = arith.constant 0 : i32
    %scan3A_149 = arith.constant 15 : i32
    %broadcast_in_dim3A_150 = arith.constant 0.000000e+00 : f32
    %broadcast_in_dim3A_151 = vector.broadcast %broadcast_in_dim3A_150 : f32 to vector<16xf32>
    %mul3A_152 = arith.constant 16 : i32
    %mul3A_153 = arith.muli %scan3A_149, %mul3A_152 : i32
    %swap3A_154 = arith.index_cast %mul3A_153 : i32 to index
    %swap3A_155 = tpu.vector_load %arg11[%swap3A_154] {strides = array<i32>} : memref<1024xf32, #tpu.memory_space<vmem>>, vector<16xf32>,
    %swap3A_156 = vector.shape_cast %swap3A_155 : vector<16xf32> to vector<16xf32>
    %swap3A_157 = vector.shape_cast %broadcast_in_dim3A_151 : vector<16xf32> to vector<16xf32>
    tpu.vector_store %arg11[%swap3A_154], %swap3A_157 {strides = array<i32>} : memref<1024xf32, #tpu.memory_space<vmem>>, vector<16xf32>,
    %scan3A_158 = arith.constant 0 : i32
    %scan3A_159 = arith.constant 16 : i32
    %broadcast_in_dim3A_160 = arith.constant 0.000000e+00 : f32
    %broadcast_in_dim3A_161 = vector.broadcast %broadcast_in_dim3A_160 : f32 to vector<16xf32>
    %mul3A_162 = arith.constant 16 : i32
    %mul3A_163 = arith.muli %scan3A_159, %mul3A_162 : i32
    %swap3A_164 = arith.index_cast %mul3A_163 : i32 to index
    %swap3A_165 = tpu.vector_load %arg11[%swap3A_164] {strides = array<i32>} : memref<1024xf32, #tpu.memory_space<vmem>>, vector<16xf32>,
    %swap3A_166 = vector.shape_cast %swap3A_165 : vector<16xf32> to vector<16xf32>
    %swap3A_167 = vector.shape_cast %broadcast_in_dim3A_161 : vector<16xf32> to vector<16xf32>
    tpu.vector_store %arg11[%swap3A_164], %swap3A_167 {strides = array<i32>} : memref<1024xf32, #tpu.memory_space<vmem>>, vector<16xf32>,
    %scan3A_168 = arith.constant 0 : i32
    %scan3A_169 = arith.constant 17 : i32
    %broadcast_in_dim3A_170 = arith.constant 0.000000e+00 : f32
    %broadcast_in_dim3A_171 = vector.broadcast %broadcast_in_dim3A_170 : f32 to vector<16xf32>
    %mul3A_172 = arith.constant 16 : i32
    %mul3A_173 = arith.muli %scan3A_169, %mul3A_172 : i32
    %swap3A_174 = arith.index_cast %mul3A_173 : i32 to index
    %swap3A_175 = tpu.vector_load %arg11[%swap3A_174] {strides = array<i32>} : memref<1024xf32, #tpu.memory_space<vmem>>, vector<16xf32>,
    %swap3A_176 = vector.shape_cast %swap3A_175 : vector<16xf32> to vector<16xf32>
    %swap3A_177 = vector.shape_cast %broadcast_in_dim3A_171 : vector<16xf32> to vector<16xf32>
    tpu.vector_store %arg11[%swap3A_174], %swap3A_177 {strides = array<i32>} : memref<1024xf32, #tpu.memory_space<vmem>>, vector<16xf32>,
    %scan3A_178 = arith.constant 0 : i32
    %scan3A_179 = arith.constant 18 : i32
    %broadcast_in_dim3A_180 = arith.constant 0.000000e+00 : f32
    %broadcast_in_dim3A_181 = vector.broadcast %broadcast_in_dim3A_180 : f32 to vector<16xf32>
    %mul3A_182 = arith.constant 16 : i32
    %mul3A_183 = arith.muli %scan3A_179, %mul3A_182 : i32
    %swap3A_184 = arith.index_cast %mul3A_183 : i32 to index
    %swap3A_185 = tpu.vector_load %arg11[%swap3A_184] {strides = array<i32>} : memref<1024xf32, #tpu.memory_space<vmem>>, vector<16xf32>,
    %swap3A_186 = vector.shape_cast %swap3A_185 : vector<16xf32> to vector<16xf32>
    %swap3A_187 = vector.shape_cast %broadcast_in_dim3A_181 : vector<16xf32> to vector<16xf32>
    tpu.vector_store %arg11[%swap3A_184], %swap3A_187 {strides = array<i32>} : memref<1024xf32, #tpu.memory_space<vmem>>, vector<16xf32>,
    %scan3A_188 = arith.constant 0 : i32
    %scan3A_189 = arith.constant 19 : i32
    %broadcast_in_dim3A_190 = arith.constant 0.000000e+00 : f32
    %broadcast_in_dim3A_191 = vector.broadcast %broadcast_in_dim3A_190 : f32 to vector<16xf32>
    %mul3A_192 = arith.constant 16 : i32
    %mul3A_193 = arith.muli %scan3A_189, %mul3A_192 : i32
    %swap3A_194 = arith.index_cast %mul3A_193 : i32 to index
    %swap3A_195 = tpu.vector_load %arg11[%swap3A_194] {strides = array<i32>} : memref<1024xf32, #tpu.memory_space<vmem>>, vector<16xf32>,
    %swap3A_196 = vector.shape_cast %swap3A_195 : vector<16xf32> to vector<16xf32>
    %swap3A_197 = vector.shape_cast %broadcast_in_dim3A_191 : vector<16xf32> to vector<16xf32>
    tpu.vector_store %arg11[%swap3A_194], %swap3A_197 {strides = array<i32>} : memref<1024xf32, #tpu.memory_space<vmem>>, vector<16xf32>,
    %scan3A_198 = arith.constant 0 : i32
    %scan3A_199 = arith.constant 20 : i32
    %broadcast_in_dim3A_200 = arith.constant 0.000000e+00 : f32
    %broadcast_in_dim3A_201 = vector.broadcast %broadcast_in_dim3A_200 : f32 to vector<16xf32>
    %mul3A_202 = arith.constant 16 : i32
    %mul3A_203 = arith.muli %scan3A_199, %mul3A_202 : i32
    %swap3A_204 = arith.index_cast %mul3A_203 : i32 to index
    %swap3A_205 = tpu.vector_load %arg11[%swap3A_204] {strides = array<i32>} : memref<1024xf32, #tpu.memory_space<vmem>>, vector<16xf32>,
    %swap3A_206 = vector.shape_cast %swap3A_205 : vector<16xf32> to vector<16xf32>
    %swap3A_207 = vector.shape_cast %broadcast_in_dim3A_201 : vector<16xf32> to vector<16xf32>
    tpu.vector_store %arg11[%swap3A_204], %swap3A_207 {strides = array<i32>} : memref<1024xf32, #tpu.memory_space<vmem>>, vector<16xf32>,
    %scan3A_208 = arith.constant 0 : i32
    %scan3A_209 = arith.constant 21 : i32
    %broadcast_in_dim3A_210 = arith.constant 0.000000e+00 : f32
    %broadcast_in_dim3A_211 = vector.broadcast %broadcast_in_dim3A_210 : f32 to vector<16xf32>
    %mul3A_212 = arith.constant 16 : i32
    %mul3A_213 = arith.muli %scan3A_209, %mul3A_212 : i32
    %swap3A_214 = arith.index_cast %mul3A_213 : i32 to index
    %swap3A_215 = tpu.vector_load %arg11[%swap3A_214] {strides = array<i32>} : memref<1024xf32, #tpu.memory_space<vmem>>, vector<16xf32>,
    %swap3A_216 = vector.shape_cast %swap3A_215 : vector<16xf32> to vector<16xf32>
    %swap3A_217 = vector.shape_cast %broadcast_in_dim3A_211 : vector<16xf32> to vector<16xf32>
    tpu.vector_store %arg11[%swap3A_214], %swap3A_217 {strides = array<i32>} : memref<1024xf32, #tpu.memory_space<vmem>>, vector<16xf32>,
    %scan3A_218 = arith.constant 0 : i32
    %scan3A_219 = arith.constant 22 : i32
    %broadcast_in_dim3A_220 = arith.constant 0.000000e+00 : f32
    %broadcast_in_dim3A_221 = vector.broadcast %broadcast_in_dim3A_220 : f32 to vector<16xf32>
    %mul3A_222 = arith.constant 16 : i32
    %mul3A_223 = arith.muli %scan3A_219, %mul3A_222 : i32
    %swap3A_224 = arith.index_cast %mul3A_223 : i32 to index
    %swap3A_225 = tpu.vector_load %arg11[%swap3A_224] {strides = array<i32>} : memref<1024xf32, #tpu.memory_space<vmem>>, vector<16xf32>,
    %swap3A_226 = vector.shape_cast %swap3A_225 : vector<16xf32> to vector<16xf32>
    %swap3A_227 = vector.shape_cast %broadcast_in_dim3A_221 : vector<16xf32> to vector<16xf32>
    tpu.vector_store %arg11[%swap3A_224], %swap3A_227 {strides = array<i32>} : memref<1024xf32, #tpu.memory_space<vmem>>, vector<16xf32>,
    %scan3A_228 = arith.constant 0 : i32
    %scan3A_229 = arith.constant 23 : i32
    %broadcast_in_dim3A_230 = arith.constant 0.000000e+00 : f32
    %broadcast_in_dim3A_231 = vector.broadcast %broadcast_in_dim3A_230 : f32 to vector<16xf32>
    %mul3A_232 = arith.constant 16 : i32
    %mul3A_233 = arith.muli %scan3A_229, %mul3A_232 : i32
    %swap3A_234 = arith.index_cast %mul3A_233 : i32 to index
    %swap3A_235 = tpu.vector_load %arg11[%swap3A_234] {strides = array<i32>} : memref<1024xf32, #tpu.memory_space<vmem>>, vector<16xf32>,
    %swap3A_236 = vector.shape_cast %swap3A_235 : vector<16xf32> to vector<16xf32>
    %swap3A_237 = vector.shape_cast %broadcast_in_dim3A_231 : vector<16xf32> to vector<16xf32>
    tpu.vector_store %arg11[%swap3A_234], %swap3A_237 {strides = array<i32>} : memref<1024xf32, #tpu.memory_space<vmem>>, vector<16xf32>,
    %scan3A_238 = arith.constant 0 : i32
    %scan3A_239 = arith.constant 24 : i32
    %broadcast_in_dim3A_240 = arith.constant 0.000000e+00 : f32
    %broadcast_in_dim3A_241 = vector.broadcast %broadcast_in_dim3A_240 : f32 to vector<16xf32>
    %mul3A_242 = arith.constant 16 : i32
    %mul3A_243 = arith.muli %scan3A_239, %mul3A_242 : i32
    %swap3A_244 = arith.index_cast %mul3A_243 : i32 to index
    %swap3A_245 = tpu.vector_load %arg11[%swap3A_244] {strides = array<i32>} : memref<1024xf32, #tpu.memory_space<vmem>>, vector<16xf32>,
    %swap3A_246 = vector.shape_cast %swap3A_245 : vector<16xf32> to vector<16xf32>
    %swap3A_247 = vector.shape_cast %broadcast_in_dim3A_241 : vector<16xf32> to vector<16xf32>
    tpu.vector_store %arg11[%swap3A_244], %swap3A_247 {strides = array<i32>} : memref<1024xf32, #tpu.memory_space<vmem>>, vector<16xf32>,
    %scan3A_248 = arith.constant 0 : i32
    %scan3A_249 = arith.constant 25 : i32
    %broadcast_in_dim3A_250 = arith.constant 0.000000e+00 : f32
    %broadcast_in_dim3A_251 = vector.broadcast %broadcast_in_dim3A_250 : f32 to vector<16xf32>
    %mul3A_252 = arith.constant 16 : i32
    %mul3A_253 = arith.muli %scan3A_249, %mul3A_252 : i32
    %swap3A_254 = arith.index_cast %mul3A_253 : i32 to index
    %swap3A_255 = tpu.vector_load %arg11[%swap3A_254] {strides = array<i32>} : memref<1024xf32, #tpu.memory_space<vmem>>, vector<16xf32>,
    %swap3A_256 = vector.shape_cast %swap3A_255 : vector<16xf32> to vector<16xf32>
    %swap3A_257 = vector.shape_cast %broadcast_in_dim3A_251 : vector<16xf32> to vector<16xf32>
    tpu.vector_store %arg11[%swap3A_254], %swap3A_257 {strides = array<i32>} : memref<1024xf32, #tpu.memory_space<vmem>>, vector<16xf32>,
    %scan3A_258 = arith.constant 0 : i32
    %scan3A_259 = arith.constant 26 : i32
    %broadcast_in_dim3A_260 = arith.constant 0.000000e+00 : f32
    %broadcast_in_dim3A_261 = vector.broadcast %broadcast_in_dim3A_260 : f32 to vector<16xf32>
    %mul3A_262 = arith.constant 16 : i32
    %mul3A_263 = arith.muli %scan3A_259, %mul3A_262 : i32
    %swap3A_264 = arith.index_cast %mul3A_263 : i32 to index
    %swap3A_265 = tpu.vector_load %arg11[%swap3A_264] {strides = array<i32>} : memref<1024xf32, #tpu.memory_space<vmem>>, vector<16xf32>,
    %swap3A_266 = vector.shape_cast %swap3A_265 : vector<16xf32> to vector<16xf32>
    %swap3A_267 = vector.shape_cast %broadcast_in_dim3A_261 : vector<16xf32> to vector<16xf32>
    tpu.vector_store %arg11[%swap3A_264], %swap3A_267 {strides = array<i32>} : memref<1024xf32, #tpu.memory_space<vmem>>, vector<16xf32>,
    %scan3A_268 = arith.constant 0 : i32
    %scan3A_269 = arith.constant 27 : i32
    %broadcast_in_dim3A_270 = arith.constant 0.000000e+00 : f32
    %broadcast_in_dim3A_271 = vector.broadcast %broadcast_in_dim3A_270 : f32 to vector<16xf32>
    %mul3A_272 = arith.constant 16 : i32
    %mul3A_273 = arith.muli %scan3A_269, %mul3A_272 : i32
    %swap3A_274 = arith.index_cast %mul3A_273 : i32 to index
    %swap3A_275 = tpu.vector_load %arg11[%swap3A_274] {strides = array<i32>} : memref<1024xf32, #tpu.memory_space<vmem>>, vector<16xf32>,
    %swap3A_276 = vector.shape_cast %swap3A_275 : vector<16xf32> to vector<16xf32>
    %swap3A_277 = vector.shape_cast %broadcast_in_dim3A_271 : vector<16xf32> to vector<16xf32>
    tpu.vector_store %arg11[%swap3A_274], %swap3A_277 {strides = array<i32>} : memref<1024xf32, #tpu.memory_space<vmem>>, vector<16xf32>,
    %scan3A_278 = arith.constant 0 : i32
    %scan3A_279 = arith.constant 28 : i32
    %broadcast_in_dim3A_280 = arith.constant 0.000000e+00 : f32
    %broadcast_in_dim3A_281 = vector.broadcast %broadcast_in_dim3A_280 : f32 to vector<16xf32>
    %mul3A_282 = arith.constant 16 : i32
    %mul3A_283 = arith.muli %scan3A_279, %mul3A_282 : i32
    %swap3A_284 = arith.index_cast %mul3A_283 : i32 to index
    %swap3A_285 = tpu.vector_load %arg11[%swap3A_284] {strides = array<i32>} : memref<1024xf32, #tpu.memory_space<vmem>>, vector<16xf32>,
    %swap3A_286 = vector.shape_cast %swap3A_285 : vector<16xf32> to vector<16xf32>
    %swap3A_287 = vector.shape_cast %broadcast_in_dim3A_281 : vector<16xf32> to vector<16xf32>
    tpu.vector_store %arg11[%swap3A_284], %swap3A_287 {strides = array<i32>} : memref<1024xf32, #tpu.memory_space<vmem>>, vector<16xf32>,
    %scan3A_288 = arith.constant 0 : i32
    %scan3A_289 = arith.constant 29 : i32
    %broadcast_in_dim3A_290 = arith.constant 0.000000e+00 : f32
    %broadcast_in_dim3A_291 = vector.broadcast %broadcast_in_dim3A_290 : f32 to vector<16xf32>
    %mul3A_292 = arith.constant 16 : i32
    %mul3A_293 = arith.muli %scan3A_289, %mul3A_292 : i32
    %swap3A_294 = arith.index_cast %mul3A_293 : i32 to index
    %swap3A_295 = tpu.vector_load %arg11[%swap3A_294] {strides = array<i32>} : memref<1024xf32, #tpu.memory_space<vmem>>, vector<16xf32>,
    %swap3A_296 = vector.shape_cast %swap3A_295 : vector<16xf32> to vector<16xf32>
    %swap3A_297 = vector.shape_cast %broadcast_in_dim3A_291 : vector<16xf32> to vector<16xf32>
    tpu.vector_store %arg11[%swap3A_294], %swap3A_297 {strides = array<i32>} : memref<1024xf32, #tpu.memory_space<vmem>>, vector<16xf32>,
    %scan3A_298 = arith.constant 0 : i32
    %scan3A_299 = arith.constant 30 : i32
    %broadcast_in_dim3A_300 = arith.constant 0.000000e+00 : f32
    %broadcast_in_dim3A_301 = vector.broadcast %broadcast_in_dim3A_300 : f32 to vector<16xf32>
    %mul3A_302 = arith.constant 16 : i32
    %mul3A_303 = arith.muli %scan3A_299, %mul3A_302 : i32
    %swap3A_304 = arith.index_cast %mul3A_303 : i32 to index
    %swap3A_305 = tpu.vector_load %arg11[%swap3A_304] {strides = array<i32>} : memref<1024xf32, #tpu.memory_space<vmem>>, vector<16xf32>,
    %swap3A_306 = vector.shape_cast %swap3A_305 : vector<16xf32> to vector<16xf32>
    %swap3A_307 = vector.shape_cast %broadcast_in_dim3A_301 : vector<16xf32> to vector<16xf32>
    tpu.vector_store %arg11[%swap3A_304], %swap3A_307 {strides = array<i32>} : memref<1024xf32, #tpu.memory_space<vmem>>, vector<16xf32>,
    %scan3A_308 = arith.constant 0 : i32
    %scan3A_309 = arith.constant 31 : i32
    %broadcast_in_dim3A_310 = arith.constant 0.000000e+00 : f32
    %broadcast_in_dim3A_311 = vector.broadcast %broadcast_in_dim3A_310 : f32 to vector<16xf32>
    %mul3A_312 = arith.constant 16 : i32
    %mul3A_313 = arith.muli %scan3A_309, %mul3A_312 : i32
    %swap3A_314 = arith.index_cast %mul3A_313 : i32 to index
    %swap3A_315 = tpu.vector_load %arg11[%swap3A_314] {strides = array<i32>} : memref<1024xf32, #tpu.memory_space<vmem>>, vector<16xf32>,
    %swap3A_316 = vector.shape_cast %swap3A_315 : vector<16xf32> to vector<16xf32>
    %swap3A_317 = vector.shape_cast %broadcast_in_dim3A_311 : vector<16xf32> to vector<16xf32>
    tpu.vector_store %arg11[%swap3A_314], %swap3A_317 {strides = array<i32>} : memref<1024xf32, #tpu.memory_space<vmem>>, vector<16xf32>,
    %scan3A_318 = arith.constant 0 : i32
    %scan3A_319 = arith.constant 32 : i32
    %broadcast_in_dim3A_320 = arith.constant 0.000000e+00 : f32
    %broadcast_in_dim3A_321 = vector.broadcast %broadcast_in_dim3A_320 : f32 to vector<16xf32>
    %mul3A_322 = arith.constant 16 : i32
    %mul3A_323 = arith.muli %scan3A_319, %mul3A_322 : i32
    %swap3A_324 = arith.index_cast %mul3A_323 : i32 to index
    %swap3A_325 = tpu.vector_load %arg11[%swap3A_324] {strides = array<i32>} : memref<1024xf32, #tpu.memory_space<vmem>>, vector<16xf32>,
    %swap3A_326 = vector.shape_cast %swap3A_325 : vector<16xf32> to vector<16xf32>
    %swap3A_327 = vector.shape_cast %broadcast_in_dim3A_321 : vector<16xf32> to vector<16xf32>
    tpu.vector_store %arg11[%swap3A_324], %swap3A_327 {strides = array<i32>} : memref<1024xf32, #tpu.memory_space<vmem>>, vector<16xf32>,
    %scan3A_328 = arith.constant 0 : i32
    %scan3A_329 = arith.constant 33 : i32
    %broadcast_in_dim3A_330 = arith.constant 0.000000e+00 : f32
    %broadcast_in_dim3A_331 = vector.broadcast %broadcast_in_dim3A_330 : f32 to vector<16xf32>
    %mul3A_332 = arith.constant 16 : i32
    %mul3A_333 = arith.muli %scan3A_329, %mul3A_332 : i32
    %swap3A_334 = arith.index_cast %mul3A_333 : i32 to index
    %swap3A_335 = tpu.vector_load %arg11[%swap3A_334] {strides = array<i32>} : memref<1024xf32, #tpu.memory_space<vmem>>, vector<16xf32>,
    %swap3A_336 = vector.shape_cast %swap3A_335 : vector<16xf32> to vector<16xf32>
    %swap3A_337 = vector.shape_cast %broadcast_in_dim3A_331 : vector<16xf32> to vector<16xf32>
    tpu.vector_store %arg11[%swap3A_334], %swap3A_337 {strides = array<i32>} : memref<1024xf32, #tpu.memory_space<vmem>>, vector<16xf32>,
    %scan3A_338 = arith.constant 0 : i32
    %scan3A_339 = arith.constant 34 : i32
    %broadcast_in_dim3A_340 = arith.constant 0.000000e+00 : f32
    %broadcast_in_dim3A_341 = vector.broadcast %broadcast_in_dim3A_340 : f32 to vector<16xf32>
    %mul3A_342 = arith.constant 16 : i32
    %mul3A_343 = arith.muli %scan3A_339, %mul3A_342 : i32
    %swap3A_344 = arith.index_cast %mul3A_343 : i32 to index
    %swap3A_345 = tpu.vector_load %arg11[%swap3A_344] {strides = array<i32>} : memref<1024xf32, #tpu.memory_space<vmem>>, vector<16xf32>,
    %swap3A_346 = vector.shape_cast %swap3A_345 : vector<16xf32> to vector<16xf32>
    %swap3A_347 = vector.shape_cast %broadcast_in_dim3A_341 : vector<16xf32> to vector<16xf32>
    tpu.vector_store %arg11[%swap3A_344], %swap3A_347 {strides = array<i32>} : memref<1024xf32, #tpu.memory_space<vmem>>, vector<16xf32>,
    %scan3A_348 = arith.constant 0 : i32
    %scan3A_349 = arith.constant 35 : i32
    %broadcast_in_dim3A_350 = arith.constant 0.000000e+00 : f32
    %broadcast_in_dim3A_351 = vector.broadcast %broadcast_in_dim3A_350 : f32 to vector<16xf32>
    %mul3A_352 = arith.constant 16 : i32
    %mul3A_353 = arith.muli %scan3A_349, %mul3A_352 : i32
    %swap3A_354 = arith.index_cast %mul3A_353 : i32 to index
    %swap3A_355 = tpu.vector_load %arg11[%swap3A_354] {strides = array<i32>} : memref<1024xf32, #tpu.memory_space<vmem>>, vector<16xf32>,
    %swap3A_356 = vector.shape_cast %swap3A_355 : vector<16xf32> to vector<16xf32>
    %swap3A_357 = vector.shape_cast %broadcast_in_dim3A_351 : vector<16xf32> to vector<16xf32>
    tpu.vector_store %arg11[%swap3A_354], %swap3A_357 {strides = array<i32>} : memref<1024xf32, #tpu.memory_space<vmem>>, vector<16xf32>,
    %scan3A_358 = arith.constant 0 : i32
    %scan3A_359 = arith.constant 36 : i32
    %broadcast_in_dim3A_360 = arith.constant 0.000000e+00 : f32
    %broadcast_in_dim3A_361 = vector.broadcast %broadcast_in_dim3A_360 : f32 to vector<16xf32>
    %mul3A_362 = arith.constant 16 : i32
    %mul3A_363 = arith.muli %scan3A_359, %mul3A_362 : i32
    %swap3A_364 = arith.index_cast %mul3A_363 : i32 to index
    %swap3A_365 = tpu.vector_load %arg11[%swap3A_364] {strides = array<i32>} : memref<1024xf32, #tpu.memory_space<vmem>>, vector<16xf32>,
    %swap3A_366 = vector.shape_cast %swap3A_365 : vector<16xf32> to vector<16xf32>
    %swap3A_367 = vector.shape_cast %broadcast_in_dim3A_361 : vector<16xf32> to vector<16xf32>
    tpu.vector_store %arg11[%swap3A_364], %swap3A_367 {strides = array<i32>} : memref<1024xf32, #tpu.memory_space<vmem>>, vector<16xf32>,
    %scan3A_368 = arith.constant 0 : i32
    %scan3A_369 = arith.constant 37 : i32
    %broadcast_in_dim3A_370 = arith.constant 0.000000e+00 : f32
    %broadcast_in_dim3A_371 = vector.broadcast %broadcast_in_dim3A_370 : f32 to vector<16xf32>
    %mul3A_372 = arith.constant 16 : i32
    %mul3A_373 = arith.muli %scan3A_369, %mul3A_372 : i32
    %swap3A_374 = arith.index_cast %mul3A_373 : i32 to index
    %swap3A_375 = tpu.vector_load %arg11[%swap3A_374] {strides = array<i32>} : memref<1024xf32, #tpu.memory_space<vmem>>, vector<16xf32>,
    %swap3A_376 = vector.shape_cast %swap3A_375 : vector<16xf32> to vector<16xf32>
    %swap3A_377 = vector.shape_cast %broadcast_in_dim3A_371 : vector<16xf32> to vector<16xf32>
    tpu.vector_store %arg11[%swap3A_374], %swap3A_377 {strides = array<i32>} : memref<1024xf32, #tpu.memory_space<vmem>>, vector<16xf32>,
    %scan3A_378 = arith.constant 0 : i32
    %scan3A_379 = arith.constant 38 : i32
    %broadcast_in_dim3A_380 = arith.constant 0.000000e+00 : f32
    %broadcast_in_dim3A_381 = vector.broadcast %broadcast_in_dim3A_380 : f32 to vector<16xf32>
    %mul3A_382 = arith.constant 16 : i32
    %mul3A_383 = arith.muli %scan3A_379, %mul3A_382 : i32
    %swap3A_384 = arith.index_cast %mul3A_383 : i32 to index
    %swap3A_385 = tpu.vector_load %arg11[%swap3A_384] {strides = array<i32>} : memref<1024xf32, #tpu.memory_space<vmem>>, vector<16xf32>,
    %swap3A_386 = vector.shape_cast %swap3A_385 : vector<16xf32> to vector<16xf32>
    %swap3A_387 = vector.shape_cast %broadcast_in_dim3A_381 : vector<16xf32> to vector<16xf32>
    tpu.vector_store %arg11[%swap3A_384], %swap3A_387 {strides = array<i32>} : memref<1024xf32, #tpu.memory_space<vmem>>, vector<16xf32>,
    %scan3A_388 = arith.constant 0 : i32
    %scan3A_389 = arith.constant 39 : i32
    %broadcast_in_dim3A_390 = arith.constant 0.000000e+00 : f32
    %broadcast_in_dim3A_391 = vector.broadcast %broadcast_in_dim3A_390 : f32 to vector<16xf32>
    %mul3A_392 = arith.constant 16 : i32
    %mul3A_393 = arith.muli %scan3A_389, %mul3A_392 : i32
    %swap3A_394 = arith.index_cast %mul3A_393 : i32 to index
    %swap3A_395 = tpu.vector_load %arg11[%swap3A_394] {strides = array<i32>} : memref<1024xf32, #tpu.memory_space<vmem>>, vector<16xf32>,
    %swap3A_396 = vector.shape_cast %swap3A_395 : vector<16xf32> to vector<16xf32>
    %swap3A_397 = vector.shape_cast %broadcast_in_dim3A_391 : vector<16xf32> to vector<16xf32>
    tpu.vector_store %arg11[%swap3A_394], %swap3A_397 {strides = array<i32>} : memref<1024xf32, #tpu.memory_space<vmem>>, vector<16xf32>,
    %scan3A_398 = arith.constant 0 : i32
    %scan3A_399 = arith.constant 40 : i32
    %broadcast_in_dim3A_400 = arith.constant 0.000000e+00 : f32
    %broadcast_in_dim3A_401 = vector.broadcast %broadcast_in_dim3A_400 : f32 to vector<16xf32>
    %mul3A_402 = arith.constant 16 : i32
    %mul3A_403 = arith.muli %scan3A_399, %mul3A_402 : i32
    %swap3A_404 = arith.index_cast %mul3A_403 : i32 to index
    %swap3A_405 = tpu.vector_load %arg11[%swap3A_404] {strides = array<i32>} : memref<1024xf32, #tpu.memory_space<vmem>>, vector<16xf32>,
    %swap3A_406 = vector.shape_cast %swap3A_405 : vector<16xf32> to vector<16xf32>
    %swap3A_407 = vector.shape_cast %broadcast_in_dim3A_401 : vector<16xf32> to vector<16xf32>
    tpu.vector_store %arg11[%swap3A_404], %swap3A_407 {strides = array<i32>} : memref<1024xf32, #tpu.memory_space<vmem>>, vector<16xf32>,
    %scan3A_408 = arith.constant 0 : i32
    %scan3A_409 = arith.constant 41 : i32
    %broadcast_in_dim3A_410 = arith.constant 0.000000e+00 : f32
    %broadcast_in_dim3A_411 = vector.broadcast %broadcast_in_dim3A_410 : f32 to vector<16xf32>
    %mul3A_412 = arith.constant 16 : i32
    %mul3A_413 = arith.muli %scan3A_409, %mul3A_412 : i32
    %swap3A_414 = arith.index_cast %mul3A_413 : i32 to index
    %swap3A_415 = tpu.vector_load %arg11[%swap3A_414] {strides = array<i32>} : memref<1024xf32, #tpu.memory_space<vmem>>, vector<16xf32>,
    %swap3A_416 = vector.shape_cast %swap3A_415 : vector<16xf32> to vector<16xf32>
    %swap3A_417 = vector.shape_cast %broadcast_in_dim3A_411 : vector<16xf32> to vector<16xf32>
    tpu.vector_store %arg11[%swap3A_414], %swap3A_417 {strides = array<i32>} : memref<1024xf32, #tpu.memory_space<vmem>>, vector<16xf32>,
    %scan3A_418 = arith.constant 0 : i32
    %scan3A_419 = arith.constant 42 : i32
    %broadcast_in_dim3A_420 = arith.constant 0.000000e+00 : f32
    %broadcast_in_dim3A_421 = vector.broadcast %broadcast_in_dim3A_420 : f32 to vector<16xf32>
    %mul3A_422 = arith.constant 16 : i32
    %mul3A_423 = arith.muli %scan3A_419, %mul3A_422 : i32
    %swap3A_424 = arith.index_cast %mul3A_423 : i32 to index
    %swap3A_425 = tpu.vector_load %arg11[%swap3A_424] {strides = array<i32>} : memref<1024xf32, #tpu.memory_space<vmem>>, vector<16xf32>,
    %swap3A_426 = vector.shape_cast %swap3A_425 : vector<16xf32> to vector<16xf32>
    %swap3A_427 = vector.shape_cast %broadcast_in_dim3A_421 : vector<16xf32> to vector<16xf32>
    tpu.vector_store %arg11[%swap3A_424], %swap3A_427 {strides = array<i32>} : memref<1024xf32, #tpu.memory_space<vmem>>, vector<16xf32>,
    %scan3A_428 = arith.constant 0 : i32
    %scan3A_429 = arith.constant 43 : i32
    %broadcast_in_dim3A_430 = arith.constant 0.000000e+00 : f32
    %broadcast_in_dim3A_431 = vector.broadcast %broadcast_in_dim3A_430 : f32 to vector<16xf32>
    %mul3A_432 = arith.constant 16 : i32
    %mul3A_433 = arith.muli %scan3A_429, %mul3A_432 : i32
    %swap3A_434 = arith.index_cast %mul3A_433 : i32 to index
    %swap3A_435 = tpu.vector_load %arg11[%swap3A_434] {strides = array<i32>} : memref<1024xf32, #tpu.memory_space<vmem>>, vector<16xf32>,
    %swap3A_436 = vector.shape_cast %swap3A_435 : vector<16xf32> to vector<16xf32>
    %swap3A_437 = vector.shape_cast %broadcast_in_dim3A_431 : vector<16xf32> to vector<16xf32>
    tpu.vector_store %arg11[%swap3A_434], %swap3A_437 {strides = array<i32>} : memref<1024xf32, #tpu.memory_space<vmem>>, vector<16xf32>,
    %scan3A_438 = arith.constant 0 : i32
    %scan3A_439 = arith.constant 44 : i32
    %broadcast_in_dim3A_440 = arith.constant 0.000000e+00 : f32
    %broadcast_in_dim3A_441 = vector.broadcast %broadcast_in_dim3A_440 : f32 to vector<16xf32>
    %mul3A_442 = arith.constant 16 : i32
    %mul3A_443 = arith.muli %scan3A_439, %mul3A_442 : i32
    %swap3A_444 = arith.index_cast %mul3A_443 : i32 to index
    %swap3A_445 = tpu.vector_load %arg11[%swap3A_444] {strides = array<i32>} : memref<1024xf32, #tpu.memory_space<vmem>>, vector<16xf32>,
    %swap3A_446 = vector.shape_cast %swap3A_445 : vector<16xf32> to vector<16xf32>
    %swap3A_447 = vector.shape_cast %broadcast_in_dim3A_441 : vector<16xf32> to vector<16xf32>
    tpu.vector_store %arg11[%swap3A_444], %swap3A_447 {strides = array<i32>} : memref<1024xf32, #tpu.memory_space<vmem>>, vector<16xf32>,
    %scan3A_448 = arith.constant 0 : i32
    %scan3A_449 = arith.constant 45 : i32
    %broadcast_in_dim3A_450 = arith.constant 0.000000e+00 : f32
    %broadcast_in_dim3A_451 = vector.broadcast %broadcast_in_dim3A_450 : f32 to vector<16xf32>
    %mul3A_452 = arith.constant 16 : i32
    %mul3A_453 = arith.muli %scan3A_449, %mul3A_452 : i32
    %swap3A_454 = arith.index_cast %mul3A_453 : i32 to index
    %swap3A_455 = tpu.vector_load %arg11[%swap3A_454] {strides = array<i32>} : memref<1024xf32, #tpu.memory_space<vmem>>, vector<16xf32>,
    %swap3A_456 = vector.shape_cast %swap3A_455 : vector<16xf32> to vector<16xf32>
    %swap3A_457 = vector.shape_cast %broadcast_in_dim3A_451 : vector<16xf32> to vector<16xf32>
    tpu.vector_store %arg11[%swap3A_454], %swap3A_457 {strides = array<i32>} : memref<1024xf32, #tpu.memory_space<vmem>>, vector<16xf32>,
    %scan3A_458 = arith.constant 0 : i32
    %scan3A_459 = arith.constant 46 : i32
    %broadcast_in_dim3A_460 = arith.constant 0.000000e+00 : f32
    %broadcast_in_dim3A_461 = vector.broadcast %broadcast_in_dim3A_460 : f32 to vector<16xf32>
    %mul3A_462 = arith.constant 16 : i32
    %mul3A_463 = arith.muli %scan3A_459, %mul3A_462 : i32
    %swap3A_464 = arith.index_cast %mul3A_463 : i32 to index
    %swap3A_465 = tpu.vector_load %arg11[%swap3A_464] {strides = array<i32>} : memref<1024xf32, #tpu.memory_space<vmem>>, vector<16xf32>,
    %swap3A_466 = vector.shape_cast %swap3A_465 : vector<16xf32> to vector<16xf32>
    %swap3A_467 = vector.shape_cast %broadcast_in_dim3A_461 : vector<16xf32> to vector<16xf32>
    tpu.vector_store %arg11[%swap3A_464], %swap3A_467 {strides = array<i32>} : memref<1024xf32, #tpu.memory_space<vmem>>, vector<16xf32>,
    %scan3A_468 = arith.constant 0 : i32
    %scan3A_469 = arith.constant 47 : i32
    %broadcast_in_dim3A_470 = arith.constant 0.000000e+00 : f32
    %broadcast_in_dim3A_471 = vector.broadcast %broadcast_in_dim3A_470 : f32 to vector<16xf32>
    %mul3A_472 = arith.constant 16 : i32
    %mul3A_473 = arith.muli %scan3A_469, %mul3A_472 : i32
    %swap3A_474 = arith.index_cast %mul3A_473 : i32 to index
    %swap3A_475 = tpu.vector_load %arg11[%swap3A_474] {strides = array<i32>} : memref<1024xf32, #tpu.memory_space<vmem>>, vector<16xf32>,
    %swap3A_476 = vector.shape_cast %swap3A_475 : vector<16xf32> to vector<16xf32>
    %swap3A_477 = vector.shape_cast %broadcast_in_dim3A_471 : vector<16xf32> to vector<16xf32>
    tpu.vector_store %arg11[%swap3A_474], %swap3A_477 {strides = array<i32>} : memref<1024xf32, #tpu.memory_space<vmem>>, vector<16xf32>,
    %scan3A_478 = arith.constant 0 : i32
    %scan3A_479 = arith.constant 48 : i32
    %broadcast_in_dim3A_480 = arith.constant 0.000000e+00 : f32
    %broadcast_in_dim3A_481 = vector.broadcast %broadcast_in_dim3A_480 : f32 to vector<16xf32>
    %mul3A_482 = arith.constant 16 : i32
    %mul3A_483 = arith.muli %scan3A_479, %mul3A_482 : i32
    %swap3A_484 = arith.index_cast %mul3A_483 : i32 to index
    %swap3A_485 = tpu.vector_load %arg11[%swap3A_484] {strides = array<i32>} : memref<1024xf32, #tpu.memory_space<vmem>>, vector<16xf32>,
    %swap3A_486 = vector.shape_cast %swap3A_485 : vector<16xf32> to vector<16xf32>
    %swap3A_487 = vector.shape_cast %broadcast_in_dim3A_481 : vector<16xf32> to vector<16xf32>
    tpu.vector_store %arg11[%swap3A_484], %swap3A_487 {strides = array<i32>} : memref<1024xf32, #tpu.memory_space<vmem>>, vector<16xf32>,
    %scan3A_488 = arith.constant 0 : i32
    %scan3A_489 = arith.constant 49 : i32
    %broadcast_in_dim3A_490 = arith.constant 0.000000e+00 : f32
    %broadcast_in_dim3A_491 = vector.broadcast %broadcast_in_dim3A_490 : f32 to vector<16xf32>
    %mul3A_492 = arith.constant 16 : i32
    %mul3A_493 = arith.muli %scan3A_489, %mul3A_492 : i32
    %swap3A_494 = arith.index_cast %mul3A_493 : i32 to index
    %swap3A_495 = tpu.vector_load %arg11[%swap3A_494] {strides = array<i32>} : memref<1024xf32, #tpu.memory_space<vmem>>, vector<16xf32>,
    %swap3A_496 = vector.shape_cast %swap3A_495 : vector<16xf32> to vector<16xf32>
    %swap3A_497 = vector.shape_cast %broadcast_in_dim3A_491 : vector<16xf32> to vector<16xf32>
    tpu.vector_store %arg11[%swap3A_494], %swap3A_497 {strides = array<i32>} : memref<1024xf32, #tpu.memory_space<vmem>>, vector<16xf32>,
    %scan3A_498 = arith.constant 0 : i32
    %scan3A_499 = arith.constant 50 : i32
    %broadcast_in_dim3A_500 = arith.constant 0.000000e+00 : f32
    %broadcast_in_dim3A_501 = vector.broadcast %broadcast_in_dim3A_500 : f32 to vector<16xf32>
    %mul3A_502 = arith.constant 16 : i32
    %mul3A_503 = arith.muli %scan3A_499, %mul3A_502 : i32
    %swap3A_504 = arith.index_cast %mul3A_503 : i32 to index
    %swap3A_505 = tpu.vector_load %arg11[%swap3A_504] {strides = array<i32>} : memref<1024xf32, #tpu.memory_space<vmem>>, vector<16xf32>,
    %swap3A_506 = vector.shape_cast %swap3A_505 : vector<16xf32> to vector<16xf32>
    %swap3A_507 = vector.shape_cast %broadcast_in_dim3A_501 : vector<16xf32> to vector<16xf32>
    tpu.vector_store %arg11[%swap3A_504], %swap3A_507 {strides = array<i32>} : memref<1024xf32, #tpu.memory_space<vmem>>, vector<16xf32>,
    %scan3A_508 = arith.constant 0 : i32
    %scan3A_509 = arith.constant 51 : i32
    %broadcast_in_dim3A_510 = arith.constant 0.000000e+00 : f32
    %broadcast_in_dim3A_511 = vector.broadcast %broadcast_in_dim3A_510 : f32 to vector<16xf32>
    %mul3A_512 = arith.constant 16 : i32
    %mul3A_513 = arith.muli %scan3A_509, %mul3A_512 : i32
    %swap3A_514 = arith.index_cast %mul3A_513 : i32 to index
    %swap3A_515 = tpu.vector_load %arg11[%swap3A_514] {strides = array<i32>} : memref<1024xf32, #tpu.memory_space<vmem>>, vector<16xf32>,
    %swap3A_516 = vector.shape_cast %swap3A_515 : vector<16xf32> to vector<16xf32>
    %swap3A_517 = vector.shape_cast %broadcast_in_dim3A_511 : vector<16xf32> to vector<16xf32>
    tpu.vector_store %arg11[%swap3A_514], %swap3A_517 {strides = array<i32>} : memref<1024xf32, #tpu.memory_space<vmem>>, vector<16xf32>,
    %scan3A_518 = arith.constant 0 : i32
    %scan3A_519 = arith.constant 52 : i32
    %broadcast_in_dim3A_520 = arith.constant 0.000000e+00 : f32
    %broadcast_in_dim3A_521 = vector.broadcast %broadcast_in_dim3A_520 : f32 to vector<16xf32>
    %mul3A_522 = arith.constant 16 : i32
    %mul3A_523 = arith.muli %scan3A_519, %mul3A_522 : i32
    %swap3A_524 = arith.index_cast %mul3A_523 : i32 to index
    %swap3A_525 = tpu.vector_load %arg11[%swap3A_524] {strides = array<i32>} : memref<1024xf32, #tpu.memory_space<vmem>>, vector<16xf32>,
    %swap3A_526 = vector.shape_cast %swap3A_525 : vector<16xf32> to vector<16xf32>
    %swap3A_527 = vector.shape_cast %broadcast_in_dim3A_521 : vector<16xf32> to vector<16xf32>
    tpu.vector_store %arg11[%swap3A_524], %swap3A_527 {strides = array<i32>} : memref<1024xf32, #tpu.memory_space<vmem>>, vector<16xf32>,
    %scan3A_528 = arith.constant 0 : i32
    %scan3A_529 = arith.constant 53 : i32
    %broadcast_in_dim3A_530 = arith.constant 0.000000e+00 : f32
    %broadcast_in_dim3A_531 = vector.broadcast %broadcast_in_dim3A_530 : f32 to vector<16xf32>
    %mul3A_532 = arith.constant 16 : i32
    %mul3A_533 = arith.muli %scan3A_529, %mul3A_532 : i32
    %swap3A_534 = arith.index_cast %mul3A_533 : i32 to index
    %swap3A_535 = tpu.vector_load %arg11[%swap3A_534] {strides = array<i32>} : memref<1024xf32, #tpu.memory_space<vmem>>, vector<16xf32>,
    %swap3A_536 = vector.shape_cast %swap3A_535 : vector<16xf32> to vector<16xf32>
    %swap3A_537 = vector.shape_cast %broadcast_in_dim3A_531 : vector<16xf32> to vector<16xf32>
    tpu.vector_store %arg11[%swap3A_534], %swap3A_537 {strides = array<i32>} : memref<1024xf32, #tpu.memory_space<vmem>>, vector<16xf32>,
    %scan3A_538 = arith.constant 0 : i32
    %scan3A_539 = arith.constant 54 : i32
    %broadcast_in_dim3A_540 = arith.constant 0.000000e+00 : f32
    %broadcast_in_dim3A_541 = vector.broadcast %broadcast_in_dim3A_540 : f32 to vector<16xf32>
    %mul3A_542 = arith.constant 16 : i32
    %mul3A_543 = arith.muli %scan3A_539, %mul3A_542 : i32
    %swap3A_544 = arith.index_cast %mul3A_543 : i32 to index
    %swap3A_545 = tpu.vector_load %arg11[%swap3A_544] {strides = array<i32>} : memref<1024xf32, #tpu.memory_space<vmem>>, vector<16xf32>,
    %swap3A_546 = vector.shape_cast %swap3A_545 : vector<16xf32> to vector<16xf32>
    %swap3A_547 = vector.shape_cast %broadcast_in_dim3A_541 : vector<16xf32> to vector<16xf32>
    tpu.vector_store %arg11[%swap3A_544], %swap3A_547 {strides = array<i32>} : memref<1024xf32, #tpu.memory_space<vmem>>, vector<16xf32>,
    %scan3A_548 = arith.constant 0 : i32
    %scan3A_549 = arith.constant 55 : i32
    %broadcast_in_dim3A_550 = arith.constant 0.000000e+00 : f32
    %broadcast_in_dim3A_551 = vector.broadcast %broadcast_in_dim3A_550 : f32 to vector<16xf32>
    %mul3A_552 = arith.constant 16 : i32
    %mul3A_553 = arith.muli %scan3A_549, %mul3A_552 : i32
    %swap3A_554 = arith.index_cast %mul3A_553 : i32 to index
    %swap3A_555 = tpu.vector_load %arg11[%swap3A_554] {strides = array<i32>} : memref<1024xf32, #tpu.memory_space<vmem>>, vector<16xf32>,
    %swap3A_556 = vector.shape_cast %swap3A_555 : vector<16xf32> to vector<16xf32>
    %swap3A_557 = vector.shape_cast %broadcast_in_dim3A_551 : vector<16xf32> to vector<16xf32>
    tpu.vector_store %arg11[%swap3A_554], %swap3A_557 {strides = array<i32>} : memref<1024xf32, #tpu.memory_space<vmem>>, vector<16xf32>,
    %scan3A_558 = arith.constant 0 : i32
    %scan3A_559 = arith.constant 56 : i32
    %broadcast_in_dim3A_560 = arith.constant 0.000000e+00 : f32
    %broadcast_in_dim3A_561 = vector.broadcast %broadcast_in_dim3A_560 : f32 to vector<16xf32>
    %mul3A_562 = arith.constant 16 : i32
    %mul3A_563 = arith.muli %scan3A_559, %mul3A_562 : i32
    %swap3A_564 = arith.index_cast %mul3A_563 : i32 to index
    %swap3A_565 = tpu.vector_load %arg11[%swap3A_564] {strides = array<i32>} : memref<1024xf32, #tpu.memory_space<vmem>>, vector<16xf32>,
    %swap3A_566 = vector.shape_cast %swap3A_565 : vector<16xf32> to vector<16xf32>
    %swap3A_567 = vector.shape_cast %broadcast_in_dim3A_561 : vector<16xf32> to vector<16xf32>
    tpu.vector_store %arg11[%swap3A_564], %swap3A_567 {strides = array<i32>} : memref<1024xf32, #tpu.memory_space<vmem>>, vector<16xf32>,
    %scan3A_568 = arith.constant 0 : i32
    %scan3A_569 = arith.constant 57 : i32
    %broadcast_in_dim3A_570 = arith.constant 0.000000e+00 : f32
    %broadcast_in_dim3A_571 = vector.broadcast %broadcast_in_dim3A_570 : f32 to vector<16xf32>
    %mul3A_572 = arith.constant 16 : i32
    %mul3A_573 = arith.muli %scan3A_569, %mul3A_572 : i32
    %swap3A_574 = arith.index_cast %mul3A_573 : i32 to index
    %swap3A_575 = tpu.vector_load %arg11[%swap3A_574] {strides = array<i32>} : memref<1024xf32, #tpu.memory_space<vmem>>, vector<16xf32>,
    %swap3A_576 = vector.shape_cast %swap3A_575 : vector<16xf32> to vector<16xf32>
    %swap3A_577 = vector.shape_cast %broadcast_in_dim3A_571 : vector<16xf32> to vector<16xf32>
    tpu.vector_store %arg11[%swap3A_574], %swap3A_577 {strides = array<i32>} : memref<1024xf32, #tpu.memory_space<vmem>>, vector<16xf32>,
    %scan3A_578 = arith.constant 0 : i32
    %scan3A_579 = arith.constant 58 : i32
    %broadcast_in_dim3A_580 = arith.constant 0.000000e+00 : f32
    %broadcast_in_dim3A_581 = vector.broadcast %broadcast_in_dim3A_580 : f32 to vector<16xf32>
    %mul3A_582 = arith.constant 16 : i32
    %mul3A_583 = arith.muli %scan3A_579, %mul3A_582 : i32
    %swap3A_584 = arith.index_cast %mul3A_583 : i32 to index
    %swap3A_585 = tpu.vector_load %arg11[%swap3A_584] {strides = array<i32>} : memref<1024xf32, #tpu.memory_space<vmem>>, vector<16xf32>,
    %swap3A_586 = vector.shape_cast %swap3A_585 : vector<16xf32> to vector<16xf32>
    %swap3A_587 = vector.shape_cast %broadcast_in_dim3A_581 : vector<16xf32> to vector<16xf32>
    tpu.vector_store %arg11[%swap3A_584], %swap3A_587 {strides = array<i32>} : memref<1024xf32, #tpu.memory_space<vmem>>, vector<16xf32>,
    %scan3A_588 = arith.constant 0 : i32
    %scan3A_589 = arith.constant 59 : i32
    %broadcast_in_dim3A_590 = arith.constant 0.000000e+00 : f32
    %broadcast_in_dim3A_591 = vector.broadcast %broadcast_in_dim3A_590 : f32 to vector<16xf32>
    %mul3A_592 = arith.constant 16 : i32
    %mul3A_593 = arith.muli %scan3A_589, %mul3A_592 : i32
    %swap3A_594 = arith.index_cast %mul3A_593 : i32 to index
    %swap3A_595 = tpu.vector_load %arg11[%swap3A_594] {strides = array<i32>} : memref<1024xf32, #tpu.memory_space<vmem>>, vector<16xf32>,
    %swap3A_596 = vector.shape_cast %swap3A_595 : vector<16xf32> to vector<16xf32>
    %swap3A_597 = vector.shape_cast %broadcast_in_dim3A_591 : vector<16xf32> to vector<16xf32>
    tpu.vector_store %arg11[%swap3A_594], %swap3A_597 {strides = array<i32>} : memref<1024xf32, #tpu.memory_space<vmem>>, vector<16xf32>,
    %scan3A_598 = arith.constant 0 : i32
    %scan3A_599 = arith.constant 60 : i32
    %broadcast_in_dim3A_600 = arith.constant 0.000000e+00 : f32
    %broadcast_in_dim3A_601 = vector.broadcast %broadcast_in_dim3A_600 : f32 to vector<16xf32>
    %mul3A_602 = arith.constant 16 : i32
    %mul3A_603 = arith.muli %scan3A_599, %mul3A_602 : i32
    %swap3A_604 = arith.index_cast %mul3A_603 : i32 to index
    %swap3A_605 = tpu.vector_load %arg11[%swap3A_604] {strides = array<i32>} : memref<1024xf32, #tpu.memory_space<vmem>>, vector<16xf32>,
    %swap3A_606 = vector.shape_cast %swap3A_605 : vector<16xf32> to vector<16xf32>
    %swap3A_607 = vector.shape_cast %broadcast_in_dim3A_601 : vector<16xf32> to vector<16xf32>
    tpu.vector_store %arg11[%swap3A_604], %swap3A_607 {strides = array<i32>} : memref<1024xf32, #tpu.memory_space<vmem>>, vector<16xf32>,
    %scan3A_608 = arith.constant 0 : i32
    %scan3A_609 = arith.constant 61 : i32
    %broadcast_in_dim3A_610 = arith.constant 0.000000e+00 : f32
    %broadcast_in_dim3A_611 = vector.broadcast %broadcast_in_dim3A_610 : f32 to vector<16xf32>
    %mul3A_612 = arith.constant 16 : i32
    %mul3A_613 = arith.muli %scan3A_609, %mul3A_612 : i32
    %swap3A_614 = arith.index_cast %mul3A_613 : i32 to index
    %swap3A_615 = tpu.vector_load %arg11[%swap3A_614] {strides = array<i32>} : memref<1024xf32, #tpu.memory_space<vmem>>, vector<16xf32>,
    %swap3A_616 = vector.shape_cast %swap3A_615 : vector<16xf32> to vector<16xf32>
    %swap3A_617 = vector.shape_cast %broadcast_in_dim3A_611 : vector<16xf32> to vector<16xf32>
    tpu.vector_store %arg11[%swap3A_614], %swap3A_617 {strides = array<i32>} : memref<1024xf32, #tpu.memory_space<vmem>>, vector<16xf32>,
    %scan3A_618 = arith.constant 0 : i32
    %scan3A_619 = arith.constant 62 : i32
    %broadcast_in_dim3A_620 = arith.constant 0.000000e+00 : f32
    %broadcast_in_dim3A_621 = vector.broadcast %broadcast_in_dim3A_620 : f32 to vector<16xf32>
    %mul3A_622 = arith.constant 16 : i32
    %mul3A_623 = arith.muli %scan3A_619, %mul3A_622 : i32
    %swap3A_624 = arith.index_cast %mul3A_623 : i32 to index
    %swap3A_625 = tpu.vector_load %arg11[%swap3A_624] {strides = array<i32>} : memref<1024xf32, #tpu.memory_space<vmem>>, vector<16xf32>,
    %swap3A_626 = vector.shape_cast %swap3A_625 : vector<16xf32> to vector<16xf32>
    %swap3A_627 = vector.shape_cast %broadcast_in_dim3A_621 : vector<16xf32> to vector<16xf32>
    tpu.vector_store %arg11[%swap3A_624], %swap3A_627 {strides = array<i32>} : memref<1024xf32, #tpu.memory_space<vmem>>, vector<16xf32>,
    %scan3A_628 = arith.constant 0 : i32
    %scan3A_629 = arith.constant 63 : i32
    %broadcast_in_dim3A_630 = arith.constant 0.000000e+00 : f32
    %broadcast_in_dim3A_631 = vector.broadcast %broadcast_in_dim3A_630 : f32 to vector<16xf32>
    %mul3A_632 = arith.constant 16 : i32
    %mul3A_633 = arith.muli %scan3A_629, %mul3A_632 : i32
    %swap3A_634 = arith.index_cast %mul3A_633 : i32 to index
    %swap3A_635 = tpu.vector_load %arg11[%swap3A_634] {strides = array<i32>} : memref<1024xf32, #tpu.memory_space<vmem>>, vector<16xf32>,
    %swap3A_636 = vector.shape_cast %swap3A_635 : vector<16xf32> to vector<16xf32>
    %swap3A_637 = vector.shape_cast %broadcast_in_dim3A_631 : vector<16xf32> to vector<16xf32>
    tpu.vector_store %arg11[%swap3A_634], %swap3A_637 {strides = array<i32>} : memref<1024xf32, #tpu.memory_space<vmem>>, vector<16xf32>,
    %scan3A_638 = arith.constant 0 : i32
    %scan3A_639 = arith.constant 64 : i32
    %scan3A_640 = arith.constant 0 : i32
    %scan3A_641 = arith.constant 0 : i32
    %scan3A_642 = arith.constant 8 : i32
    %scan3A_643 = arith.addi %scan3A_641, %scan3A_642 : i32
    %scan3A_644 = arith.constant 1 : i32
    %scan3A_645 = scf.for %scan3A_661 = %scan3A_641 to %scan3A_643 step %scan3A_644 iter_args(%scan3A_662 = %scan3A_640) -> (i32)  : i32 {
      %mul3A_663 = arith.constant 8192 : i32
      %mul3A_664 = arith.muli %arg1, %mul3A_663 : i32
      %mul3A_665 = arith.constant 1024 : i32
      %mul3A_666 = arith.muli %scan3A_661, %mul3A_665 : i32
      %add3A_667 = arith.addi %mul3A_664, %mul3A_666 : i32
      "tpu.region"() ({
        %run_scoped3A = tpu.sem_alloc : memref<!tpu.dma_semaphore, #tpu.memory_space<semaphore_mem>>
        %dma_start3A = tpu.memref_slice %arg5[%add3A_667] : memref<131072xf32, #tpu.memory_space<vmem_shared>> -> memref<1024xf32, #tpu.memory_space<vmem_shared>>
        %dma_start3A_669 = tpu.memref_slice %arg5[%add3A_667] : memref<131072xf32, #tpu.memory_space<vmem_shared>> -> memref<1024xf32, #tpu.memory_space<vmem_shared>>
        tpu.enqueue_dma source(%arg11 : memref<1024xf32, #tpu.memory_space<vmem>>) target(%dma_start3A_669 : memref<1024xf32, #tpu.memory_space<vmem_shared>>) target_semaphore(%run_scoped3A : memref<!tpu.dma_semaphore, #tpu.memory_space<semaphore_mem>>)
        %dma_wait3A = tpu.memref_slice %arg5[%add3A_667] : memref<131072xf32, #tpu.memory_space<vmem_shared>> -> memref<1024xf32, #tpu.memory_space<vmem_shared>>
        %dma_wait3A_670 = tpu.memref_slice %arg5[%add3A_667] : memref<131072xf32, #tpu.memory_space<vmem_shared>> -> memref<1024xf32, #tpu.memory_space<vmem_shared>>
        tpu.wait_dma2 semaphore(%run_scoped3A : memref<!tpu.dma_semaphore, #tpu.memory_space<semaphore_mem>>) src(%arg11 : memref<1024xf32, #tpu.memory_space<vmem>>) dst(%dma_wait3A_670 : memref<1024xf32, #tpu.memory_space<vmem_shared>>)
        tpu.yield
      }) : () -> ()
      %scan3A_668 = arith.constant 0 : i32
      scf.yield %scan3A_668 : i32
    }
    %scan3A_646 = arith.constant 8 : i32
    %barrier3A = arith.constant 0 : index
    tpu.barrier barrier_id(%barrier3A)
    %mul3A_647 = arith.constant 64 : i32
    %mul3A_648 = arith.muli %add3A, %mul3A_647 : i32
    %scan3A_649 = arith.constant 0 : i32
    %scan3A_650 = arith.constant 0 : i32
    %scan3A_651 = arith.constant 18 : i32
    %scan3A_652 = arith.addi %scan3A_650, %scan3A_651 : i32
    %scan3A_653 = arith.constant 1 : i32
    %scan3A_654 = scf.for %scan3A_661 = %scan3A_650 to %scan3A_652 step %scan3A_653 iter_args(%scan3A_662 = %scan3A_649) -> (i32)  : i32 {
      %mul3A_663 = arith.constant 4 : i32
      %mul3A_664 = arith.muli %scan3A_661, %mul3A_663 : i32
      %add3A_665 = arith.constant 0 : i32
      %add3A_666 = arith.addi %mul3A_664, %add3A_665 : i32
      %sub3A = arith.constant 1 : i32
      %sub3A_667 = arith.subi %add3A_666, %sub3A : i32
      %ge3A = arith.constant 4 : i32
      %ge3A_668 = arith.cmpi sge, %add3A_666, %ge3A : i32
      %sub3A_669 = arith.constant 4 : i32
      %sub3A_670 = arith.subi %add3A_666, %sub3A_669 : i32
      %lt3A = arith.constant 64 : i32
      %lt3A_671 = arith.cmpi slt, %sub3A_670, %lt3A : i32
      %and3A = arith.andi %ge3A_668, %lt3A_671 : i1
      %convert_element_type3A = arith.extui %and3A : i1 to i32
      %cond3A = arith.constant 0 : i32
      %cond3A_672 = arith.cmpi ne, %convert_element_type3A, %cond3A : i32
      scf.if %cond3A_672 {
        %dma_wait3A = arith.constant 0 : i32
        %dma_wait3A_774 = arith.constant 0 : i32
        %dma_wait3A_775 = arith.constant 0 : i32
        %dma_wait3A_776 = tpu.memref_slice %arg2[%dma_wait3A, %dma_wait3A_775] : memref<2048x1024xi32, #tpu.memory_space<hbm>> -> memref<1x1024xi32, #tpu.memory_space<hbm>>
        %dma_wait3A_777 = tpu.memref_squeeze %dma_wait3A_776 : memref<1x1024xi32, #tpu.memory_space<hbm>> -> memref<1024xi32, #tpu.memory_space<hbm>>
        %dma_wait3A_778 = tpu.memref_slice %arg13[%dma_wait3A_774] : memref<4x!tpu.dma_semaphore, #tpu.memory_space<semaphore_mem>> -> memref<1x!tpu.dma_semaphore, #tpu.memory_space<semaphore_mem>>
        %dma_wait3A_779 = tpu.memref_squeeze %dma_wait3A_778 : memref<1x!tpu.dma_semaphore, #tpu.memory_space<semaphore_mem>> -> memref<!tpu.dma_semaphore, #tpu.memory_space<semaphore_mem>>
        %dma_wait3A_780 = arith.constant 0 : i32
        %dma_wait3A_781 = tpu.memref_slice %arg2[%dma_wait3A, %dma_wait3A_780] : memref<2048x1024xi32, #tpu.memory_space<hbm>> -> memref<1x1024xi32, #tpu.memory_space<hbm>>
        %dma_wait3A_782 = tpu.memref_squeeze %dma_wait3A_781 : memref<1x1024xi32, #tpu.memory_space<hbm>> -> memref<1024xi32, #tpu.memory_space<hbm>>
        tpu.wait_dma2 semaphore(%dma_wait3A_779 : memref<!tpu.dma_semaphore, #tpu.memory_space<semaphore_mem>>) src(%dma_wait3A_782 : memref<1024xi32, #tpu.memory_space<hbm>>) dst(%arg6 : memref<1024xi32, #tpu.memory_space<vmem>>)
      } else {
      }
      %lt3A_673 = arith.constant 64 : i32
      %lt3A_674 = arith.cmpi slt, %add3A_666, %lt3A_673 : i32
      %convert_element_type3A_675 = arith.extui %lt3A_674 : i1 to i32
      %cond3A_676 = arith.constant 0 : i32
      %cond3A_677 = arith.cmpi ne, %convert_element_type3A_675, %cond3A_676 : i32
      scf.if %cond3A_677 {
        %add3A_774 = arith.addi %mul3A_648, %add3A_666 : i32
        %dma_start3A = arith.constant 0 : i32
        %dma_start3A_775 = arith.constant 0 : i32
        %dma_start3A_776 = tpu.memref_slice %arg2[%add3A_774, %dma_start3A_775] : memref<2048x1024xi32, #tpu.memory_space<hbm>> -> memref<1x1024xi32, #tpu.memory_space<hbm>>
        %dma_start3A_777 = tpu.memref_squeeze %dma_start3A_776 : memref<1x1024xi32, #tpu.memory_space<hbm>> -> memref<1024xi32, #tpu.memory_space<hbm>>
        %dma_start3A_778 = tpu.memref_slice %arg12[%dma_start3A] : memref<4x!tpu.dma_semaphore, #tpu.memory_space<semaphore_mem>> -> memref<1x!tpu.dma_semaphore, #tpu.memory_space<semaphore_mem>>
        %dma_start3A_779 = tpu.memref_squeeze %dma_start3A_778 : memref<1x!tpu.dma_semaphore, #tpu.memory_space<semaphore_mem>> -> memref<!tpu.dma_semaphore, #tpu.memory_space<semaphore_mem>>
        %dma_start3A_780 = arith.constant 0 : i32
        %dma_start3A_781 = tpu.memref_slice %arg2[%add3A_774, %dma_start3A_780] : memref<2048x1024xi32, #tpu.memory_space<hbm>> -> memref<1x1024xi32, #tpu.memory_space<hbm>>
        %dma_start3A_782 = tpu.memref_squeeze %dma_start3A_781 : memref<1x1024xi32, #tpu.memory_space<hbm>> -> memref<1024xi32, #tpu.memory_space<hbm>>
        tpu.enqueue_dma source(%dma_start3A_782 : memref<1024xi32, #tpu.memory_space<hbm>>) target(%arg6 : memref<1024xi32, #tpu.memory_space<vmem>>) target_semaphore(%dma_start3A_779 : memref<!tpu.dma_semaphore, #tpu.memory_space<semaphore_mem>>)
      } else {
      }
      %ge3A_678 = arith.constant 0 : i32
      %ge3A_679 = arith.cmpi sge, %sub3A_667, %ge3A_678 : i32
      %lt3A_680 = arith.constant 64 : i32
      %lt3A_681 = arith.cmpi slt, %sub3A_667, %lt3A_680 : i32
      %and3A_682 = arith.andi %ge3A_679, %lt3A_681 : i1
      %convert_element_type3A_683 = arith.extui %and3A_682 : i1 to i32
      %cond3A_684 = arith.constant 0 : i32
      %cond3A_685 = arith.cmpi ne, %convert_element_type3A_683, %cond3A_684 : i32
      scf.if %cond3A_685 {
        %add3A_774 = arith.addi %mul3A_648, %sub3A_667 : i32
        %dma_wait3A = arith.constant 3 : i32
        %dma_wait3A_775 = arith.constant 0 : i32
        %dma_wait3A_776 = tpu.memref_slice %arg2[%add3A_774, %dma_wait3A_775] : memref<2048x1024xi32, #tpu.memory_space<hbm>> -> memref<1x1024xi32, #tpu.memory_space<hbm>>
        %dma_wait3A_777 = tpu.memref_squeeze %dma_wait3A_776 : memref<1x1024xi32, #tpu.memory_space<hbm>> -> memref<1024xi32, #tpu.memory_space<hbm>>
        %dma_wait3A_778 = tpu.memref_slice %arg12[%dma_wait3A] : memref<4x!tpu.dma_semaphore, #tpu.memory_space<semaphore_mem>> -> memref<1x!tpu.dma_semaphore, #tpu.memory_space<semaphore_mem>>
        %dma_wait3A_779 = tpu.memref_squeeze %dma_wait3A_778 : memref<1x!tpu.dma_semaphore, #tpu.memory_space<semaphore_mem>> -> memref<!tpu.dma_semaphore, #tpu.memory_space<semaphore_mem>>
        %dma_wait3A_780 = arith.constant 0 : i32
        %dma_wait3A_781 = tpu.memref_slice %arg2[%add3A_774, %dma_wait3A_780] : memref<2048x1024xi32, #tpu.memory_space<hbm>> -> memref<1x1024xi32, #tpu.memory_space<hbm>>
        %dma_wait3A_782 = tpu.memref_squeeze %dma_wait3A_781 : memref<1x1024xi32, #tpu.memory_space<hbm>> -> memref<1024xi32, #tpu.memory_space<hbm>>
        tpu.wait_dma2 semaphore(%dma_wait3A_779 : memref<!tpu.dma_semaphore, #tpu.memory_space<semaphore_mem>>) src(%dma_wait3A_782 : memref<1024xi32, #tpu.memory_space<hbm>>) dst(%arg9 : memref<1024xi32, #tpu.memory_space<vmem>>)
        %dma_start3A = arith.constant 3 : i32
        %dma_start3A_783 = arith.constant 0 : i32
        %dma_start3A_784 = tpu.memref_slice %arg5[%dma_start3A_783] : memref<131072xf32, #tpu.memory_space<vmem_shared>> -> memref<131072xf32, #tpu.memory_space<vmem_shared>>
        %dma_start3A_785 = tpu.memref_slice %arg13[%dma_start3A] : memref<4x!tpu.dma_semaphore, #tpu.memory_space<semaphore_mem>> -> memref<1x!tpu.dma_semaphore, #tpu.memory_space<semaphore_mem>>
        %dma_start3A_786 = tpu.memref_squeeze %dma_start3A_785 : memref<1x!tpu.dma_semaphore, #tpu.memory_space<semaphore_mem>> -> memref<!tpu.dma_semaphore, #tpu.memory_space<semaphore_mem>>
        tpu.enqueue_indirect_dma source(%arg10 : memref<1024xf32, #tpu.memory_space<vmem>>) target(%dma_start3A_784 : memref<131072xf32, #tpu.memory_space<vmem_shared>>) offsets(%arg9 : memref<1024xi32, #tpu.memory_space<vmem>>) semaphore(%dma_start3A_786 : memref<!tpu.dma_semaphore, #tpu.memory_space<semaphore_mem>>) {add = true}
      } else {
      }
      %mul3A_686 = arith.constant 4 : i32
      %mul3A_687 = arith.muli %scan3A_661, %mul3A_686 : i32
      %add3A_688 = arith.constant 1 : i32
      %add3A_689 = arith.addi %mul3A_687, %add3A_688 : i32
      %sub3A_690 = arith.constant 1 : i32
      %sub3A_691 = arith.subi %add3A_689, %sub3A_690 : i32
      %ge3A_692 = arith.constant 4 : i32
      %ge3A_693 = arith.cmpi sge, %add3A_689, %ge3A_692 : i32
      %sub3A_694 = arith.constant 4 : i32
      %sub3A_695 = arith.subi %add3A_689, %sub3A_694 : i32
      %lt3A_696 = arith.constant 64 : i32
      %lt3A_697 = arith.cmpi slt, %sub3A_695, %lt3A_696 : i32
      %and3A_698 = arith.andi %ge3A_693, %lt3A_697 : i1
      %convert_element_type3A_699 = arith.extui %and3A_698 : i1 to i32
      %cond3A_700 = arith.constant 0 : i32
      %cond3A_701 = arith.cmpi ne, %convert_element_type3A_699, %cond3A_700 : i32
      scf.if %cond3A_701 {
        %dma_wait3A = arith.constant 0 : i32
        %dma_wait3A_774 = arith.constant 1 : i32
        %dma_wait3A_775 = arith.constant 0 : i32
        %dma_wait3A_776 = tpu.memref_slice %arg2[%dma_wait3A, %dma_wait3A_775] : memref<2048x1024xi32, #tpu.memory_space<hbm>> -> memref<1x1024xi32, #tpu.memory_space<hbm>>
        %dma_wait3A_777 = tpu.memref_squeeze %dma_wait3A_776 : memref<1x1024xi32, #tpu.memory_space<hbm>> -> memref<1024xi32, #tpu.memory_space<hbm>>
        %dma_wait3A_778 = tpu.memref_slice %arg13[%dma_wait3A_774] : memref<4x!tpu.dma_semaphore, #tpu.memory_space<semaphore_mem>> -> memref<1x!tpu.dma_semaphore, #tpu.memory_space<semaphore_mem>>
        %dma_wait3A_779 = tpu.memref_squeeze %dma_wait3A_778 : memref<1x!tpu.dma_semaphore, #tpu.memory_space<semaphore_mem>> -> memref<!tpu.dma_semaphore, #tpu.memory_space<semaphore_mem>>
        %dma_wait3A_780 = arith.constant 0 : i32
        %dma_wait3A_781 = tpu.memref_slice %arg2[%dma_wait3A, %dma_wait3A_780] : memref<2048x1024xi32, #tpu.memory_space<hbm>> -> memref<1x1024xi32, #tpu.memory_space<hbm>>
        %dma_wait3A_782 = tpu.memref_squeeze %dma_wait3A_781 : memref<1x1024xi32, #tpu.memory_space<hbm>> -> memref<1024xi32, #tpu.memory_space<hbm>>
        tpu.wait_dma2 semaphore(%dma_wait3A_779 : memref<!tpu.dma_semaphore, #tpu.memory_space<semaphore_mem>>) src(%dma_wait3A_782 : memref<1024xi32, #tpu.memory_space<hbm>>) dst(%arg7 : memref<1024xi32, #tpu.memory_space<vmem>>)
      } else {
      }
      %lt3A_702 = arith.constant 64 : i32
      %lt3A_703 = arith.cmpi slt, %add3A_689, %lt3A_702 : i32
      %convert_element_type3A_704 = arith.extui %lt3A_703 : i1 to i32
      %cond3A_705 = arith.constant 0 : i32
      %cond3A_706 = arith.cmpi ne, %convert_element_type3A_704, %cond3A_705 : i32
      scf.if %cond3A_706 {
        %add3A_774 = arith.addi %mul3A_648, %add3A_689 : i32
        %dma_start3A = arith.constant 1 : i32
        %dma_start3A_775 = arith.constant 0 : i32
        %dma_start3A_776 = tpu.memref_slice %arg2[%add3A_774, %dma_start3A_775] : memref<2048x1024xi32, #tpu.memory_space<hbm>> -> memref<1x1024xi32, #tpu.memory_space<hbm>>
        %dma_start3A_777 = tpu.memref_squeeze %dma_start3A_776 : memref<1x1024xi32, #tpu.memory_space<hbm>> -> memref<1024xi32, #tpu.memory_space<hbm>>
        %dma_start3A_778 = tpu.memref_slice %arg12[%dma_start3A] : memref<4x!tpu.dma_semaphore, #tpu.memory_space<semaphore_mem>> -> memref<1x!tpu.dma_semaphore, #tpu.memory_space<semaphore_mem>>
        %dma_start3A_779 = tpu.memref_squeeze %dma_start3A_778 : memref<1x!tpu.dma_semaphore, #tpu.memory_space<semaphore_mem>> -> memref<!tpu.dma_semaphore, #tpu.memory_space<semaphore_mem>>
        %dma_start3A_780 = arith.constant 0 : i32
        %dma_start3A_781 = tpu.memref_slice %arg2[%add3A_774, %dma_start3A_780] : memref<2048x1024xi32, #tpu.memory_space<hbm>> -> memref<1x1024xi32, #tpu.memory_space<hbm>>
        %dma_start3A_782 = tpu.memref_squeeze %dma_start3A_781 : memref<1x1024xi32, #tpu.memory_space<hbm>> -> memref<1024xi32, #tpu.memory_space<hbm>>
        tpu.enqueue_dma source(%dma_start3A_782 : memref<1024xi32, #tpu.memory_space<hbm>>) target(%arg7 : memref<1024xi32, #tpu.memory_space<vmem>>) target_semaphore(%dma_start3A_779 : memref<!tpu.dma_semaphore, #tpu.memory_space<semaphore_mem>>)
      } else {
      }
      %ge3A_707 = arith.constant 0 : i32
      %ge3A_708 = arith.cmpi sge, %sub3A_691, %ge3A_707 : i32
      %lt3A_709 = arith.constant 64 : i32
      %lt3A_710 = arith.cmpi slt, %sub3A_691, %lt3A_709 : i32
      %and3A_711 = arith.andi %ge3A_708, %lt3A_710 : i1
      %convert_element_type3A_712 = arith.extui %and3A_711 : i1 to i32
      %cond3A_713 = arith.constant 0 : i32
      %cond3A_714 = arith.cmpi ne, %convert_element_type3A_712, %cond3A_713 : i32
      scf.if %cond3A_714 {
        %add3A_774 = arith.addi %mul3A_648, %sub3A_691 : i32
        %dma_wait3A = arith.constant 0 : i32
        %dma_wait3A_775 = arith.constant 0 : i32
        %dma_wait3A_776 = tpu.memref_slice %arg2[%add3A_774, %dma_wait3A_775] : memref<2048x1024xi32, #tpu.memory_space<hbm>> -> memref<1x1024xi32, #tpu.memory_space<hbm>>
        %dma_wait3A_777 = tpu.memref_squeeze %dma_wait3A_776 : memref<1x1024xi32, #tpu.memory_space<hbm>> -> memref<1024xi32, #tpu.memory_space<hbm>>
        %dma_wait3A_778 = tpu.memref_slice %arg12[%dma_wait3A] : memref<4x!tpu.dma_semaphore, #tpu.memory_space<semaphore_mem>> -> memref<1x!tpu.dma_semaphore, #tpu.memory_space<semaphore_mem>>
        %dma_wait3A_779 = tpu.memref_squeeze %dma_wait3A_778 : memref<1x!tpu.dma_semaphore, #tpu.memory_space<semaphore_mem>> -> memref<!tpu.dma_semaphore, #tpu.memory_space<semaphore_mem>>
        %dma_wait3A_780 = arith.constant 0 : i32
        %dma_wait3A_781 = tpu.memref_slice %arg2[%add3A_774, %dma_wait3A_780] : memref<2048x1024xi32, #tpu.memory_space<hbm>> -> memref<1x1024xi32, #tpu.memory_space<hbm>>
        %dma_wait3A_782 = tpu.memref_squeeze %dma_wait3A_781 : memref<1x1024xi32, #tpu.memory_space<hbm>> -> memref<1024xi32, #tpu.memory_space<hbm>>
        tpu.wait_dma2 semaphore(%dma_wait3A_779 : memref<!tpu.dma_semaphore, #tpu.memory_space<semaphore_mem>>) src(%dma_wait3A_782 : memref<1024xi32, #tpu.memory_space<hbm>>) dst(%arg6 : memref<1024xi32, #tpu.memory_space<vmem>>)
        %dma_start3A = arith.constant 0 : i32
        %dma_start3A_783 = arith.constant 0 : i32
        %dma_start3A_784 = tpu.memref_slice %arg5[%dma_start3A_783] : memref<131072xf32, #tpu.memory_space<vmem_shared>> -> memref<131072xf32, #tpu.memory_space<vmem_shared>>
        %dma_start3A_785 = tpu.memref_slice %arg13[%dma_start3A] : memref<4x!tpu.dma_semaphore, #tpu.memory_space<semaphore_mem>> -> memref<1x!tpu.dma_semaphore, #tpu.memory_space<semaphore_mem>>
        %dma_start3A_786 = tpu.memref_squeeze %dma_start3A_785 : memref<1x!tpu.dma_semaphore, #tpu.memory_space<semaphore_mem>> -> memref<!tpu.dma_semaphore, #tpu.memory_space<semaphore_mem>>
        tpu.enqueue_indirect_dma source(%arg10 : memref<1024xf32, #tpu.memory_space<vmem>>) target(%dma_start3A_784 : memref<131072xf32, #tpu.memory_space<vmem_shared>>) offsets(%arg6 : memref<1024xi32, #tpu.memory_space<vmem>>) semaphore(%dma_start3A_786 : memref<!tpu.dma_semaphore, #tpu.memory_space<semaphore_mem>>) {add = true}
      } else {
      }
      %mul3A_715 = arith.constant 4 : i32
      %mul3A_716 = arith.muli %scan3A_661, %mul3A_715 : i32
      %add3A_717 = arith.constant 2 : i32
      %add3A_718 = arith.addi %mul3A_716, %add3A_717 : i32
      %sub3A_719 = arith.constant 1 : i32
      %sub3A_720 = arith.subi %add3A_718, %sub3A_719 : i32
      %ge3A_721 = arith.constant 4 : i32
      %ge3A_722 = arith.cmpi sge, %add3A_718, %ge3A_721 : i32
      %sub3A_723 = arith.constant 4 : i32
      %sub3A_724 = arith.subi %add3A_718, %sub3A_723 : i32
      %lt3A_725 = arith.constant 64 : i32
      %lt3A_726 = arith.cmpi slt, %sub3A_724, %lt3A_725 : i32
      %and3A_727 = arith.andi %ge3A_722, %lt3A_726 : i1
      %convert_element_type3A_728 = arith.extui %and3A_727 : i1 to i32
      %cond3A_729 = arith.constant 0 : i32
      %cond3A_730 = arith.cmpi ne, %convert_element_type3A_728, %cond3A_729 : i32
      scf.if %cond3A_730 {
        %dma_wait3A = arith.constant 0 : i32
        %dma_wait3A_774 = arith.constant 2 : i32
        %dma_wait3A_775 = arith.constant 0 : i32
        %dma_wait3A_776 = tpu.memref_slice %arg2[%dma_wait3A, %dma_wait3A_775] : memref<2048x1024xi32, #tpu.memory_space<hbm>> -> memref<1x1024xi32, #tpu.memory_space<hbm>>
        %dma_wait3A_777 = tpu.memref_squeeze %dma_wait3A_776 : memref<1x1024xi32, #tpu.memory_space<hbm>> -> memref<1024xi32, #tpu.memory_space<hbm>>
        %dma_wait3A_778 = tpu.memref_slice %arg13[%dma_wait3A_774] : memref<4x!tpu.dma_semaphore, #tpu.memory_space<semaphore_mem>> -> memref<1x!tpu.dma_semaphore, #tpu.memory_space<semaphore_mem>>
        %dma_wait3A_779 = tpu.memref_squeeze %dma_wait3A_778 : memref<1x!tpu.dma_semaphore, #tpu.memory_space<semaphore_mem>> -> memref<!tpu.dma_semaphore, #tpu.memory_space<semaphore_mem>>
        %dma_wait3A_780 = arith.constant 0 : i32
        %dma_wait3A_781 = tpu.memref_slice %arg2[%dma_wait3A, %dma_wait3A_780] : memref<2048x1024xi32, #tpu.memory_space<hbm>> -> memref<1x1024xi32, #tpu.memory_space<hbm>>
        %dma_wait3A_782 = tpu.memref_squeeze %dma_wait3A_781 : memref<1x1024xi32, #tpu.memory_space<hbm>> -> memref<1024xi32, #tpu.memory_space<hbm>>
        tpu.wait_dma2 semaphore(%dma_wait3A_779 : memref<!tpu.dma_semaphore, #tpu.memory_space<semaphore_mem>>) src(%dma_wait3A_782 : memref<1024xi32, #tpu.memory_space<hbm>>) dst(%arg8 : memref<1024xi32, #tpu.memory_space<vmem>>)
      } else {
      }
      %lt3A_731 = arith.constant 64 : i32
      %lt3A_732 = arith.cmpi slt, %add3A_718, %lt3A_731 : i32
      %convert_element_type3A_733 = arith.extui %lt3A_732 : i1 to i32
      %cond3A_734 = arith.constant 0 : i32
      %cond3A_735 = arith.cmpi ne, %convert_element_type3A_733, %cond3A_734 : i32
      scf.if %cond3A_735 {
        %add3A_774 = arith.addi %mul3A_648, %add3A_718 : i32
        %dma_start3A = arith.constant 2 : i32
        %dma_start3A_775 = arith.constant 0 : i32
        %dma_start3A_776 = tpu.memref_slice %arg2[%add3A_774, %dma_start3A_775] : memref<2048x1024xi32, #tpu.memory_space<hbm>> -> memref<1x1024xi32, #tpu.memory_space<hbm>>
        %dma_start3A_777 = tpu.memref_squeeze %dma_start3A_776 : memref<1x1024xi32, #tpu.memory_space<hbm>> -> memref<1024xi32, #tpu.memory_space<hbm>>
        %dma_start3A_778 = tpu.memref_slice %arg12[%dma_start3A] : memref<4x!tpu.dma_semaphore, #tpu.memory_space<semaphore_mem>> -> memref<1x!tpu.dma_semaphore, #tpu.memory_space<semaphore_mem>>
        %dma_start3A_779 = tpu.memref_squeeze %dma_start3A_778 : memref<1x!tpu.dma_semaphore, #tpu.memory_space<semaphore_mem>> -> memref<!tpu.dma_semaphore, #tpu.memory_space<semaphore_mem>>
        %dma_start3A_780 = arith.constant 0 : i32
        %dma_start3A_781 = tpu.memref_slice %arg2[%add3A_774, %dma_start3A_780] : memref<2048x1024xi32, #tpu.memory_space<hbm>> -> memref<1x1024xi32, #tpu.memory_space<hbm>>
        %dma_start3A_782 = tpu.memref_squeeze %dma_start3A_781 : memref<1x1024xi32, #tpu.memory_space<hbm>> -> memref<1024xi32, #tpu.memory_space<hbm>>
        tpu.enqueue_dma source(%dma_start3A_782 : memref<1024xi32, #tpu.memory_space<hbm>>) target(%arg8 : memref<1024xi32, #tpu.memory_space<vmem>>) target_semaphore(%dma_start3A_779 : memref<!tpu.dma_semaphore, #tpu.memory_space<semaphore_mem>>)
      } else {
      }
      %ge3A_736 = arith.constant 0 : i32
      %ge3A_737 = arith.cmpi sge, %sub3A_720, %ge3A_736 : i32
      %lt3A_738 = arith.constant 64 : i32
      %lt3A_739 = arith.cmpi slt, %sub3A_720, %lt3A_738 : i32
      %and3A_740 = arith.andi %ge3A_737, %lt3A_739 : i1
      %convert_element_type3A_741 = arith.extui %and3A_740 : i1 to i32
      %cond3A_742 = arith.constant 0 : i32
      %cond3A_743 = arith.cmpi ne, %convert_element_type3A_741, %cond3A_742 : i32
      scf.if %cond3A_743 {
        %add3A_774 = arith.addi %mul3A_648, %sub3A_720 : i32
        %dma_wait3A = arith.constant 1 : i32
        %dma_wait3A_775 = arith.constant 0 : i32
        %dma_wait3A_776 = tpu.memref_slice %arg2[%add3A_774, %dma_wait3A_775] : memref<2048x1024xi32, #tpu.memory_space<hbm>> -> memref<1x1024xi32, #tpu.memory_space<hbm>>
        %dma_wait3A_777 = tpu.memref_squeeze %dma_wait3A_776 : memref<1x1024xi32, #tpu.memory_space<hbm>> -> memref<1024xi32, #tpu.memory_space<hbm>>
        %dma_wait3A_778 = tpu.memref_slice %arg12[%dma_wait3A] : memref<4x!tpu.dma_semaphore, #tpu.memory_space<semaphore_mem>> -> memref<1x!tpu.dma_semaphore, #tpu.memory_space<semaphore_mem>>
        %dma_wait3A_779 = tpu.memref_squeeze %dma_wait3A_778 : memref<1x!tpu.dma_semaphore, #tpu.memory_space<semaphore_mem>> -> memref<!tpu.dma_semaphore, #tpu.memory_space<semaphore_mem>>
        %dma_wait3A_780 = arith.constant 0 : i32
        %dma_wait3A_781 = tpu.memref_slice %arg2[%add3A_774, %dma_wait3A_780] : memref<2048x1024xi32, #tpu.memory_space<hbm>> -> memref<1x1024xi32, #tpu.memory_space<hbm>>
        %dma_wait3A_782 = tpu.memref_squeeze %dma_wait3A_781 : memref<1x1024xi32, #tpu.memory_space<hbm>> -> memref<1024xi32, #tpu.memory_space<hbm>>
        tpu.wait_dma2 semaphore(%dma_wait3A_779 : memref<!tpu.dma_semaphore, #tpu.memory_space<semaphore_mem>>) src(%dma_wait3A_782 : memref<1024xi32, #tpu.memory_space<hbm>>) dst(%arg7 : memref<1024xi32, #tpu.memory_space<vmem>>)
        %dma_start3A = arith.constant 1 : i32
        %dma_start3A_783 = arith.constant 0 : i32
        %dma_start3A_784 = tpu.memref_slice %arg5[%dma_start3A_783] : memref<131072xf32, #tpu.memory_space<vmem_shared>> -> memref<131072xf32, #tpu.memory_space<vmem_shared>>
        %dma_start3A_785 = tpu.memref_slice %arg13[%dma_start3A] : memref<4x!tpu.dma_semaphore, #tpu.memory_space<semaphore_mem>> -> memref<1x!tpu.dma_semaphore, #tpu.memory_space<semaphore_mem>>
        %dma_start3A_786 = tpu.memref_squeeze %dma_start3A_785 : memref<1x!tpu.dma_semaphore, #tpu.memory_space<semaphore_mem>> -> memref<!tpu.dma_semaphore, #tpu.memory_space<semaphore_mem>>
        tpu.enqueue_indirect_dma source(%arg10 : memref<1024xf32, #tpu.memory_space<vmem>>) target(%dma_start3A_784 : memref<131072xf32, #tpu.memory_space<vmem_shared>>) offsets(%arg7 : memref<1024xi32, #tpu.memory_space<vmem>>) semaphore(%dma_start3A_786 : memref<!tpu.dma_semaphore, #tpu.memory_space<semaphore_mem>>) {add = true}
      } else {
      }
      %mul3A_744 = arith.constant 4 : i32
      %mul3A_745 = arith.muli %scan3A_661, %mul3A_744 : i32
      %add3A_746 = arith.constant 3 : i32
      %add3A_747 = arith.addi %mul3A_745, %add3A_746 : i32
      %sub3A_748 = arith.constant 1 : i32
      %sub3A_749 = arith.subi %add3A_747, %sub3A_748 : i32
      %ge3A_750 = arith.constant 4 : i32
      %ge3A_751 = arith.cmpi sge, %add3A_747, %ge3A_750 : i32
      %sub3A_752 = arith.constant 4 : i32
      %sub3A_753 = arith.subi %add3A_747, %sub3A_752 : i32
      %lt3A_754 = arith.constant 64 : i32
      %lt3A_755 = arith.cmpi slt, %sub3A_753, %lt3A_754 : i32
      %and3A_756 = arith.andi %ge3A_751, %lt3A_755 : i1
      %convert_element_type3A_757 = arith.extui %and3A_756 : i1 to i32
      %cond3A_758 = arith.constant 0 : i32
      %cond3A_759 = arith.cmpi ne, %convert_element_type3A_757, %cond3A_758 : i32
      scf.if %cond3A_759 {
        %dma_wait3A = arith.constant 0 : i32
        %dma_wait3A_774 = arith.constant 3 : i32
        %dma_wait3A_775 = arith.constant 0 : i32
        %dma_wait3A_776 = tpu.memref_slice %arg2[%dma_wait3A, %dma_wait3A_775] : memref<2048x1024xi32, #tpu.memory_space<hbm>> -> memref<1x1024xi32, #tpu.memory_space<hbm>>
        %dma_wait3A_777 = tpu.memref_squeeze %dma_wait3A_776 : memref<1x1024xi32, #tpu.memory_space<hbm>> -> memref<1024xi32, #tpu.memory_space<hbm>>
        %dma_wait3A_778 = tpu.memref_slice %arg13[%dma_wait3A_774] : memref<4x!tpu.dma_semaphore, #tpu.memory_space<semaphore_mem>> -> memref<1x!tpu.dma_semaphore, #tpu.memory_space<semaphore_mem>>
        %dma_wait3A_779 = tpu.memref_squeeze %dma_wait3A_778 : memref<1x!tpu.dma_semaphore, #tpu.memory_space<semaphore_mem>> -> memref<!tpu.dma_semaphore, #tpu.memory_space<semaphore_mem>>
        %dma_wait3A_780 = arith.constant 0 : i32
        %dma_wait3A_781 = tpu.memref_slice %arg2[%dma_wait3A, %dma_wait3A_780] : memref<2048x1024xi32, #tpu.memory_space<hbm>> -> memref<1x1024xi32, #tpu.memory_space<hbm>>
        %dma_wait3A_782 = tpu.memref_squeeze %dma_wait3A_781 : memref<1x1024xi32, #tpu.memory_space<hbm>> -> memref<1024xi32, #tpu.memory_space<hbm>>
        tpu.wait_dma2 semaphore(%dma_wait3A_779 : memref<!tpu.dma_semaphore, #tpu.memory_space<semaphore_mem>>) src(%dma_wait3A_782 : memref<1024xi32, #tpu.memory_space<hbm>>) dst(%arg9 : memref<1024xi32, #tpu.memory_space<vmem>>)
      } else {
      }
      %lt3A_760 = arith.constant 64 : i32
      %lt3A_761 = arith.cmpi slt, %add3A_747, %lt3A_760 : i32
      %convert_element_type3A_762 = arith.extui %lt3A_761 : i1 to i32
      %cond3A_763 = arith.constant 0 : i32
      %cond3A_764 = arith.cmpi ne, %convert_element_type3A_762, %cond3A_763 : i32
      scf.if %cond3A_764 {
        %add3A_774 = arith.addi %mul3A_648, %add3A_747 : i32
        %dma_start3A = arith.constant 3 : i32
        %dma_start3A_775 = arith.constant 0 : i32
        %dma_start3A_776 = tpu.memref_slice %arg2[%add3A_774, %dma_start3A_775] : memref<2048x1024xi32, #tpu.memory_space<hbm>> -> memref<1x1024xi32, #tpu.memory_space<hbm>>
        %dma_start3A_777 = tpu.memref_squeeze %dma_start3A_776 : memref<1x1024xi32, #tpu.memory_space<hbm>> -> memref<1024xi32, #tpu.memory_space<hbm>>
        %dma_start3A_778 = tpu.memref_slice %arg12[%dma_start3A] : memref<4x!tpu.dma_semaphore, #tpu.memory_space<semaphore_mem>> -> memref<1x!tpu.dma_semaphore, #tpu.memory_space<semaphore_mem>>
        %dma_start3A_779 = tpu.memref_squeeze %dma_start3A_778 : memref<1x!tpu.dma_semaphore, #tpu.memory_space<semaphore_mem>> -> memref<!tpu.dma_semaphore, #tpu.memory_space<semaphore_mem>>
        %dma_start3A_780 = arith.constant 0 : i32
        %dma_start3A_781 = tpu.memref_slice %arg2[%add3A_774, %dma_start3A_780] : memref<2048x1024xi32, #tpu.memory_space<hbm>> -> memref<1x1024xi32, #tpu.memory_space<hbm>>
        %dma_start3A_782 = tpu.memref_squeeze %dma_start3A_781 : memref<1x1024xi32, #tpu.memory_space<hbm>> -> memref<1024xi32, #tpu.memory_space<hbm>>
        tpu.enqueue_dma source(%dma_start3A_782 : memref<1024xi32, #tpu.memory_space<hbm>>) target(%arg9 : memref<1024xi32, #tpu.memory_space<vmem>>) target_semaphore(%dma_start3A_779 : memref<!tpu.dma_semaphore, #tpu.memory_space<semaphore_mem>>)
      } else {
      }
      %ge3A_765 = arith.constant 0 : i32
      %ge3A_766 = arith.cmpi sge, %sub3A_749, %ge3A_765 : i32
      %lt3A_767 = arith.constant 64 : i32
      %lt3A_768 = arith.cmpi slt, %sub3A_749, %lt3A_767 : i32
      %and3A_769 = arith.andi %ge3A_766, %lt3A_768 : i1
      %convert_element_type3A_770 = arith.extui %and3A_769 : i1 to i32
      %cond3A_771 = arith.constant 0 : i32
      %cond3A_772 = arith.cmpi ne, %convert_element_type3A_770, %cond3A_771 : i32
      scf.if %cond3A_772 {
        %add3A_774 = arith.addi %mul3A_648, %sub3A_749 : i32
        %dma_wait3A = arith.constant 2 : i32
        %dma_wait3A_775 = arith.constant 0 : i32
        %dma_wait3A_776 = tpu.memref_slice %arg2[%add3A_774, %dma_wait3A_775] : memref<2048x1024xi32, #tpu.memory_space<hbm>> -> memref<1x1024xi32, #tpu.memory_space<hbm>>
        %dma_wait3A_777 = tpu.memref_squeeze %dma_wait3A_776 : memref<1x1024xi32, #tpu.memory_space<hbm>> -> memref<1024xi32, #tpu.memory_space<hbm>>
        %dma_wait3A_778 = tpu.memref_slice %arg12[%dma_wait3A] : memref<4x!tpu.dma_semaphore, #tpu.memory_space<semaphore_mem>> -> memref<1x!tpu.dma_semaphore, #tpu.memory_space<semaphore_mem>>
        %dma_wait3A_779 = tpu.memref_squeeze %dma_wait3A_778 : memref<1x!tpu.dma_semaphore, #tpu.memory_space<semaphore_mem>> -> memref<!tpu.dma_semaphore, #tpu.memory_space<semaphore_mem>>
        %dma_wait3A_780 = arith.constant 0 : i32
        %dma_wait3A_781 = tpu.memref_slice %arg2[%add3A_774, %dma_wait3A_780] : memref<2048x1024xi32, #tpu.memory_space<hbm>> -> memref<1x1024xi32, #tpu.memory_space<hbm>>
        %dma_wait3A_782 = tpu.memref_squeeze %dma_wait3A_781 : memref<1x1024xi32, #tpu.memory_space<hbm>> -> memref<1024xi32, #tpu.memory_space<hbm>>
        tpu.wait_dma2 semaphore(%dma_wait3A_779 : memref<!tpu.dma_semaphore, #tpu.memory_space<semaphore_mem>>) src(%dma_wait3A_782 : memref<1024xi32, #tpu.memory_space<hbm>>) dst(%arg8 : memref<1024xi32, #tpu.memory_space<vmem>>)
        %dma_start3A = arith.constant 2 : i32
        %dma_start3A_783 = arith.constant 0 : i32
        %dma_start3A_784 = tpu.memref_slice %arg5[%dma_start3A_783] : memref<131072xf32, #tpu.memory_space<vmem_shared>> -> memref<131072xf32, #tpu.memory_space<vmem_shared>>
        %dma_start3A_785 = tpu.memref_slice %arg13[%dma_start3A] : memref<4x!tpu.dma_semaphore, #tpu.memory_space<semaphore_mem>> -> memref<1x!tpu.dma_semaphore, #tpu.memory_space<semaphore_mem>>
        %dma_start3A_786 = tpu.memref_squeeze %dma_start3A_785 : memref<1x!tpu.dma_semaphore, #tpu.memory_space<semaphore_mem>> -> memref<!tpu.dma_semaphore, #tpu.memory_space<semaphore_mem>>
        tpu.enqueue_indirect_dma source(%arg10 : memref<1024xf32, #tpu.memory_space<vmem>>) target(%dma_start3A_784 : memref<131072xf32, #tpu.memory_space<vmem_shared>>) offsets(%arg8 : memref<1024xi32, #tpu.memory_space<vmem>>) semaphore(%dma_start3A_786 : memref<!tpu.dma_semaphore, #tpu.memory_space<semaphore_mem>>) {add = true}
      } else {
      }
      %scan3A_773 = arith.constant 0 : i32
      scf.yield %scan3A_773 : i32
    }
    %scan3A_655 = arith.constant 18 : i32
    %barrier3A_656 = arith.constant 0 : index
    tpu.barrier barrier_id(%barrier3A_656)
    %mul3A_657 = arith.constant 8192 : i32
    %mul3A_658 = arith.muli %arg1, %mul3A_657 : i32
    %mul3A_659 = arith.constant 8192 : i32
    %mul3A_660 = arith.muli %arg1, %mul3A_659 : i32
    "tpu.region"() ({
      %run_scoped3A = tpu.sem_alloc : memref<!tpu.dma_semaphore, #tpu.memory_space<semaphore_mem>>
      %dma_start3A = tpu.memref_slice %arg4[%arg0, %mul3A_660] : memref<2x131072xf32, #tpu.memory_space<hbm>> -> memref<1x8192xf32, #tpu.memory_space<hbm>>
      %dma_start3A_661 = tpu.memref_squeeze %dma_start3A : memref<1x8192xf32, #tpu.memory_space<hbm>> -> memref<8192xf32, #tpu.memory_space<hbm>>
      %dma_start3A_662 = tpu.memref_slice %arg5[%mul3A_658] : memref<131072xf32, #tpu.memory_space<vmem_shared>> -> memref<8192xf32, #tpu.memory_space<vmem_shared>>
      tpu.enqueue_dma source(%dma_start3A_662 : memref<8192xf32, #tpu.memory_space<vmem_shared>>) target(%dma_start3A_661 : memref<8192xf32, #tpu.memory_space<hbm>>) target_semaphore(%run_scoped3A : memref<!tpu.dma_semaphore, #tpu.memory_space<semaphore_mem>>)
      %dma_wait3A = tpu.memref_slice %arg4[%arg0, %mul3A_660] : memref<2x131072xf32, #tpu.memory_space<hbm>> -> memref<1x8192xf32, #tpu.memory_space<hbm>>
      %dma_wait3A_663 = tpu.memref_squeeze %dma_wait3A : memref<1x8192xf32, #tpu.memory_space<hbm>> -> memref<8192xf32, #tpu.memory_space<hbm>>
      %dma_wait3A_664 = tpu.memref_slice %arg5[%mul3A_658] : memref<131072xf32, #tpu.memory_space<vmem_shared>> -> memref<8192xf32, #tpu.memory_space<vmem_shared>>
      tpu.wait_dma2 semaphore(%run_scoped3A : memref<!tpu.dma_semaphore, #tpu.memory_space<semaphore_mem>>) src(%dma_wait3A_664 : memref<8192xf32, #tpu.memory_space<vmem_shared>>) dst(%dma_wait3A_663 : memref<8192xf32, #tpu.memory_space<hbm>>)
      tpu.yield
    }) : () -> ()
    return
  }
}

module attributes {stable_mosaic.version = 14 : i64} {
  func.func @_tc1_body(%arg0: memref<2x1024x128xf32, #tpu.memory_space<vmem>>, %arg1: memref<1024x128xf32, #tpu.memory_space<vmem>>, %arg2: memref<1024x128xf32, #tpu.memory_space<vmem>>, %arg3: memref<1024x128xf32, #tpu.memory_space<vmem>>, %arg4: memref<1024x128xf32, #tpu.memory_space<vmem>>, %arg5: memref<1024x128xf32, #tpu.memory_space<vmem>>) attributes {dimension_semantics = [], scalar_prefetch = 0 : i64, scratch_operands = 0 : i64, tpu.core_type = #tpu.core_type<tc>} {
    %get3A = arith.constant 0 : index
    %get3A_0 = arith.constant 0 : index
    %get3A_1 = arith.constant 0 : index
    %get3A_2 = vector.load %arg0[%get3A, %get3A_0, %get3A_1] : memref<2x1024x128xf32, #tpu.memory_space<vmem>>, vector<1x1024x128xf32>
    %get3A_3 = vector.shape_cast %get3A_2 : vector<1x1024x128xf32> to vector<1024x128xf32>
    %get3A_4 = arith.constant 1 : index
    %get3A_5 = arith.constant 0 : index
    %get3A_6 = arith.constant 0 : index
    %get3A_7 = vector.load %arg0[%get3A_4, %get3A_5, %get3A_6] : memref<2x1024x128xf32, #tpu.memory_space<vmem>>, vector<1x1024x128xf32>
    %get3A_8 = vector.shape_cast %get3A_7 : vector<1x1024x128xf32> to vector<1024x128xf32>
    %add3A = arith.addf %get3A_3, %get3A_8 : vector<1024x128xf32>
    %add3A_9 = arith.constant 1.000000e+00 : f32
    %add3A_10 = vector.broadcast %add3A_9 : f32 to vector<1024x128xf32>
    %add3A_11 = arith.addf %add3A, %add3A_10 : vector<1024x128xf32>
    %rsqrt3A = math.rsqrt %add3A_11 : vector<1024x128xf32>
    %swap3A = arith.constant 0 : index
    %swap3A_12 = arith.constant 0 : index
    %swap3A_13 = vector.load %arg5[%swap3A, %swap3A_12] : memref<1024x128xf32, #tpu.memory_space<vmem>>, vector<1024x128xf32>
    tpu.vector_store %arg5[%swap3A, %swap3A_12], %rsqrt3A {strides = array<i32>} : memref<1024x128xf32, #tpu.memory_space<vmem>>, vector<1024x128xf32>,
    %get3A_14 = arith.constant 0 : index
    %get3A_15 = arith.constant 0 : index
    %get3A_16 = vector.load %arg1[%get3A_14, %get3A_15] : memref<1024x128xf32, #tpu.memory_space<vmem>>, vector<1024x128xf32>
    %mul3A = arith.mulf %get3A_16, %rsqrt3A : vector<1024x128xf32>
    %swap3A_17 = arith.constant 0 : index
    %swap3A_18 = arith.constant 0 : index
    %swap3A_19 = vector.load %arg3[%swap3A_17, %swap3A_18] : memref<1024x128xf32, #tpu.memory_space<vmem>>, vector<1024x128xf32>
    tpu.vector_store %arg3[%swap3A_17, %swap3A_18], %mul3A {strides = array<i32>} : memref<1024x128xf32, #tpu.memory_space<vmem>>, vector<1024x128xf32>,
    %get3A_20 = arith.constant 0 : index
    %get3A_21 = arith.constant 0 : index
    %get3A_22 = vector.load %arg2[%get3A_20, %get3A_21] : memref<1024x128xf32, #tpu.memory_space<vmem>>, vector<1024x128xf32>
    %mul3A_23 = arith.mulf %get3A_22, %rsqrt3A : vector<1024x128xf32>
    %swap3A_24 = arith.constant 0 : index
    %swap3A_25 = arith.constant 0 : index
    %swap3A_26 = vector.load %arg4[%swap3A_24, %swap3A_25] : memref<1024x128xf32, #tpu.memory_space<vmem>>, vector<1024x128xf32>
    tpu.vector_store %arg4[%swap3A_24, %swap3A_25], %mul3A_23 {strides = array<i32>} : memref<1024x128xf32, #tpu.memory_space<vmem>>, vector<1024x128xf32>,
    return
  }
}

module attributes {stable_mosaic.version = 14 : i64} {
  func.func @_tc2_body(%arg0: memref<1024x128xf32, #tpu.memory_space<vmem>>, %arg1: memref<1024x128xf32, #tpu.memory_space<vmem>>, %arg2: memref<1024x128xf32, #tpu.memory_space<vmem>>, %arg3: memref<1024x128xf32, #tpu.memory_space<vmem>>, %arg4: memref<1024x128xf32, #tpu.memory_space<vmem>>, %arg5: memref<1024x128xf32, #tpu.memory_space<vmem>>, %arg6: memref<1024x128xf32, #tpu.memory_space<vmem>>, %arg7: memref<128x512xf32, #tpu.memory_space<vmem>>, %arg8: memref<128x512xf32, #tpu.memory_space<vmem>>, %arg9: memref<1x512xf32, #tpu.memory_space<vmem>>, %arg10: memref<512x1024xf32, #tpu.memory_space<vmem>>, %arg11: memref<1x1024xf32, #tpu.memory_space<vmem>>, %arg12: memref<256x1024xf32, #tpu.memory_space<vmem>>) attributes {dimension_semantics = [], scalar_prefetch = 0 : i64, scratch_operands = 0 : i64, tpu.core_type = #tpu.core_type<tc>} {
    %get3A = arith.constant 0 : index
    %get3A_0 = arith.constant 0 : index
    %get3A_1 = vector.load %arg6[%get3A, %get3A_0] : memref<1024x128xf32, #tpu.memory_space<vmem>>, vector<1024x128xf32>
    %get3A_2 = arith.constant 0 : index
    %get3A_3 = arith.constant 0 : index
    %get3A_4 = vector.load %arg0[%get3A_2, %get3A_3] : memref<1024x128xf32, #tpu.memory_space<vmem>>, vector<1024x128xf32>
    %get3A_5 = arith.constant 0 : index
    %get3A_6 = arith.constant 0 : index
    %get3A_7 = vector.load %arg2[%get3A_5, %get3A_6] : memref<1024x128xf32, #tpu.memory_space<vmem>>, vector<1024x128xf32>
    %add3A = arith.addf %get3A_4, %get3A_7 : vector<1024x128xf32>
    %get3A_8 = arith.constant 0 : index
    %get3A_9 = arith.constant 0 : index
    %get3A_10 = vector.load %arg4[%get3A_8, %get3A_9] : memref<1024x128xf32, #tpu.memory_space<vmem>>, vector<1024x128xf32>
    %mul3A = arith.mulf %get3A_10, %get3A_1 : vector<1024x128xf32>
    %add3A_11 = arith.addf %add3A, %mul3A : vector<1024x128xf32>
    %mul3A_12 = arith.mulf %add3A_11, %get3A_1 : vector<1024x128xf32>
    %get3A_13 = arith.constant 0 : index
    %get3A_14 = arith.constant 0 : index
    %get3A_15 = vector.load %arg1[%get3A_13, %get3A_14] : memref<1024x128xf32, #tpu.memory_space<vmem>>, vector<1024x128xf32>
    %get3A_16 = arith.constant 0 : index
    %get3A_17 = arith.constant 0 : index
    %get3A_18 = vector.load %arg3[%get3A_16, %get3A_17] : memref<1024x128xf32, #tpu.memory_space<vmem>>, vector<1024x128xf32>
    %add3A_19 = arith.addf %get3A_15, %get3A_18 : vector<1024x128xf32>
    %get3A_20 = arith.constant 0 : index
    %get3A_21 = arith.constant 0 : index
    %get3A_22 = vector.load %arg5[%get3A_20, %get3A_21] : memref<1024x128xf32, #tpu.memory_space<vmem>>, vector<1024x128xf32>
    %mul3A_23 = arith.mulf %get3A_22, %get3A_1 : vector<1024x128xf32>
    %add3A_24 = arith.addf %add3A_19, %mul3A_23 : vector<1024x128xf32>
    %mul3A_25 = arith.mulf %add3A_24, %get3A_1 : vector<1024x128xf32>
    %get3A_26 = arith.constant 0 : index
    %get3A_27 = arith.constant 0 : index
    %get3A_28 = vector.load %arg7[%get3A_26, %get3A_27] : memref<128x512xf32, #tpu.memory_space<vmem>>, vector<128x512xf32>
    %dot_general3A = arith.constant dense<0.000000e+00> : vector<1024x512xf32>
    %dot_general3A_29 = tpu.matmul %mul3A_12, %get3A_28, %dot_general3A {dimension_numbers = #tpu.dot_dimension_numbers<[1], [0], [0], [1], [0, 0, 1, 1], [], []>, transpose_lhs_hint = false} : vector<1024x128xf32>, vector<128x512xf32>, vector<1024x512xf32> -> vector<1024x512xf32>
    %get3A_30 = arith.constant 0 : index
    %get3A_31 = arith.constant 0 : index
    %get3A_32 = vector.load %arg8[%get3A_30, %get3A_31] : memref<128x512xf32, #tpu.memory_space<vmem>>, vector<128x512xf32>
    %dot_general3A_33 = arith.constant dense<0.000000e+00> : vector<1024x512xf32>
    %dot_general3A_34 = tpu.matmul %mul3A_25, %get3A_32, %dot_general3A_33 {dimension_numbers = #tpu.dot_dimension_numbers<[1], [0], [0], [1], [0, 0, 1, 1], [], []>, transpose_lhs_hint = false} : vector<1024x128xf32>, vector<128x512xf32>, vector<1024x512xf32> -> vector<1024x512xf32>
    %add3A_35 = arith.addf %dot_general3A_29, %dot_general3A_34 : vector<1024x512xf32>
    %get3A_36 = arith.constant 0 : index
    %get3A_37 = arith.constant 0 : index
    %get3A_38 = vector.load %arg9[%get3A_36, %get3A_37] : memref<1x512xf32, #tpu.memory_space<vmem>>, vector<1x512xf32>
    %add3A_39 = vector.broadcast %get3A_38 : vector<1x512xf32> to vector<1024x512xf32>
    %add3A_40 = arith.addf %add3A_35, %add3A_39 : vector<1024x512xf32>
    %max3A = arith.constant 0.000000e+00 : f32
    %max3A_41 = vector.broadcast %max3A : f32 to vector<1024x512xf32>
    %max3A_42 = arith.maximumf %add3A_40, %max3A_41 : vector<1024x512xf32>
    %reshape3A = vector.shape_cast %max3A_42 : vector<1024x512xf32> to vector<512x2x512xf32>
    %reduce_max3A = arith.constant dense<0xFF800000> : vector<512x512xf32>
    %reduce_max3A_43 = vector.multi_reduction <maximumf>, %reshape3A, %reduce_max3A [1] : vector<512x2x512xf32> to vector<512x512xf32>
    %get3A_44 = arith.constant 0 : index
    %get3A_45 = arith.constant 0 : index
    %get3A_46 = vector.load %arg10[%get3A_44, %get3A_45] : memref<512x1024xf32, #tpu.memory_space<vmem>>, vector<512x1024xf32>
    %dot_general3A_47 = arith.constant dense<0.000000e+00> : vector<512x1024xf32>
    %dot_general3A_48 = tpu.matmul %reduce_max3A_43, %get3A_46, %dot_general3A_47 {dimension_numbers = #tpu.dot_dimension_numbers<[1], [0], [0], [1], [0, 0, 1, 1], [], []>, transpose_lhs_hint = false} : vector<512x512xf32>, vector<512x1024xf32>, vector<512x1024xf32> -> vector<512x1024xf32>
    %rsqrt3A = arith.constant 3.000000e+00 : f32
    %rsqrt3A_49 = math.rsqrt %rsqrt3A : f32
    %rsqrt3A_50 = arith.constant 2.000000e+00 : f32
    %rsqrt3A_51 = math.rsqrt %rsqrt3A_50 : f32
    %iota3A = tpu.iota {dimensions = array<i32: 0>} : vector<512x1024xi32>
    %iota3A_52 = tpu.iota {dimensions = array<i32: 1>} : vector<512x1024xi32>
    %eq3A = arith.constant 0 : i32
    %eq3A_53 = vector.broadcast %eq3A : i32 to vector<512x1024xi32>
    %eq3A_54 = arith.cmpi eq, %iota3A, %eq3A_53 : vector<512x1024xi32>
    %lt3A = arith.constant 8 : i32
    %lt3A_55 = vector.broadcast %lt3A : i32 to vector<512x1024xi32>
    %lt3A_56 = arith.cmpi slt, %iota3A_52, %lt3A_55 : vector<512x1024xi32>
    %and3A = arith.andi %eq3A_54, %lt3A_56 : vector<512x1024xi1>
    %eq3A_57 = arith.constant 511 : i32
    %eq3A_58 = vector.broadcast %eq3A_57 : i32 to vector<512x1024xi32>
    %eq3A_59 = arith.cmpi eq, %iota3A, %eq3A_58 : vector<512x1024xi32>
    %ge3A = arith.constant 1016 : i32
    %ge3A_60 = vector.broadcast %ge3A : i32 to vector<512x1024xi32>
    %ge3A_61 = arith.cmpi sge, %iota3A_52, %ge3A_60 : vector<512x1024xi32>
    %and3A_62 = arith.andi %eq3A_59, %ge3A_61 : vector<512x1024xi1>
    %or3A = arith.ori %and3A, %and3A_62 : vector<512x1024xi1>
    %broadcast_in_dim3A = vector.broadcast %rsqrt3A_51 : f32 to vector<512x1024xf32>
    %broadcast_in_dim3A_63 = vector.broadcast %rsqrt3A_49 : f32 to vector<512x1024xf32>
    %select_n3A = arith.select %or3A, %broadcast_in_dim3A, %broadcast_in_dim3A_63 : vector<512x1024xi1>, vector<512x1024xf32>
    %mul3A_64 = arith.mulf %dot_general3A_48, %select_n3A : vector<512x1024xf32>
    %broadcast_in_dim3A_65 = arith.constant 0.000000e+00 : f32
    %broadcast_in_dim3A_66 = vector.broadcast %broadcast_in_dim3A_65 : f32 to vector<1x8xf32>
    %slice3A = vector.extract_strided_slice %mul3A_64 {offsets = [511, 0], sizes = [1, 1016], strides = [1, 1]} : vector<512x1024xf32> to vector<1x1016xf32>
    %concatenate3A = tpu.concatenate %broadcast_in_dim3A_66, %slice3A in 1 : vector<1x8xf32>, vector<1x1016xf32> -> vector<1x1024xf32>
    %slice3A_67 = vector.extract_strided_slice %mul3A_64 {offsets = [0, 8], sizes = [1, 1016], strides = [1, 1]} : vector<512x1024xf32> to vector<1x1016xf32>
    %concatenate3A_68 = tpu.concatenate %slice3A_67, %broadcast_in_dim3A_66 in 1 : vector<1x1016xf32>, vector<1x8xf32> -> vector<1x1024xf32>
    %slice3A_69 = vector.extract_strided_slice %mul3A_64 {offsets = [0, 0], sizes = [511, 1024], strides = [1, 1]} : vector<512x1024xf32> to vector<511x1024xf32>
    %concatenate3A_70 = tpu.concatenate %concatenate3A, %slice3A_69 in 0 : vector<1x1024xf32>, vector<511x1024xf32> -> vector<512x1024xf32>
    %slice3A_71 = vector.extract_strided_slice %mul3A_64 {offsets = [1, 0], sizes = [511, 1024], strides = [1, 1]} : vector<512x1024xf32> to vector<511x1024xf32>
    %concatenate3A_72 = tpu.concatenate %slice3A_71, %concatenate3A_68 in 0 : vector<511x1024xf32>, vector<1x1024xf32> -> vector<512x1024xf32>
    %add3A_73 = arith.addf %concatenate3A_70, %mul3A_64 : vector<512x1024xf32>
    %add3A_74 = arith.addf %add3A_73, %concatenate3A_72 : vector<512x1024xf32>
    %mul3A_75 = arith.mulf %select_n3A, %add3A_74 : vector<512x1024xf32>
    %get3A_76 = arith.constant 0 : index
    %get3A_77 = arith.constant 0 : index
    %get3A_78 = vector.load %arg11[%get3A_76, %get3A_77] : memref<1x1024xf32, #tpu.memory_space<vmem>>, vector<1x1024xf32>
    %add3A_79 = vector.broadcast %get3A_78 : vector<1x1024xf32> to vector<512x1024xf32>
    %add3A_80 = arith.addf %mul3A_75, %add3A_79 : vector<512x1024xf32>
    %max3A_81 = arith.constant 0.000000e+00 : f32
    %max3A_82 = vector.broadcast %max3A_81 : f32 to vector<512x1024xf32>
    %max3A_83 = arith.maximumf %add3A_80, %max3A_82 : vector<512x1024xf32>
    %reshape3A_84 = vector.shape_cast %max3A_83 : vector<512x1024xf32> to vector<256x2x1024xf32>
    %reduce_max3A_85 = arith.constant dense<0xFF800000> : vector<256x1024xf32>
    %reduce_max3A_86 = vector.multi_reduction <maximumf>, %reshape3A_84, %reduce_max3A_85 [1] : vector<256x2x1024xf32> to vector<256x1024xf32>
    %swap3A = arith.constant 0 : index
    %swap3A_87 = arith.constant 0 : index
    %swap3A_88 = vector.load %arg12[%swap3A, %swap3A_87] : memref<256x1024xf32, #tpu.memory_space<vmem>>, vector<256x1024xf32>
    tpu.vector_store %arg12[%swap3A, %swap3A_87], %reduce_max3A_86 {strides = array<i32>} : memref<256x1024xf32, #tpu.memory_space<vmem>>, vector<256x1024xf32>,
    return
  }
}

module attributes {stable_mosaic.version = 14 : i64} {
  func.func @_tc3_body(%arg0: memref<64x4096xf32, #tpu.memory_space<vmem>>, %arg1: memref<4096x128xf32, #tpu.memory_space<vmem>>, %arg2: memref<1x128xf32, #tpu.memory_space<vmem>>, %arg3: memref<4096x128xf32, #tpu.memory_space<vmem>>, %arg4: memref<1x128xf32, #tpu.memory_space<vmem>>, %arg5: memref<64x128xf32, #tpu.memory_space<vmem>>, %arg6: memref<64x128xf32, #tpu.memory_space<vmem>>) attributes {dimension_semantics = [], scalar_prefetch = 0 : i64, scratch_operands = 0 : i64, tpu.core_type = #tpu.core_type<tc>} {
    %get3A = arith.constant 0 : index
    %get3A_0 = arith.constant 0 : index
    %get3A_1 = vector.load %arg0[%get3A, %get3A_0] : memref<64x4096xf32, #tpu.memory_space<vmem>>, vector<64x4096xf32>
    %get3A_2 = arith.constant 0 : index
    %get3A_3 = arith.constant 0 : index
    %get3A_4 = vector.load %arg1[%get3A_2, %get3A_3] : memref<4096x128xf32, #tpu.memory_space<vmem>>, vector<4096x128xf32>
    %dot_general3A = arith.constant dense<0.000000e+00> : vector<64x128xf32>
    %dot_general3A_5 = tpu.matmul %get3A_1, %get3A_4, %dot_general3A {dimension_numbers = #tpu.dot_dimension_numbers<[1], [0], [0], [1], [0, 0, 1, 1], [], []>, transpose_lhs_hint = false} : vector<64x4096xf32>, vector<4096x128xf32>, vector<64x128xf32> -> vector<64x128xf32>
    %get3A_6 = arith.constant 0 : index
    %get3A_7 = arith.constant 0 : index
    %get3A_8 = vector.load %arg2[%get3A_6, %get3A_7] : memref<1x128xf32, #tpu.memory_space<vmem>>, vector<1x128xf32>
    %add3A = vector.broadcast %get3A_8 : vector<1x128xf32> to vector<64x128xf32>
    %add3A_9 = arith.addf %dot_general3A_5, %add3A : vector<64x128xf32>
    %swap3A = arith.constant 0 : index
    %swap3A_10 = arith.constant 0 : index
    %swap3A_11 = vector.load %arg5[%swap3A, %swap3A_10] : memref<64x128xf32, #tpu.memory_space<vmem>>, vector<64x128xf32>
    tpu.vector_store %arg5[%swap3A, %swap3A_10], %add3A_9 {strides = array<i32>} : memref<64x128xf32, #tpu.memory_space<vmem>>, vector<64x128xf32>,
    %get3A_12 = arith.constant 0 : index
    %get3A_13 = arith.constant 0 : index
    %get3A_14 = vector.load %arg3[%get3A_12, %get3A_13] : memref<4096x128xf32, #tpu.memory_space<vmem>>, vector<4096x128xf32>
    %dot_general3A_15 = arith.constant dense<0.000000e+00> : vector<64x128xf32>
    %dot_general3A_16 = tpu.matmul %get3A_1, %get3A_14, %dot_general3A_15 {dimension_numbers = #tpu.dot_dimension_numbers<[1], [0], [0], [1], [0, 0, 1, 1], [], []>, transpose_lhs_hint = false} : vector<64x4096xf32>, vector<4096x128xf32>, vector<64x128xf32> -> vector<64x128xf32>
    %get3A_17 = arith.constant 0 : index
    %get3A_18 = arith.constant 0 : index
    %get3A_19 = vector.load %arg4[%get3A_17, %get3A_18] : memref<1x128xf32, #tpu.memory_space<vmem>>, vector<1x128xf32>
    %add3A_20 = vector.broadcast %get3A_19 : vector<1x128xf32> to vector<64x128xf32>
    %add3A_21 = arith.addf %dot_general3A_16, %add3A_20 : vector<64x128xf32>
    %swap3A_22 = arith.constant 0 : index
    %swap3A_23 = arith.constant 0 : index
    %swap3A_24 = vector.load %arg6[%swap3A_22, %swap3A_23] : memref<64x128xf32, #tpu.memory_space<vmem>>, vector<64x128xf32>
    tpu.vector_store %arg6[%swap3A_22, %swap3A_23], %add3A_21 {strides = array<i32>} : memref<64x128xf32, #tpu.memory_space<vmem>>, vector<64x128xf32>,
    return
  }
}

</mosaic_0001>

<sc_bundles>
// kernel: kernel.10.cloned.1.call-start
scs
__scs_entry_jumppad:
0x0: {  	(pc) =	sbr.rel $0x88, $3  }
0x1: {  	(tag) =	ssettag $0x0;
	lr =	simm.s32 $0x1  }
0x2: {  	[smem:$0x3F97] =	sst lr;
	_ =	strace $0xD0000000  }
0x3: {  	_ = 	snop  }
0x4: {  	_ = 	snop  }
0x5: {  	_ = 	snop  }
0x6: {  	_ = 	snop  }
0x7: {  	_ = 	snop  }
__scs_overlays_trampoline_lowered:
0x8: {  	[smem:$0x3FA6] =	sst s0  }
0x9: {  	[smem:$0x3FA7] =	sst s1  }
0xa: {  	[smem:$0x3FA8] =	sst s2  }
0xb: {  	[smem:$0x3FA9] =	sst s3  }
0xc: {  	[smem:$0x3FAA] =	sst s4  }
0xd: {  	[smem:$0x3FAB] =	sst s5  }
0xe: {  	[smem:$0x3FAC] =	sst s6  }
0xf: {  	[smem:$0x3FAD] =	sst s7  }
0x10: {  	[smem:$0x3FAE] =	sst s8  }
0x11: {  	[smem:$0x3FAF] =	sst s9;
	s0 =	simm.s32 @!p0 $0x0  }
0x12: {  	s1 =	sld [smem:$0x3F95];
	s0 =	simm.s32 @p0 $0x1  }
0x13: {  	[smem:$0x3FB0] =	sst s0;
	s0 =	simm.s32 @!p1 $0x0  }
0x14: {  	s2 =	sld [smem:$0x3F94];
	s0 =	simm.s32 @p1 $0x1  }
0x15: {  	[smem:$0x3FB1] =	sst s0;
	s0 =	simm.s32 @!p2 $0x0  }
0x16: {  	s3 =	sld [smem:$0x3FDB];
	s0 =	simm.s32 @p2 $0x1  }
0x17: {  	s4 =	simm.s32 $0x1BF5;
	[smem:$0x3FB3] =	sst s0  }
0x18: {  	s0 =	sld [smem:$0x3F96];
	_ =	swait.ge [sflag:s4], $0x0  }
0x19: {  	s7 =	sld [smem:$0x3F97]  }
0x1a: {  	s8 =	sadd.s32 $0xFFFFE003, lr  }
0x1b: {  	s9 =	sadd.s32 $0xFFFFFEF7, lr;
	s5 =	simm.s32 $0xFFFFFFFF;
	p2 =	slt.u32 s8, $0xFFFFF086  }
0x1c: {  	p1 =	slt.u32 s9, $0xF7A;
	s5 =	simm.s32 @!p2 $0x0  }
0x1d: {  	s5 =	simm.s32 @p1 $0x1;
	p0 =	seq.s32 s7, s2  }
0x1e: {  	s7 =	smul.u32 @!p0 $0xF7A, s2;
	p2 =	seq.s32 @!p0 s5, $0x0  }
0x1f: {  	s9 =	smul.u32 $0xF7A, s1;
	s8 =	simm.s32 @!p0 $0x1BF5;
	p2 =	por !p2, p0  }
0x20: {  	[sflag:s8] =	ssyncset.s32 @!p0 $0xFFFFF086;
	s6 =	sadd.s32 @!p0 s3, s7;
	s7 =	simm.s32 @!p0 $0x108  }
0x21: {  	s3 =	sadd.s32 s3, s9;
	s6 =	sadd.s32 @!p0 $0x88, s6;
	s7 =	simm.s32 @p2 $0x1082  }
0x22: {  	[simem:s7], [sflag:s8] =	dma.local @!p0 [hbm:s6], $0xF7A  }
0x23: {  	s9 =	sor.u32 $0xD0000000, s2;
	s6 =	simm.s32 $0x108;
	_ =	swait.ge @!p0 [sflag:s8], $0x0  }
0x24: {  	s3 =	sadd.s32 $0x88, s3;
	s6 =	simm.s32 @!p1 $0x1082;
	[sflag:s4] =	ssyncset.s32 $0xFFFFF086  }
0x25: {  	[simem:s6], [sflag:s4] =	dma.local [hbm:s3], $0xF7A  }
0x26: {  	[smem:$0x3F97] =	sst s1;
	(tag) =	ssettag s2;
	_ =	strace s9  }
0x27: {  	s1 =	sld [smem:$0x3FA7]  }
0x28: {  	s2 =	sld [smem:$0x3FA8]  }
0x29: {  	s4 =	sld [smem:$0x3FAA]  }
0x2a: {  	p0 =	seq.s32 s5, $0x0;
	s5 =	sld [smem:$0x3FAB]  }
0x2b: {  	s6 =	sld [smem:$0x3FAC]  }
0x2c: {  	s7 =	sld [smem:$0x3FAD]  }
0x2d: {  	s3 =	simm.s32 $0x108;
	s8 =	sld [smem:$0x3FAE]  }
0x2e: {  	s3 =	simm.s32 @!p0 $0x1082;
	s9 =	sld [smem:$0x3FAF]  }
0x2f: {  	lr =	sadd.s32 s0, s3;
	s0 =	sld [smem:$0x3FA6]  }
0x30: {  	s3 =	sld [smem:$0x3FA9]  }
0x31: {  	[smem:$0x3FB2] =	sst s10  }
0x32: {  	s10 =	sld [smem:$0x3FB0];
	_ =	sdelay $0x3  }
0x33: {  	p0 =	seq.s32 s10, $0x1;
	s10 =	sld [smem:$0x3FB2];
	_ =	sdelay $0x3  }
0x34: {  	[smem:$0x3FB2] =	sst s10  }
0x35: {  	s10 =	sld [smem:$0x3FB1];
	_ =	sdelay $0x3  }
0x36: {  	p1 =	seq.s32 s10, $0x1;
	s10 =	sld [smem:$0x3FB2];
	_ =	sdelay $0x3  }
0x37: {  	[smem:$0x3FB2] =	sst s10  }
0x38: {  	s10 =	sld [smem:$0x3FB3]  }
0x39: {  	_ = 	snop;
	(pc) =	sbr.ind lr, $3  }
0x3a: {  	_ = 	snop  }
0x3b: {  	_ = 	snop  }
0x3c: {  	p2 =	seq.s32 s10, $0x1;
	s10 =	sld [smem:$0x3FB2]  }
0x3d: {  	_ =	shalt  }
0x3e: {  	_ =	shalt  }
0x3f: {  	_ =	shalt  }
0x40: {  	_ =	shalt  }
0x41: {  	_ =	shalt  }
0x42: {  	_ =	shalt  }
0x43: {  	_ =	shalt  }
0x44: {  	_ =	shalt  }
0x45: {  	_ =	shalt  }
0x46: {  	_ =	shalt  }
0x47: {  	_ =	shalt  }
0x48: {  	_ =	shalt  }
0x49: {  	_ =	shalt  }
0x4a: {  	_ =	shalt  }
0x4b: {  	_ =	shalt  }
0x4c: {  	_ =	shalt  }
0x4d: {  	_ =	shalt  }
0x4e: {  	_ =	shalt  }
0x4f: {  	_ =	shalt  }
0x50: {  	_ =	shalt  }
0x51: {  	_ =	shalt  }
0x52: {  	_ =	shalt  }
0x53: {  	_ =	shalt  }
0x54: {  	_ =	shalt  }
0x55: {  	_ =	shalt  }
0x56: {  	_ =	shalt  }
0x57: {  	_ =	shalt  }
0x58: {  	_ =	shalt  }
0x59: {  	_ =	shalt  }
0x5a: {  	_ =	shalt  }
0x5b: {  	_ =	shalt  }
0x5c: {  	_ =	shalt  }
0x5d: {  	_ =	shalt  }
0x5e: {  	_ =	shalt  }
0x5f: {  	_ =	shalt  }
0x60: {  	_ =	shalt  }
0x61: {  	_ =	shalt  }
0x62: {  	_ =	shalt  }
0x63: {  	_ =	shalt  }
0x64: {  	_ =	shalt  }
0x65: {  	_ =	shalt  }
0x66: {  	_ =	shalt  }
0x67: {  	_ =	shalt  }
0x68: {  	_ =	shalt  }
0x69: {  	_ =	shalt  }
0x6a: {  	_ =	shalt  }
0x6b: {  	_ =	shalt  }
0x6c: {  	_ =	shalt  }
0x6d: {  	_ =	shalt  }
0x6e: {  	_ =	shalt  }
0x6f: {  	_ =	shalt  }
0x70: {  	_ =	shalt  }
0x71: {  	_ =	shalt  }
0x72: {  	_ =	shalt  }
0x73: {  	_ =	shalt  }
0x74: {  	_ =	shalt  }
0x75: {  	_ =	shalt  }
0x76: {  	_ =	shalt  }
0x77: {  	_ =	shalt  }
0x78: {  	_ =	shalt  }
0x79: {  	_ =	shalt  }
0x7a: {  	_ =	shalt  }
0x7b: {  	_ =	shalt  }
0x7c: {  	_ =	shalt  }
0x7d: {  	_ =	shalt  }
0x7e: {  	_ =	shalt  }
0x7f: {  	_ =	shalt  }
0x80: {  	_ =	shalt  }
0x81: {  	_ =	shalt  }
0x82: {  	_ =	shalt  }
0x83: {  	_ =	shalt  }
0x84: {  	_ =	shalt  }
0x85: {  	_ =	shalt  }
0x86: {  	_ =	shalt  }
0x87: {  	_ =	shalt  }
.Lfunc_end0:
.L_simem_size_0:
called_computation.1_lowered:
.L_overlay_start_0:
0x88: {  	s2 =	sld [smem:$0x3FD9]  }
0x89: {  	s3 =	sld [smem:$0x3FFE];
	_ =	sdelay $0x1  }
0x8a: {  	s1 =	srdreg.scid  }
0x8b: {  	s0 =	sand.u32 $0x1, s1  }
0x8c: {  	s16 =	sshll.u32 s0, $0xA;
	s2 =	sadd.s32 s3, s2  }
0x8d: {  	s2 =	sadd.s32 s2, s16  }
0x8e: {  	[smem:$0x3FBE] =	sst s2  }
0x8f: {  	_ = 	snop  }
0x90: {  	(tm) =	ssettm $0x1  }
0x91: {  	s17 =	sld [smem:$0x3FFB];
	_ =	sdelay $0x3  }
0x92: {  	_ =	strace s17  }
0x93: {  	s2 =	sld [smem:$0x3FFC];
	_ =	sdelay $0x3  }
0x94: {  	_ =	strace s2  }
0x95: {  	s2 =	sld [smem:$0x3FFD];
	_ =	sdelay $0x3  }
0x96: {  	_ =	strace s2  }
0x97: {  	_ =	strace $0x8FFFFFFF  }
0x98: {  	s18 =	sld [smem:$0x3FDB];
	_ =	sdelay $0x1  }
0x99: {  	s19 =	simm.s32 $_scs_section_size  }
0x9a: {  	s4 =	simm.s32 $_size__tile_overlayer_lowered;
	s5 =	simm.s32 $_tile_overlayer_lowered  }
0x9b: {  	s22 =	simm.s32 $0x1BFF;
	s21 =	sshll.u32 s5, $0x1;
	s2 =	sadd.s32 s19, s18  }
0x9c: {  	s6 =	simm.s32 $0x0;
	s20 =	sshll.u32 s4, $0x1;
	s4 =	sadd.s32 s21, s2  }
0x9d: {  	[timem:s6], [sflag:s22] =	dma.local [hbm:s4], s20  }
0x9e: {  	_ =	swait.ge [sflag:s22], s20  }
0x9f: {  	s3 =	ssub.s32 $0x0, s20;
	[sflag:s22] =	ssyncset.done $0x0  }
0xa0: {  	[sflag:s22] =	ssyncadd.s32 s3;
	_ =	sdelay $0x1  }
0xa1: {  	s23 =	simm.s32 $0x1B8B  }
0xa2: {  	_ =	swait.ge [sflag:s23], $0x1  }
0xa3: {  	[sflag:s23] =	ssyncset.done $0x0  }
0xa4: {  	s25 =	simm.s32 $0x1B8E;
	s24 =	sld [smem:$0x3FFE];
	[sflag:s23] =	ssyncadd.s32 $0xFFFFFFFF  }
0xa5: {  	s26 =	simm.s32 $execute0_lowered;
	[smem:$0x3FD2] =	sst s25  }
0xa6: {  	s4 =	sshll.u32 s26, $0x1;
	_ =	strace $0x80000049;
	[dreg:$0x1] =	wrdreg $0xFFFFFFFF  }
0xa7: {  	s28 =	simm.s32 $_size_execute0_lowered;
	s2 =	sadd.s32 s2, s4;
	[dreg:$0x0] =	wrdreg $0x0  }
0xa8: {  	s4 =	sshll.u32 s28, $0x1;
	[dreg:$0x2] =	wrdreg s2  }
0xa9: {  	[dreg:$0x3] =	wrdreg s4  }
0xaa: {  	[dreg:$0x4] =	wrdreg $0xC0  }
0xab: {  	_ =	task [dreg:s6], $0x5FFFF  }
0xac: {  	[dreg:$0x1] =	wrdreg $0xFFFFFFFF  }
0xad: {  	[dreg:$0x0] =	wrdreg $0x60  }
0xae: {  	[dreg:$0x2] =	wrdreg s24  }
0xaf: {  	[dreg:$0x3] =	wrdreg $0x0  }
0xb0: {  	[dreg:$0x4] =	wrdreg $0x20000  }
0xb1: {  	[dreg:$0x5] =	wrdreg $0x40000  }
0xb2: {  	[dreg:$0x6] =	wrdreg $0x60000  }
0xb3: {  	[dreg:$0x7] =	wrdreg $0x9  }
0xb4: {  	_ =	task.clear_ibuf [dreg:s6], $0x8FFFF;
	_ =	strace $0x90000049  }
0xb5: {  	s29 =	simm.s32 $0x9;
	_ =	strace $0x8000004B  }
0xb6: {  	_ =	swait.ge [sflag:s29], $0x1  }
0xb7: {  	[sflag:s29] =	ssyncadd.s32 $0xFFFFFFFF  }
0xb8: {  	_ =	strace $0x9000004B  }
0xb9: {  	_ =	sfence  }
0xba: {  	s30 =	sld [smem:$0x0];
	_ =	sdelay $0x2  }
0xbb: {  	s31 =	sshll.u32 s1, $0xD;
	s1 =	sshrl.u32 s1, $0x2  }
0xbc: {  	s3 =	sand.u32 $0x4000, s31;
	s1 =	sadd.s32 s1, s30  }
0xbd: {  	s0 =	sor.u32 s3, s0;
	s1 =	sshll.u32 s1, $0x11  }
0xbe: {  	s0 =	sor.u32 s1, s0  }
0xbf: {  	s0 =	sadd.s32 $0x8F2B, s0  }
0xc0: {  	[sflag:s0] =	ssyncadd.remote.s32 $0x1  }
0xc1: {  	_ =	sfence.sel $0xFFFF  }
0xc2: {  	[dreg:$0x0] =	wrdreg $0xFFFFFFFF;
	(pc) =	sbr.abs _section_cstart, $3  }
0xc3: {  	[dreg:$0x1] =	wrdreg $0xFFFFFFFF  }
0xc4: {  	_ =	task.clear_ibuf [dreg:s6], $0x2FFFF;
	_ =	strace $0x9FFFFFFF  }
0xc5: {  	(tm) =	ssettm $0x7FFFFFFF  }
tec
execute0_lowered:
.L_overlay_start_1:
0x0: {  	(tag) =	ssettag $0x1  }
0x1: {  	s0 =	rddreg [dreg:$0x0]  }
0x2: {  	s1 =	rddreg [dreg:$0x1]  }
0x3: {  	s2 =	rddreg [dreg:$0x2]  }
0x4: {  	s3 =	rddreg [dreg:$0x3]  }
0x5: {  	s4 =	rddreg [dreg:$0x4];
	s5 =	simm.s32 $0x0;
	s15 =	stileid.u32  }
0x6: {  	s19 =	srdreg.scid;
	s18 =	simm.s32 $0xD;
	[smem:$0x7FF] =	sst s5  }
0x7: {  	s7 =	sadd.s32 $0x49400, s0;
	s8 =	sadd.s32 $0x1400, s0;
	s6 =	sshll.u32 s15, $0xA  }
0x8: {  	s5 =	sand.u32 $0x1, s19;
	s10 =	sshll.u32 s15, $0xB;
	s22 =	sshll.u32 s15, $0xD  }
0x9: {  	s26 =	sshll.u32 s15, $0xE;
	_ =	strace $0x8000004A;
	s6 =	sadd.s32 s6, s0  }
0xa: {  	s9 =	sshll.u32 s5, $0xF;
	s11 =	ssub.s32 $0x2, s5;
	s23 =	sadd.s32 $0x89400, s6  }
0xb: {  	s12 =	sadd.s32 s22, s1;
	s16 =	sadd.s32 $0x45400, s6;
	[dreg:$0x6] =	wrdreg s23  }
0xc: {  	s5 =	sshll.u32 s5, $0xD;
	s6 =	sadd.s32 $0x41400, s6;
	[dreg:$0x7] =	wrdreg s16  }
0xd: {  	s14 =	sadd.s32 s22, s3;
	s29 =	sor.u32 s5, s26;
	[dreg:$0x8] =	wrdreg s6  }
0xe: {  	s13 =	sadd.s32 s22, s2;
	s30 =	sshrl.u32 s14, $0x3;
	[dreg:$0xc] =	wrdreg s29  }
0xf: {  	s9 =	sor.u32 s10, s9;
	s5 =	sshrl.u32 s12, $0x3;
	[dreg:$0xf] =	wrdreg s30  }
0x10: {  	s0 =	sadd.s32 s9, s0;
	s6 =	sshrl.u32 s13, $0x3;
	[dreg:$0xd] =	wrdreg s5  }
0x11: {  	s20 =	sshrl.u32 s11, $0x1;
	s25 =	sadd.s32 $0x8D400, s0;
	[dreg:$0xe] =	wrdreg s6  }
0x12: {  	s21 =	ssub.s32 s11, s20;
	s0 =	sadd.s32 $0x8D410, s0;
	[dreg:$0x9] =	wrdreg s25  }
0x13: {  	s11 =	sadd.s32 s22, s4;
	s28 =	smax.u32 s21, $0x1;
	[dreg:$0xa] =	wrdreg s0  }
0x14: {  	s24 =	sshll.u32 s15, $0x6;
	s31 =	sshrl.u32 s11, $0x3;
	[dreg:$0xb] =	wrdreg s28  }
0x15: {  	s10 =	sor.u32 $0x1C0D, s24;
	[dreg:$0x10] =	wrdreg s31;
	s25 =	simm.s32 $0x0  }
.LBB2_1:
0x16: {  	s0 =	rddreg [dreg:$0x6]  }
0x17: {  	[spmem:s5], [sflag:s10] =	dma.local [hbm:s0], $0x400  }
0x18: {  	_ =	swait.ge [sflag:s18], $0x400  }
0x19: {  	[sflag:s18] =	ssyncset.done $0x0  }
0x1a: {  	[sflag:s18] =	ssyncadd.s32 $0xFFFFFC00  }
0x1b: {  	[spmem:s6], [sflag:s10] =	dma.local [hbm:s0], $0x400  }
0x1c: {  	_ =	swait.ge [sflag:s18], $0x400  }
0x1d: {  	[sflag:s18] =	ssyncset.done $0x0;
	s22 =	rddreg [dreg:$0x7]  }
0x1e: {  	s23 =	rddreg [dreg:$0xf];
	[sflag:s18] =	ssyncadd.s32 $0xFFFFFC00  }
0x1f: {  	[spmem:s23], [sflag:s10] =	dma.local [hbm:s22], $0x400  }
0x20: {  	_ =	swait.ge [sflag:s18], $0x400  }
0x21: {  	[sflag:s18] =	ssyncset.done $0x0;
	s24 =	rddreg [dreg:$0x8]  }
0x22: {  	s26 =	rddreg [dreg:$0x10];
	[sflag:s18] =	ssyncadd.s32 $0xFFFFFC00  }
0x23: {  	[spmem:s26], [sflag:s10] =	dma.local [hbm:s24], $0x400  }
0x24: {  	_ =	swait.ge [sflag:s18], $0x400  }
0x25: {  	[sflag:s18] =	ssyncset.done $0x0  }
0x26: {  	p1 =	por $0x1, $0x1;
	[sflag:s18] =	ssyncadd.s32 $0xFFFFFC00  }
0x27: {  	s0 =	simm.s32 @!p1 $0x9;
	[bflag:$0x0] =	sbarrier.arrive $0xFFFF  }
0x28: {  	_ =	swait.ge @!p1 [sflag:s0], $0x400  }
0x29: {  	p0 =	por $0x0, $0x0;
	s5 =	simm.s32 $0x0;
	[sflag:s0] =	ssyncset.done @!p1 $0x0  }
0x2a: {  	s12 =	simm.s32 @!p0 $0x8000;
	s17 =	rddreg [dreg:$0xc];
	[sflag:s0] =	ssyncadd.s32 @!p1 $0xFFFFFC00  }
0x2b: {  	s11 =	sand.u32 @!p0 $0x40, s5;
	s9 =	sand.u32 @!p0 $0x3FC00, s17;
	_ =	swait.ge @!p1 [sflag:s0], $0x400  }
0x2c: {  	s5 =	simm.s32 @!p0 $0x80;
	s6 =	sor.u32 @!p0 s11, s9;
	[sflag:s0] =	ssyncset.done @!p1 $0x0  }
0x2d: {  	s26 =	simm.s32 @!p0 $0x400;
	[sflag:s0] =	ssyncadd.s32 @!p1 $0xFFFFFC00;
	s0 =	sadd.s32 @!p0 s7, s6  }
0x2e: {  	[tilespmem:s12], [sflag:$0x1] =	stream.strided.gather @!p0 [hbm4b:s0+s5], $0x400, s26, s5, $0x38;
	[tilespmem:$0xC000] =	vst v63  }
0x2f: {  	s13 =	simm.s32 @!p1 $0x4;
	s0 =	sadd.s32 @!p0 s8, s6;
	s6 =	simm.s32 @!p0 $0x9000  }
0x30: {  	[tilespmem:s6], [sflag:$0x1] =	stream.strided.gather @!p0 [hbm4b:s0+s5], $0x400, s26, s5, $0x38;
	[tilespmem:$0xC000] =	vst v63  }
0x31: {  	_ =	swait.ge @!p1 [sflag:s13], $0x400  }
0x32: {  	[sflag:s13] =	ssyncset.done @!p1 $0x0  }
0x33: {  	[sflag:s13] =	ssyncadd.s32 @!p1 $0xFFFFFC00  }
0x34: {  	_ =	swait.ge @!p1 [sflag:s13], $0x400  }
0x35: {  	s14 =	simm.s32 @!p1 $0xAC00;
	[sflag:s13] =	ssyncset.done @!p1 $0x0  }
0x36: {  	s15 =	simm.s32 @!p1 $0x400;
	s0 =	simm.s32 @!p1 $0x8C00;
	[sflag:s13] =	ssyncadd.s32 @!p1 $0xFFFFFC00  }
0x37: {  	[tilespmem:s14], [sflag:$0x8] =	stream.indirect.gather @!p1 [spmem:s3], $0x1, s0, s15, $0xb8;
	[tilespmem:$0xC000] =	vst v63  }
0x38: {  	s16 =	simm.s32 @!p1 $0x7;
	s13 =	simm.s32 @!p1 $0xBC00  }
0x39: {  	[tilespmem:s13], [sflag:$0x8] =	stream.indirect.gather @!p1 [spmem:s4], $0x1, s0, s15, $0xb8;
	[tilespmem:$0xC000] =	vst v63  }
0x3a: {  	_ =	swait.ge @!p1 [sflag:s16], $0x400  }
0x3b: {  	[sflag:s16] =	ssyncset.done @!p1 $0x0  }
0x3c: {  	[sflag:s16] =	ssyncadd.s32 @!p1 $0xFFFFFC00  }
0x3d: {  	_ =	swait.ge @!p1 [sflag:s16], $0x400  }
0x3e: {  	[sflag:s16] =	ssyncset.done @!p1 $0x0  }
0x3f: {  	s20 =	simm.s32 @!p1 $0xA800;
	s0 =	simm.s32 @!p1 $0x9800;
	[sflag:s16] =	ssyncadd.s32 @!p1 $0xFFFFFC00  }
0x40: {  	[spmem:s1] =	stream.indirect.scatter.add.f32 @!p1 [tilespmem:s20], [sflag:$0xB], $0x1, s0, s15, $0xb8;
	[tilespmem:$0xC000] =	vst v63  }
0x41: {  	s16 =	simm.s32 @!p1 $0xB800;
	s20 =	simm.s32 @!p1 $0xA  }
0x42: {  	[spmem:s2] =	stream.indirect.scatter.add.f32 @!p1 [tilespmem:s16], [sflag:$0xB], $0x1, s0, s15, $0xb8;
	[tilespmem:$0xC000] =	vst v63  }
0x43: {  	_ =	swait.ge @!p1 [sflag:s20], $0x400  }
0x44: {  	[sflag:s20] =	ssyncset.done @!p1 $0x0  }
0x45: {  	[sflag:s20] =	ssyncadd.s32 @!p1 $0xFFFFFC00  }
0x46: {  	s9 =	sor.u32 @!p0 s9, s11;
	_ =	swait.ge @!p1 [sflag:s20], $0x400  }
0x47: {  	s0 =	sor.u32 @!p0 $0x10, s9;
	[sflag:s20] =	ssyncset.done @!p1 $0x0  }
0x48: {  	s16 =	simm.s32 @!p0 $0x8400;
	s11 =	sadd.s32 @!p0 s7, s0;
	[sflag:s20] =	ssyncadd.s32 @!p1 $0xFFFFFC00  }
0x49: {  	[tilespmem:s16], [sflag:$0x2] =	stream.strided.gather @!p0 [hbm4b:s11+s5], $0x400, s26, s5, $0x38;
	[tilespmem:$0xC000] =	vst v63  }
0x4a: {  	s20 =	simm.s32 @!p0 $0x1;
	s11 =	sadd.s32 @!p0 s8, s0;
	s0 =	simm.s32 @!p0 $0x9400  }
0x4b: {  	[tilespmem:s0], [sflag:$0x2] =	stream.strided.gather @!p0 [hbm4b:s11+s5], $0x400, s26, s5, $0x38;
	[tilespmem:$0xC000] =	vst v63  }
0x4c: {  	_ =	swait.ge @!p0 [sflag:s20], $0x400  }
0x4d: {  	[sflag:s20] =	ssyncset.done @!p0 $0x0  }
0x4e: {  	[sflag:s20] =	ssyncadd.s32 @!p0 $0xFFFFFC00  }
0x4f: {  	_ =	swait.ge @!p0 [sflag:s20], $0x400  }
0x50: {  	[sflag:s20] =	ssyncset.done @!p0 $0x0  }
0x51: {  	s11 =	simm.s32 @!p0 $0xA000;
	[sflag:s20] =	ssyncadd.s32 @!p0 $0xFFFFFC00  }
0x52: {  	[tilespmem:s11], [sflag:$0x5] =	stream.indirect.gather @!p0 [spmem:s3], $0x1, s12, s26, $0xb8;
	[tilespmem:$0xC000] =	vst v63  }
0x53: {  	s20 =	simm.s32 @!p0 $0xB000  }
0x54: {  	[tilespmem:s20], [sflag:$0x5] =	stream.indirect.gather @!p0 [spmem:s4], $0x1, s12, s26, $0xb8;
	[tilespmem:$0xC000] =	vst v63  }
0x55: {  	s12 =	simm.s32 @!p1 $0x8  }
0x56: {  	_ =	swait.ge @!p1 [sflag:s12], $0x400  }
0x57: {  	[sflag:s12] =	ssyncset.done @!p1 $0x0  }
0x58: {  	[sflag:s12] =	ssyncadd.s32 @!p1 $0xFFFFFC00  }
0x59: {  	_ =	swait.ge @!p1 [sflag:s12], $0x400  }
0x5a: {  	[sflag:s12] =	ssyncset.done @!p1 $0x0  }
0x5b: {  	[sflag:s12] =	ssyncadd.s32 @!p1 $0xFFFFFC00;
	s12 =	simm.s32 @!p1 $0x9C00  }
0x5c: {  	[spmem:s1] =	stream.indirect.scatter.add.f32 @!p1 [tilespmem:s14], [sflag:$0xC], $0x1, s12, s15, $0xb8;
	[tilespmem:$0xC000] =	vst v63  }
0x5d: {  	_ = 	snop  }
0x5e: {  	[spmem:s2] =	stream.indirect.scatter.add.f32 @!p1 [tilespmem:s13], [sflag:$0xC], $0x1, s12, s15, $0xb8;
	[tilespmem:$0xC000] =	vst v63  }
0x5f: {  	s12 =	simm.s32 @!p1 $0xB  }
0x60: {  	_ =	swait.ge @!p1 [sflag:s12], $0x400  }
0x61: {  	[sflag:s12] =	ssyncset.done @!p1 $0x0  }
0x62: {  	[sflag:s12] =	ssyncadd.s32 @!p1 $0xFFFFFC00  }
0x63: {  	_ =	swait.ge @!p1 [sflag:s12], $0x400  }
0x64: {  	s13 =	sor.u32 @!p0 $0x20, s9;
	[sflag:s12] =	ssyncset.done @!p1 $0x0  }
0x65: {  	s14 =	sadd.s32 @!p0 s7, s13;
	[sflag:s12] =	ssyncadd.s32 @!p1 $0xFFFFFC00;
	s12 =	simm.s32 @!p0 $0x8800  }
0x66: {  	[tilespmem:s12], [sflag:$0x3] =	stream.strided.gather @!p0 [hbm4b:s14+s5], $0x400, s26, s5, $0x38;
	[tilespmem:$0xC000] =	vst v63  }
0x67: {  	s13 =	sadd.s32 @!p0 s8, s13;
	s14 =	simm.s32 @!p0 $0x9800  }
0x68: {  	[tilespmem:s14], [sflag:$0x3] =	stream.strided.gather @!p0 [hbm4b:s13+s5], $0x400, s26, s5, $0x38;
	[tilespmem:$0xC000] =	vst v63  }
0x69: {  	s13 =	simm.s32 @!p0 $0x2  }
0x6a: {  	_ =	swait.ge @!p0 [sflag:s13], $0x400  }
0x6b: {  	[sflag:s13] =	ssyncset.done @!p0 $0x0  }
0x6c: {  	[sflag:s13] =	ssyncadd.s32 @!p0 $0xFFFFFC00  }
0x6d: {  	_ =	swait.ge @!p0 [sflag:s13], $0x400  }
0x6e: {  	[sflag:s13] =	ssyncset.done @!p0 $0x0  }
0x6f: {  	s23 =	simm.s32 @!p0 $0xA400;
	[sflag:s13] =	ssyncadd.s32 @!p0 $0xFFFFFC00  }
0x70: {  	[tilespmem:s23], [sflag:$0x6] =	stream.indirect.gather @!p0 [spmem:s3], $0x1, s16, s26, $0xb8;
	[tilespmem:$0xC000] =	vst v63  }
0x71: {  	s22 =	simm.s32 @!p0 $0xB400;
	s13 =	simm.s32 @!p0 $0x5  }
0x72: {  	[tilespmem:s22], [sflag:$0x6] =	stream.indirect.gather @!p0 [spmem:s4], $0x1, s16, s26, $0xb8;
	[tilespmem:$0xC000] =	vst v63  }
0x73: {  	_ =	swait.ge @!p0 [sflag:s13], $0x400  }
0x74: {  	[sflag:s13] =	ssyncset.done @!p0 $0x0  }
0x75: {  	[sflag:s13] =	ssyncadd.s32 @!p0 $0xFFFFFC00  }
0x76: {  	_ =	swait.ge @!p0 [sflag:s13], $0x400  }
0x77: {  	[sflag:s13] =	ssyncset.done @!p0 $0x0  }
0x78: {  	[sflag:s13] =	ssyncadd.s32 @!p0 $0xFFFFFC00  }
0x79: {  	[spmem:s1] =	stream.indirect.scatter.add.f32 @!p0 [tilespmem:s11], [sflag:$0x9], $0x1, s6, s26, $0xb8;
	[tilespmem:$0xC000] =	vst v63  }
0x7a: {  	_ = 	snop  }
0x7b: {  	[spmem:s2] =	stream.indirect.scatter.add.f32 @!p0 [tilespmem:s20], [sflag:$0x9], $0x1, s6, s26, $0xb8;
	[tilespmem:$0xC000] =	vst v63  }
0x7c: {  	s6 =	simm.s32 @!p1 $0xC  }
0x7d: {  	_ =	swait.ge @!p1 [sflag:s6], $0x400  }
0x7e: {  	[sflag:s6] =	ssyncset.done @!p1 $0x0  }
0x7f: {  	[sflag:s6] =	ssyncadd.s32 @!p1 $0xFFFFFC00  }
0x80: {  	_ =	swait.ge @!p1 [sflag:s6], $0x400  }
0x81: {  	s9 =	sor.u32 @!p0 $0x30, s9;
	[sflag:s6] =	ssyncset.done @!p1 $0x0  }
0x82: {  	s11 =	sadd.s32 @!p0 s7, s9;
	[sflag:s6] =	ssyncadd.s32 @!p1 $0xFFFFFC00;
	s6 =	simm.s32 @!p0 $0x8C00  }
0x83: {  	[tilespmem:s6], [sflag:$0x4] =	stream.strided.gather @!p0 [hbm4b:s11+s5], $0x400, s26, s5, $0x38;
	[tilespmem:$0xC000] =	vst v63  }
0x84: {  	s6 =	sadd.s32 @!p0 s8, s9;
	s9 =	simm.s32 @!p0 $0x9C00;
	s11 =	simm.s32 @!p0 $0x3  }
0x85: {  	[tilespmem:s9], [sflag:$0x4] =	stream.strided.gather @!p0 [hbm4b:s6+s5], $0x400, s26, s5, $0x38;
	[tilespmem:$0xC000] =	vst v63  }
0x86: {  	_ =	swait.ge @!p0 [sflag:s11], $0x400  }
0x87: {  	[sflag:s11] =	ssyncset.done @!p0 $0x0  }
0x88: {  	[sflag:s11] =	ssyncadd.s32 @!p0 $0xFFFFFC00  }
0x89: {  	_ =	swait.ge @!p0 [sflag:s11], $0x400  }
0x8a: {  	[sflag:s11] =	ssyncset.done @!p0 $0x0  }
0x8b: {  	s5 =	simm.s32 @!p0 $0xA800;
	[sflag:s11] =	ssyncadd.s32 @!p0 $0xFFFFFC00  }
0x8c: {  	[tilespmem:s5], [sflag:$0x7] =	stream.indirect.gather @!p0 [spmem:s3], $0x1, s12, s26, $0xb8;
	[tilespmem:$0xC000] =	vst v63  }
0x8d: {  	s6 =	simm.s32 @!p0 $0x6;
	s5 =	simm.s32 @!p0 $0xB800  }
0x8e: {  	[tilespmem:s5], [sflag:$0x7] =	stream.indirect.gather @!p0 [spmem:s4], $0x1, s12, s26, $0xb8;
	[tilespmem:$0xC000] =	vst v63  }
0x8f: {  	_ =	swait.ge @!p0 [sflag:s6], $0x400  }
0x90: {  	[sflag:s6] =	ssyncset.done @!p0 $0x0  }
0x91: {  	[sflag:s6] =	ssyncadd.s32 @!p0 $0xFFFFFC00  }
0x92: {  	s30 =	simm.s32 $0x80;
	s31 =	simm.s32 $0x0;
	_ =	swait.ge @!p0 [sflag:s6], $0x400  }
0x93: {  	s29 =	simm.s32 $0x1;
	s28 =	sadd.s32 $0x200, s17;
	[sflag:s6] =	ssyncset.done @!p0 $0x0  }
0x94: {  	p1 =	por $0x0, $0x0;
	s5 =	simm.s32 $0x40;
	[sflag:s6] =	ssyncadd.s32 @!p0 $0xFFFFFC00  }
.LBB2_2:
0x95: {  	[spmem:s1] =	stream.indirect.scatter.add.f32 @!p0 [tilespmem:s23], [sflag:$0xA], $0x1, s0, s26, $0xb8;
	[tilespmem:$0xC000] =	vst v63  }
0x96: {  	s9 =	simm.s32 @!p1 $0x9;
	s16 =	smov.u32 s30;
	s30 =	sadd.s32 $0x40, s30  }
0x97: {  	[spmem:s2] =	stream.indirect.scatter.add.f32 @!p0 [tilespmem:s22], [sflag:$0xA], $0x1, s0, s26, $0xb8;
	[tilespmem:$0xC000] =	vst v63  }
0x98: {  	p2 =	sne.s32 s30, $0x480;
	_ =	swait.ge @!p1 [sflag:s9], $0x400  }
0x99: {  	p0 =	sgt.u32 s29, $0xF;
	[sflag:s9] =	ssyncset.done @!p1 $0x0  }
0x9a: {  	s0 =	sand.u32 @!p0 $0x3FC00, s28;
	s26 =	simm.s32 @!p0 $0x400;
	[sflag:s9] =	ssyncadd.s32 @!p1 $0xFFFFFC00  }
0x9b: {  	s5 =	sand.u32 @!p0 $0x40, s5;
	s14 =	simm.s32 @!p0 $0x8000;
	_ =	swait.ge @!p1 [sflag:s9], $0x400  }
0x9c: {  	s6 =	simm.s32 @!p0 $0x80;
	s11 =	sor.u32 @!p0 s5, s0;
	[sflag:s9] =	ssyncset.done @!p1 $0x0  }
0x9d: {  	s12 =	sadd.s32 @!p0 s8, s11;
	[sflag:s9] =	ssyncadd.s32 @!p1 $0xFFFFFC00;
	s9 =	sadd.s32 @!p0 s7, s11  }
0x9e: {  	[tilespmem:s14], [sflag:$0x1] =	stream.strided.gather @!p0 [hbm4b:s9+s6], $0x400, s26, s6, $0x38;
	[tilespmem:$0xC000] =	vst v63  }
0x9f: {  	s13 =	simm.s32 @!p1 $0x4;
	s0 =	sor.u32 @!p0 s0, s5;
	s11 =	simm.s32 @!p0 $0x9000  }
0xa0: {  	[tilespmem:s11], [sflag:$0x1] =	stream.strided.gather @!p0 [hbm4b:s12+s6], $0x400, s26, s6, $0x38;
	[tilespmem:$0xC000] =	vst v63  }
0xa1: {  	s5 =	sor.u32 @!p0 $0x10, s0;
	s12 =	sor.u32 @!p0 $0x20, s0;
	_ =	swait.ge @!p1 [sflag:s13], $0x400  }
0xa2: {  	s17 =	sadd.s32 @!p0 s7, s5;
	s9 =	sadd.s32 @!p0 s8, s5;
	[sflag:s13] =	ssyncset.done @!p1 $0x0  }
0xa3: {  	s23 =	sadd.s32 @!p0 s7, s12;
	s22 =	sadd.s32 @!p0 s8, s12;
	[sflag:s13] =	ssyncadd.s32 @!p1 $0xFFFFFC00  }
0xa4: {  	s15 =	simm.s32 @!p1 $0xAC00;
	s0 =	sor.u32 @!p0 $0x30, s0;
	_ =	swait.ge @!p1 [sflag:s13], $0x400  }
0xa5: {  	s24 =	simm.s32 @!p1 $0x400;
	s21 =	simm.s32 @!p1 $0x8C00;
	[sflag:s13] =	ssyncset.done @!p1 $0x0  }
0xa6: {  	s20 =	simm.s32 @!p1 $0xBC00;
	s12 =	sadd.s32 @!p0 s7, s0;
	[sflag:s13] =	ssyncadd.s32 @!p1 $0xFFFFFC00  }
0xa7: {  	[tilespmem:s15], [sflag:$0x8] =	stream.indirect.gather @!p1 [spmem:s3], $0x1, s21, s24, $0xb8;
	[tilespmem:$0xC000] =	vst v63  }
0xa8: {  	s19 =	simm.s32 @!p1 $0x7;
	s5 =	smov.u32 s16;
	s13 =	sadd.s32 @!p0 s8, s0  }
0xa9: {  	[tilespmem:s20], [sflag:$0x8] =	stream.indirect.gather @!p1 [spmem:s4], $0x1, s21, s24, $0xb8;
	[tilespmem:$0xC000] =	vst v63  }
0xaa: {  	_ =	swait.ge @!p1 [sflag:s19], $0x400  }
0xab: {  	[sflag:s19] =	ssyncset.done @!p1 $0x0  }
0xac: {  	[sflag:s19] =	ssyncadd.s32 @!p1 $0xFFFFFC00  }
0xad: {  	_ =	swait.ge @!p1 [sflag:s19], $0x400  }
0xae: {  	s16 =	simm.s32 @!p1 $0xA800;
	s0 =	simm.s32 @!p1 $0x9800;
	[sflag:s19] =	ssyncset.done @!p1 $0x0  }
0xaf: {  	[sflag:s19] =	ssyncadd.s32 @!p1 $0xFFFFFC00;
	s19 =	simm.s32 @!p1 $0xB800  }
0xb0: {  	[spmem:s1] =	stream.indirect.scatter.add.f32 @!p1 [tilespmem:s16], [sflag:$0xB], $0x1, s0, s24, $0xb8;
	[tilespmem:$0xC000] =	vst v63  }
0xb1: {  	s16 =	simm.s32 @!p1 $0xA  }
0xb2: {  	[spmem:s2] =	stream.indirect.scatter.add.f32 @!p1 [tilespmem:s19], [sflag:$0xB], $0x1, s0, s24, $0xb8;
	[tilespmem:$0xC000] =	vst v63  }
0xb3: {  	_ =	swait.ge @!p1 [sflag:s16], $0x400  }
0xb4: {  	[sflag:s16] =	ssyncset.done @!p1 $0x0  }
0xb5: {  	[sflag:s16] =	ssyncadd.s32 @!p1 $0xFFFFFC00  }
0xb6: {  	_ =	swait.ge @!p1 [sflag:s16], $0x400  }
0xb7: {  	s21 =	simm.s32 @!p0 $0x8400;
	[sflag:s16] =	ssyncset.done @!p1 $0x0  }
0xb8: {  	s0 =	simm.s32 @!p0 $0x9400;
	[sflag:s16] =	ssyncadd.s32 @!p1 $0xFFFFFC00  }
0xb9: {  	[tilespmem:s21], [sflag:$0x2] =	stream.strided.gather @!p0 [hbm4b:s17+s6], $0x400, s26, s6, $0x38;
	[tilespmem:$0xC000] =	vst v63  }
0xba: {  	s17 =	simm.s32 @!p0 $0x1  }
0xbb: {  	[tilespmem:s0], [sflag:$0x2] =	stream.strided.gather @!p0 [hbm4b:s9+s6], $0x400, s26, s6, $0x38;
	[tilespmem:$0xC000] =	vst v63  }
0xbc: {  	_ =	swait.ge @!p0 [sflag:s17], $0x400  }
0xbd: {  	[sflag:s17] =	ssyncset.done @!p0 $0x0  }
0xbe: {  	[sflag:s17] =	ssyncadd.s32 @!p0 $0xFFFFFC00  }
0xbf: {  	_ =	swait.ge @!p0 [sflag:s17], $0x400  }
0xc0: {  	s16 =	simm.s32 @!p0 $0xA000;
	[sflag:s17] =	ssyncset.done @!p0 $0x0  }
0xc1: {  	s9 =	simm.s32 @!p0 $0xB000;
	[sflag:s17] =	ssyncadd.s32 @!p0 $0xFFFFFC00  }
0xc2: {  	[tilespmem:s16], [sflag:$0x5] =	stream.indirect.gather @!p0 [spmem:s3], $0x1, s14, s26, $0xb8;
	[tilespmem:$0xC000] =	vst v63  }
0xc3: {  	s17 =	simm.s32 @!p1 $0x8  }
0xc4: {  	[tilespmem:s9], [sflag:$0x5] =	stream.indirect.gather @!p0 [spmem:s4], $0x1, s14, s26, $0xb8;
	[tilespmem:$0xC000] =	vst v63  }
0xc5: {  	_ =	swait.ge @!p1 [sflag:s17], $0x400  }
0xc6: {  	[sflag:s17] =	ssyncset.done @!p1 $0x0  }
0xc7: {  	[sflag:s17] =	ssyncadd.s32 @!p1 $0xFFFFFC00  }
0xc8: {  	_ =	swait.ge @!p1 [sflag:s17], $0x400  }
0xc9: {  	s14 =	simm.s32 @!p1 $0x9C00;
	[sflag:s17] =	ssyncset.done @!p1 $0x0  }
0xca: {  	[sflag:s17] =	ssyncadd.s32 @!p1 $0xFFFFFC00  }
0xcb: {  	[spmem:s1] =	stream.indirect.scatter.add.f32 @!p1 [tilespmem:s15], [sflag:$0xC], $0x1, s14, s24, $0xb8;
	[tilespmem:$0xC000] =	vst v63  }
0xcc: {  	s15 =	simm.s32 @!p1 $0xB  }
0xcd: {  	[spmem:s2] =	stream.indirect.scatter.add.f32 @!p1 [tilespmem:s20], [sflag:$0xC], $0x1, s14, s24, $0xb8;
	[tilespmem:$0xC000] =	vst v63  }
0xce: {  	_ =	swait.ge @!p1 [sflag:s15], $0x400  }
0xcf: {  	[sflag:s15] =	ssyncset.done @!p1 $0x0  }
0xd0: {  	[sflag:s15] =	ssyncadd.s32 @!p1 $0xFFFFFC00  }
0xd1: {  	_ =	swait.ge @!p1 [sflag:s15], $0x400  }
0xd2: {  	s14 =	simm.s32 @!p0 $0x8800;
	[sflag:s15] =	ssyncset.done @!p1 $0x0  }
0xd3: {  	[sflag:s15] =	ssyncadd.s32 @!p1 $0xFFFFFC00;
	s15 =	simm.s32 @!p0 $0x9800  }
0xd4: {  	[tilespmem:s14], [sflag:$0x3] =	stream.strided.gather @!p0 [hbm4b:s23+s6], $0x400, s26, s6, $0x38;
	[tilespmem:$0xC000] =	vst v63  }
0xd5: {  	s17 =	simm.s32 @!p0 $0x2  }
0xd6: {  	[tilespmem:s15], [sflag:$0x3] =	stream.strided.gather @!p0 [hbm4b:s22+s6], $0x400, s26, s6, $0x38;
	[tilespmem:$0xC000] =	vst v63  }
0xd7: {  	_ =	swait.ge @!p0 [sflag:s17], $0x400  }
0xd8: {  	[sflag:s17] =	ssyncset.done @!p0 $0x0  }
0xd9: {  	[sflag:s17] =	ssyncadd.s32 @!p0 $0xFFFFFC00  }
0xda: {  	_ =	swait.ge @!p0 [sflag:s17], $0x400  }
0xdb: {  	s23 =	simm.s32 @!p0 $0xA400;
	[sflag:s17] =	ssyncset.done @!p0 $0x0  }
0xdc: {  	s22 =	simm.s32 @!p0 $0xB400;
	[sflag:s17] =	ssyncadd.s32 @!p0 $0xFFFFFC00  }
0xdd: {  	[tilespmem:s23], [sflag:$0x6] =	stream.indirect.gather @!p0 [spmem:s3], $0x1, s21, s26, $0xb8;
	[tilespmem:$0xC000] =	vst v63  }
0xde: {  	s15 =	simm.s32 @!p0 $0x5  }
0xdf: {  	[tilespmem:s22], [sflag:$0x6] =	stream.indirect.gather @!p0 [spmem:s4], $0x1, s21, s26, $0xb8;
	[tilespmem:$0xC000] =	vst v63  }
0xe0: {  	_ =	swait.ge @!p0 [sflag:s15], $0x400  }
0xe1: {  	[sflag:s15] =	ssyncset.done @!p0 $0x0  }
0xe2: {  	[sflag:s15] =	ssyncadd.s32 @!p0 $0xFFFFFC00  }
0xe3: {  	_ =	swait.ge @!p0 [sflag:s15], $0x400  }
0xe4: {  	[sflag:s15] =	ssyncset.done @!p0 $0x0  }
0xe5: {  	[sflag:s15] =	ssyncadd.s32 @!p0 $0xFFFFFC00  }
0xe6: {  	[spmem:s1] =	stream.indirect.scatter.add.f32 @!p0 [tilespmem:s16], [sflag:$0x9], $0x1, s11, s26, $0xb8;
	[tilespmem:$0xC000] =	vst v63  }
0xe7: {  	s15 =	simm.s32 @!p1 $0xC  }
0xe8: {  	[spmem:s2] =	stream.indirect.scatter.add.f32 @!p0 [tilespmem:s9], [sflag:$0x9], $0x1, s11, s26, $0xb8;
	[tilespmem:$0xC000] =	vst v63  }
0xe9: {  	_ =	swait.ge @!p1 [sflag:s15], $0x400  }
0xea: {  	[sflag:s15] =	ssyncset.done @!p1 $0x0  }
0xeb: {  	[sflag:s15] =	ssyncadd.s32 @!p1 $0xFFFFFC00  }
0xec: {  	_ =	swait.ge @!p1 [sflag:s15], $0x400  }
0xed: {  	s9 =	simm.s32 @!p0 $0x8C00;
	[sflag:s15] =	ssyncset.done @!p1 $0x0  }
0xee: {  	s11 =	simm.s32 @!p0 $0x9C00;
	[sflag:s15] =	ssyncadd.s32 @!p1 $0xFFFFFC00  }
0xef: {  	[tilespmem:s9], [sflag:$0x4] =	stream.strided.gather @!p0 [hbm4b:s12+s6], $0x400, s26, s6, $0x38;
	[tilespmem:$0xC000] =	vst v63  }
0xf0: {  	s9 =	simm.s32 @!p0 $0x3  }
0xf1: {  	[tilespmem:s11], [sflag:$0x4] =	stream.strided.gather @!p0 [hbm4b:s13+s6], $0x400, s26, s6, $0x38;
	[tilespmem:$0xC000] =	vst v63  }
0xf2: {  	_ =	swait.ge @!p0 [sflag:s9], $0x400  }
0xf3: {  	[sflag:s9] =	ssyncset.done @!p0 $0x0  }
0xf4: {  	[sflag:s9] =	ssyncadd.s32 @!p0 $0xFFFFFC00  }
0xf5: {  	_ =	swait.ge @!p0 [sflag:s9], $0x400  }
0xf6: {  	s6 =	simm.s32 @!p0 $0xA800;
	[sflag:s9] =	ssyncset.done @!p0 $0x0  }
0xf7: {  	[sflag:s9] =	ssyncadd.s32 @!p0 $0xFFFFFC00;
	s9 =	simm.s32 @!p0 $0xB800  }
0xf8: {  	[tilespmem:s6], [sflag:$0x7] =	stream.indirect.gather @!p0 [spmem:s3], $0x1, s14, s26, $0xb8;
	[tilespmem:$0xC000] =	vst v63  }
0xf9: {  	s6 =	simm.s32 @!p0 $0x6  }
0xfa: {  	[tilespmem:s9], [sflag:$0x7] =	stream.indirect.gather @!p0 [spmem:s4], $0x1, s14, s26, $0xb8;
	[tilespmem:$0xC000] =	vst v63  }
0xfb: {  	_ =	swait.ge @!p0 [sflag:s6], $0x400  }
.Ltmp0:
0xfc: {  	[sflag:s6] =	ssyncset.done @!p0 $0x0;
	(pc) =	sbr.rel @p2 .LBB2_2-.Ltmp0, $4  }
0xfd: {  	[sflag:s6] =	ssyncadd.s32 @!p0 $0xFFFFFC00  }
0xfe: {  	s31 =	sadd.s32 $0x4, s31;
	_ =	swait.ge @!p0 [sflag:s6], $0x400  }
0xff: {  	p1 =	sgt.u32 s31, $0x3F;
	[sflag:s6] =	ssyncset.done @!p0 $0x0  }
0x100: {  	s29 =	sadd.s32 $0x1, s29;
	s28 =	sadd.s32 $0x200, s28;
	[sflag:s6] =	ssyncadd.s32 @!p0 $0xFFFFFC00  }
0x101: {  	[spmem:s1] =	stream.indirect.scatter.add.f32 @!p0 [tilespmem:s23], [sflag:$0xA], $0x1, s0, s26, $0xb8;
	[tilespmem:$0xC000] =	vst v63  }
0x102: {  	s6 =	simm.s32 @!p1 $0x9  }
0x103: {  	[spmem:s2] =	stream.indirect.scatter.add.f32 @!p0 [tilespmem:s22], [sflag:$0xA], $0x1, s0, s26, $0xb8;
	[tilespmem:$0xC000] =	vst v63  }
0x104: {  	_ =	swait.ge @!p1 [sflag:s6], $0x400  }
0x105: {  	p0 =	sgt.u32 s29, $0xF;
	[sflag:s6] =	ssyncset.done @!p1 $0x0  }
0x106: {  	s9 =	sand.u32 @!p0 $0x3FC00, s28;
	[sflag:s6] =	ssyncadd.s32 @!p1 $0xFFFFFC00  }
0x107: {  	s0 =	simm.s32 @!p0 $0x400;
	s11 =	sand.u32 @!p0 $0x40, s5;
	_ =	swait.ge @!p1 [sflag:s6], $0x400  }
0x108: {  	s12 =	simm.s32 @!p0 $0x8000;
	s13 =	sor.u32 @!p0 s11, s9;
	[sflag:s6] =	ssyncset.done @!p1 $0x0  }
0x109: {  	s5 =	simm.s32 @!p0 $0x80;
	[sflag:s6] =	ssyncadd.s32 @!p1 $0xFFFFFC00;
	s6 =	sadd.s32 @!p0 s7, s13  }
0x10a: {  	[tilespmem:s12], [sflag:$0x1] =	stream.strided.gather @!p0 [hbm4b:s6+s5], $0x400, s0, s5, $0x38;
	[tilespmem:$0xC000] =	vst v63  }
0x10b: {  	s14 =	simm.s32 @!p1 $0x4;
	s13 =	sadd.s32 @!p0 s8, s13;
	s6 =	simm.s32 @!p0 $0x9000  }
0x10c: {  	[tilespmem:s6], [sflag:$0x1] =	stream.strided.gather @!p0 [hbm4b:s13+s5], $0x400, s0, s5, $0x38;
	[tilespmem:$0xC000] =	vst v63  }
0x10d: {  	_ =	swait.ge @!p1 [sflag:s14], $0x400  }
0x10e: {  	[sflag:s14] =	ssyncset.done @!p1 $0x0  }
0x10f: {  	[sflag:s14] =	ssyncadd.s32 @!p1 $0xFFFFFC00  }
0x110: {  	_ =	swait.ge @!p1 [sflag:s14], $0x400  }
0x111: {  	s15 =	simm.s32 @!p1 $0x400;
	[sflag:s14] =	ssyncset.done @!p1 $0x0  }
0x112: {  	s16 =	simm.s32 @!p1 $0x8C00;
	s13 =	simm.s32 @!p1 $0xAC00;
	[sflag:s14] =	ssyncadd.s32 @!p1 $0xFFFFFC00  }
0x113: {  	[tilespmem:s13], [sflag:$0x8] =	stream.indirect.gather @!p1 [spmem:s3], $0x1, s16, s15, $0xb8;
	[tilespmem:$0xC000] =	vst v63  }
0x114: {  	s17 =	simm.s32 @!p1 $0x7;
	s14 =	simm.s32 @!p1 $0xBC00  }
0x115: {  	[tilespmem:s14], [sflag:$0x8] =	stream.indirect.gather @!p1 [spmem:s4], $0x1, s16, s15, $0xb8;
	[tilespmem:$0xC000] =	vst v63  }
0x116: {  	_ =	swait.ge @!p1 [sflag:s17], $0x400  }
0x117: {  	[sflag:s17] =	ssyncset.done @!p1 $0x0  }
0x118: {  	[sflag:s17] =	ssyncadd.s32 @!p1 $0xFFFFFC00  }
0x119: {  	_ =	swait.ge @!p1 [sflag:s17], $0x400  }
0x11a: {  	[sflag:s17] =	ssyncset.done @!p1 $0x0  }
0x11b: {  	s19 =	simm.s32 @!p1 $0xA800;
	s16 =	simm.s32 @!p1 $0x9800;
	[sflag:s17] =	ssyncadd.s32 @!p1 $0xFFFFFC00  }
0x11c: {  	[spmem:s1] =	stream.indirect.scatter.add.f32 @!p1 [tilespmem:s19], [sflag:$0xB], $0x1, s16, s15, $0xb8;
	[tilespmem:$0xC000] =	vst v63  }
0x11d: {  	s17 =	simm.s32 @!p1 $0xB800;
	s19 =	simm.s32 @!p1 $0xA  }
0x11e: {  	[spmem:s2] =	stream.indirect.scatter.add.f32 @!p1 [tilespmem:s17], [sflag:$0xB], $0x1, s16, s15, $0xb8;
	[tilespmem:$0xC000] =	vst v63  }
0x11f: {  	_ =	swait.ge @!p1 [sflag:s19], $0x400  }
0x120: {  	[sflag:s19] =	ssyncset.done @!p1 $0x0  }
0x121: {  	[sflag:s19] =	ssyncadd.s32 @!p1 $0xFFFFFC00  }
0x122: {  	s9 =	sor.u32 @!p0 s9, s11;
	_ =	swait.ge @!p1 [sflag:s19], $0x400  }
0x123: {  	s11 =	sor.u32 @!p0 $0x10, s9;
	[sflag:s19] =	ssyncset.done @!p1 $0x0  }
0x124: {  	s16 =	sadd.s32 @!p0 s7, s11;
	s17 =	simm.s32 @!p0 $0x8400;
	[sflag:s19] =	ssyncadd.s32 @!p1 $0xFFFFFC00  }
0x125: {  	[tilespmem:s17], [sflag:$0x2] =	stream.strided.gather @!p0 [hbm4b:s16+s5], $0x400, s0, s5, $0x38;
	[tilespmem:$0xC000] =	vst v63  }
0x126: {  	s19 =	simm.s32 @!p0 $0x1;
	s16 =	sadd.s32 @!p0 s8, s11;
	s11 =	simm.s32 @!p0 $0x9400  }
0x127: {  	[tilespmem:s11], [sflag:$0x2] =	stream.strided.gather @!p0 [hbm4b:s16+s5], $0x400, s0, s5, $0x38;
	[tilespmem:$0xC000] =	vst v63  }
0x128: {  	_ =	swait.ge @!p0 [sflag:s19], $0x400  }
0x129: {  	[sflag:s19] =	ssyncset.done @!p0 $0x0  }
0x12a: {  	[sflag:s19] =	ssyncadd.s32 @!p0 $0xFFFFFC00  }
0x12b: {  	_ =	swait.ge @!p0 [sflag:s19], $0x400  }
0x12c: {  	[sflag:s19] =	ssyncset.done @!p0 $0x0  }
0x12d: {  	s16 =	simm.s32 @!p0 $0xA000;
	[sflag:s19] =	ssyncadd.s32 @!p0 $0xFFFFFC00  }
0x12e: {  	[tilespmem:s16], [sflag:$0x5] =	stream.indirect.gather @!p0 [spmem:s3], $0x1, s12, s0, $0xb8;
	[tilespmem:$0xC000] =	vst v63  }
0x12f: {  	s19 =	simm.s32 @!p0 $0xB000  }
0x130: {  	[tilespmem:s19], [sflag:$0x5] =	stream.indirect.gather @!p0 [spmem:s4], $0x1, s12, s0, $0xb8;
	[tilespmem:$0xC000] =	vst v63  }
0x131: {  	s12 =	simm.s32 @!p1 $0x8  }
0x132: {  	_ =	swait.ge @!p1 [sflag:s12], $0x400  }
0x133: {  	[sflag:s12] =	ssyncset.done @!p1 $0x0  }
0x134: {  	[sflag:s12] =	ssyncadd.s32 @!p1 $0xFFFFFC00  }
0x135: {  	_ =	swait.ge @!p1 [sflag:s12], $0x400  }
0x136: {  	[sflag:s12] =	ssyncset.done @!p1 $0x0  }
0x137: {  	[sflag:s12] =	ssyncadd.s32 @!p1 $0xFFFFFC00;
	s12 =	simm.s32 @!p1 $0x9C00  }
0x138: {  	[spmem:s1] =	stream.indirect.scatter.add.f32 @!p1 [tilespmem:s13], [sflag:$0xC], $0x1, s12, s15, $0xb8;
	[tilespmem:$0xC000] =	vst v63  }
0x139: {  	_ = 	snop  }
0x13a: {  	[spmem:s2] =	stream.indirect.scatter.add.f32 @!p1 [tilespmem:s14], [sflag:$0xC], $0x1, s12, s15, $0xb8;
	[tilespmem:$0xC000] =	vst v63  }
0x13b: {  	s12 =	simm.s32 @!p1 $0xB  }
0x13c: {  	_ =	swait.ge @!p1 [sflag:s12], $0x400  }
0x13d: {  	[sflag:s12] =	ssyncset.done @!p1 $0x0  }
0x13e: {  	[sflag:s12] =	ssyncadd.s32 @!p1 $0xFFFFFC00  }
0x13f: {  	_ =	swait.ge @!p1 [sflag:s12], $0x400  }
0x140: {  	s13 =	sor.u32 @!p0 $0x20, s9;
	[sflag:s12] =	ssyncset.done @!p1 $0x0  }
0x141: {  	s14 =	sadd.s32 @!p0 s7, s13;
	[sflag:s12] =	ssyncadd.s32 @!p1 $0xFFFFFC00;
	s12 =	simm.s32 @!p0 $0x8800  }
0x142: {  	[tilespmem:s12], [sflag:$0x3] =	stream.strided.gather @!p0 [hbm4b:s14+s5], $0x400, s0, s5, $0x38;
	[tilespmem:$0xC000] =	vst v63  }
0x143: {  	s13 =	sadd.s32 @!p0 s8, s13;
	s14 =	simm.s32 @!p0 $0x9800  }
0x144: {  	[tilespmem:s14], [sflag:$0x3] =	stream.strided.gather @!p0 [hbm4b:s13+s5], $0x400, s0, s5, $0x38;
	[tilespmem:$0xC000] =	vst v63  }
0x145: {  	s13 =	simm.s32 @!p0 $0x2  }
0x146: {  	_ =	swait.ge @!p0 [sflag:s13], $0x400  }
0x147: {  	[sflag:s13] =	ssyncset.done @!p0 $0x0  }
0x148: {  	[sflag:s13] =	ssyncadd.s32 @!p0 $0xFFFFFC00  }
0x149: {  	_ =	swait.ge @!p0 [sflag:s13], $0x400  }
0x14a: {  	[sflag:s13] =	ssyncset.done @!p0 $0x0  }
0x14b: {  	s14 =	simm.s32 @!p0 $0xA400;
	[sflag:s13] =	ssyncadd.s32 @!p0 $0xFFFFFC00  }
0x14c: {  	[tilespmem:s14], [sflag:$0x6] =	stream.indirect.gather @!p0 [spmem:s3], $0x1, s17, s0, $0xb8;
	[tilespmem:$0xC000] =	vst v63  }
0x14d: {  	s15 =	simm.s32 @!p0 $0x5;
	s13 =	simm.s32 @!p0 $0xB400  }
0x14e: {  	[tilespmem:s13], [sflag:$0x6] =	stream.indirect.gather @!p0 [spmem:s4], $0x1, s17, s0, $0xb8;
	[tilespmem:$0xC000] =	vst v63  }
0x14f: {  	_ =	swait.ge @!p0 [sflag:s15], $0x400  }
0x150: {  	[sflag:s15] =	ssyncset.done @!p0 $0x0  }
0x151: {  	[sflag:s15] =	ssyncadd.s32 @!p0 $0xFFFFFC00  }
0x152: {  	_ =	swait.ge @!p0 [sflag:s15], $0x400  }
0x153: {  	[sflag:s15] =	ssyncset.done @!p0 $0x0  }
0x154: {  	[sflag:s15] =	ssyncadd.s32 @!p0 $0xFFFFFC00  }
0x155: {  	[spmem:s1] =	stream.indirect.scatter.add.f32 @!p0 [tilespmem:s16], [sflag:$0x9], $0x1, s6, s0, $0xb8;
	[tilespmem:$0xC000] =	vst v63  }
0x156: {  	_ = 	snop  }
0x157: {  	[spmem:s2] =	stream.indirect.scatter.add.f32 @!p0 [tilespmem:s19], [sflag:$0x9], $0x1, s6, s0, $0xb8;
	[tilespmem:$0xC000] =	vst v63  }
0x158: {  	s6 =	simm.s32 @!p1 $0xC  }
0x159: {  	_ =	swait.ge @!p1 [sflag:s6], $0x400  }
0x15a: {  	[sflag:s6] =	ssyncset.done @!p1 $0x0  }
0x15b: {  	[sflag:s6] =	ssyncadd.s32 @!p1 $0xFFFFFC00  }
0x15c: {  	_ =	swait.ge @!p1 [sflag:s6], $0x400  }
0x15d: {  	s9 =	sor.u32 @!p0 $0x30, s9;
	[sflag:s6] =	ssyncset.done @!p1 $0x0  }
0x15e: {  	s15 =	sadd.s32 @!p0 s7, s9;
	[sflag:s6] =	ssyncadd.s32 @!p1 $0xFFFFFC00;
	s6 =	simm.s32 @!p0 $0x8C00  }
0x15f: {  	[tilespmem:s6], [sflag:$0x4] =	stream.strided.gather @!p0 [hbm4b:s15+s5], $0x400, s0, s5, $0x38;
	[tilespmem:$0xC000] =	vst v63  }
0x160: {  	s6 =	sadd.s32 @!p0 s8, s9;
	s9 =	simm.s32 @!p0 $0x9C00  }
0x161: {  	[tilespmem:s9], [sflag:$0x4] =	stream.strided.gather @!p0 [hbm4b:s6+s5], $0x400, s0, s5, $0x38;
	[tilespmem:$0xC000] =	vst v63  }
0x162: {  	s5 =	simm.s32 @!p0 $0x3  }
0x163: {  	_ =	swait.ge @!p0 [sflag:s5], $0x400  }
0x164: {  	[sflag:s5] =	ssyncset.done @!p0 $0x0  }
0x165: {  	[sflag:s5] =	ssyncadd.s32 @!p0 $0xFFFFFC00  }
0x166: {  	_ =	swait.ge @!p0 [sflag:s5], $0x400  }
0x167: {  	[sflag:s5] =	ssyncset.done @!p0 $0x0  }
0x168: {  	[sflag:s5] =	ssyncadd.s32 @!p0 $0xFFFFFC00;
	s5 =	simm.s32 @!p0 $0xA800  }
0x169: {  	[tilespmem:s5], [sflag:$0x7] =	stream.indirect.gather @!p0 [spmem:s3], $0x1, s12, s0, $0xb8;
	[tilespmem:$0xC000] =	vst v63  }
0x16a: {  	s5 =	simm.s32 @!p0 $0xB800  }
0x16b: {  	[tilespmem:s5], [sflag:$0x7] =	stream.indirect.gather @!p0 [spmem:s4], $0x1, s12, s0, $0xb8;
	[tilespmem:$0xC000] =	vst v63  }
0x16c: {  	s5 =	simm.s32 @!p0 $0x6  }
0x16d: {  	_ =	swait.ge @!p0 [sflag:s5], $0x400  }
0x16e: {  	[sflag:s5] =	ssyncset.done @!p0 $0x0  }
0x16f: {  	[sflag:s5] =	ssyncadd.s32 @!p0 $0xFFFFFC00  }
0x170: {  	_ =	swait.ge @!p0 [sflag:s5], $0x400  }
0x171: {  	[sflag:s5] =	ssyncset.done @!p0 $0x0  }
0x172: {  	[sflag:s5] =	ssyncadd.s32 @!p0 $0xFFFFFC00  }
0x173: {  	[spmem:s1] =	stream.indirect.scatter.add.f32 @!p0 [tilespmem:s14], [sflag:$0xA], $0x1, s11, s0, $0xb8;
	[tilespmem:$0xC000] =	vst v63  }
0x174: {  	_ = 	snop  }
0x175: {  	[spmem:s2] =	stream.indirect.scatter.add.f32 @!p0 [tilespmem:s13], [sflag:$0xA], $0x1, s11, s0, $0xb8;
	[tilespmem:$0xC000] =	vst v63  }
0x176: {  	[bflag:$0x0] =	sbarrier.arrive $0xFFFF  }
0x177: {  	s26 =	simm.s32 $0x1;
	s24 =	rddreg [dreg:$0x9]  }
0x178: {  	s29 =	simm.s32 $0x10;
	s28 =	simm.s32 $0x20;
	s5 =	rddreg [dreg:$0xd]  }
0x179: {  	[hbm:s24@s28], [sflag:s10] =	dma.strided [spmem:s5@s29], $0x400, s26, $0x10   }
0x17a: {  	_ =	swait.ge [sflag:s18], $0x400  }
0x17b: {  	[sflag:s18] =	ssyncset.done $0x0;
	s30 =	rddreg [dreg:$0xa]  }
0x17c: {  	s6 =	rddreg [dreg:$0xe];
	[sflag:s18] =	ssyncadd.s32 $0xFFFFFC00  }
0x17d: {  	[hbm:s30@s28], [sflag:s10] =	dma.strided [spmem:s6@s29], $0x400, s26, $0x10   }
0x17e: {  	_ =	swait.ge [sflag:s18], $0x400  }
0x17f: {  	s25 =	sadd.s32 $0x1, s25;
	s31 =	rddreg [dreg:$0xb]  }
0x180: {  	p0 =	sne.s32 s25, s31  }
.Ltmp1:
0x181: {  	_ = 	snop;
	(pc) =	sbr.rel @p0 .LBB2_1-.Ltmp1, $3  }
0x182: {  	_ =	sdelay $0x1  }
0x183: {  	[sflag:s18] =	ssyncset.done $0x0  }
0x184: {  	[sflag:s18] =	ssyncadd.s32 $0xFFFFFC00  }
0x185: {  	_ =	sfence.sel $0x180000  }
0x186: {  	[bflag:$0x0] =	sbarrier.arrive $0xFFFF  }
0x187: {  	_ =	strace $0x9000004A  }
0x188: {  	s0 =	stileid.u32;
	[bflag:$0x2] =	sbarrier.arrive $0xFFFF  }
0x189: {  	p0 =	sne.s32 s0, $0x0;
	s0 =	rddreg [dreg:$0x5]  }
0x18a: {  	s0 =	sadd.s32 @!p0 $0x100000, s0  }
0x18b: {  	[sflag:s0] =	ssyncadd.tile.s32 @!p0 $0x1;
	_ =	shalt  }
.Lfunc_end2:
_tile_overlayer_lowered:
.L_overlay_start_2:
0x18c: {  	(tag) =	ssettag $0x2  }
0x18d: {  	s0 =	rddreg [dreg:$0x0];
	s2 =	stileid.u32  }
0x18e: {  	s1 =	rddreg [dreg:$0x1];
	p0 =	sne.s32 s2, $0x0  }
0x18f: {  	s3 =	rddreg [dreg:$0x2];
	[bflag:$0x3] =	sbarrier.arrive $0xFFFF;
	s2 =	simm.s32 @!p0 $0x1C0D  }
0x190: {  	[timem:s3], [sflag:s2] =	dma.local @!p0 [hbm:s0], s1  }
0x191: {  	s0 =	simm.s32 @!p0 $0xD  }
0x192: {  	_ =	swait.ge @!p0 [sflag:s0], s1  }
0x193: {  	s1 =	ssub.s32 @!p0 $0x0, s1;
	[sflag:s0] =	ssyncset.done @!p0 $0x0  }
0x194: {  	[sflag:s0] =	ssyncadd.s32 @!p0 s1  }
0x195: {  	[bflag:$0x3] =	sbarrier.arrive $0xFFFF  }
0x196: {  	_ =	shalt  }

// kernel: kernel.7.cloned.1.call-start
scs
__scs_entry_jumppad:
0x0: {  	(pc) =	sbr.rel $0x88, $3  }
0x1: {  	(tag) =	ssettag $0x0;
	lr =	simm.s32 $0x1  }
0x2: {  	[smem:$0x3F97] =	sst lr;
	_ =	strace $0xD0000000  }
0x3: {  	_ = 	snop  }
0x4: {  	_ = 	snop  }
0x5: {  	_ = 	snop  }
0x6: {  	_ = 	snop  }
0x7: {  	_ = 	snop  }
__scs_overlays_trampoline_lowered:
0x8: {  	[smem:$0x3FA6] =	sst s0  }
0x9: {  	[smem:$0x3FA7] =	sst s1  }
0xa: {  	[smem:$0x3FA8] =	sst s2  }
0xb: {  	[smem:$0x3FA9] =	sst s3  }
0xc: {  	[smem:$0x3FAA] =	sst s4  }
0xd: {  	[smem:$0x3FAB] =	sst s5  }
0xe: {  	[smem:$0x3FAC] =	sst s6  }
0xf: {  	[smem:$0x3FAD] =	sst s7  }
0x10: {  	[smem:$0x3FAE] =	sst s8  }
0x11: {  	[smem:$0x3FAF] =	sst s9;
	s0 =	simm.s32 @!p0 $0x0  }
0x12: {  	s1 =	sld [smem:$0x3F95];
	s0 =	simm.s32 @p0 $0x1  }
0x13: {  	[smem:$0x3FB0] =	sst s0;
	s0 =	simm.s32 @!p1 $0x0  }
0x14: {  	s2 =	sld [smem:$0x3F94];
	s0 =	simm.s32 @p1 $0x1  }
0x15: {  	[smem:$0x3FB1] =	sst s0;
	s0 =	simm.s32 @!p2 $0x0  }
0x16: {  	s3 =	sld [smem:$0x3FDB];
	s0 =	simm.s32 @p2 $0x1  }
0x17: {  	s4 =	simm.s32 $0x1BF5;
	[smem:$0x3FB3] =	sst s0  }
0x18: {  	s0 =	sld [smem:$0x3F96];
	_ =	swait.ge [sflag:s4], $0x0  }
0x19: {  	s7 =	sld [smem:$0x3F97]  }
0x1a: {  	s8 =	sadd.s32 $0xFFFFE003, lr  }
0x1b: {  	s9 =	sadd.s32 $0xFFFFFEF7, lr;
	s5 =	simm.s32 $0xFFFFFFFF;
	p2 =	slt.u32 s8, $0xFFFFF086  }
0x1c: {  	p1 =	slt.u32 s9, $0xF7A;
	s5 =	simm.s32 @!p2 $0x0  }
0x1d: {  	s5 =	simm.s32 @p1 $0x1;
	p0 =	seq.s32 s7, s2  }
0x1e: {  	s7 =	smul.u32 @!p0 $0xF7A, s2;
	p2 =	seq.s32 @!p0 s5, $0x0  }
0x1f: {  	s9 =	smul.u32 $0xF7A, s1;
	s8 =	simm.s32 @!p0 $0x1BF5;
	p2 =	por !p2, p0  }
0x20: {  	[sflag:s8] =	ssyncset.s32 @!p0 $0xFFFFF086;
	s6 =	sadd.s32 @!p0 s3, s7;
	s7 =	simm.s32 @!p0 $0x108  }
0x21: {  	s3 =	sadd.s32 s3, s9;
	s6 =	sadd.s32 @!p0 $0x88, s6;
	s7 =	simm.s32 @p2 $0x1082  }
0x22: {  	[simem:s7], [sflag:s8] =	dma.local @!p0 [hbm:s6], $0xF7A  }
0x23: {  	s9 =	sor.u32 $0xD0000000, s2;
	s6 =	simm.s32 $0x108;
	_ =	swait.ge @!p0 [sflag:s8], $0x0  }
0x24: {  	s3 =	sadd.s32 $0x88, s3;
	s6 =	simm.s32 @!p1 $0x1082;
	[sflag:s4] =	ssyncset.s32 $0xFFFFF086  }
0x25: {  	[simem:s6], [sflag:s4] =	dma.local [hbm:s3], $0xF7A  }
0x26: {  	[smem:$0x3F97] =	sst s1;
	(tag) =	ssettag s2;
	_ =	strace s9  }
0x27: {  	s1 =	sld [smem:$0x3FA7]  }
0x28: {  	s2 =	sld [smem:$0x3FA8]  }
0x29: {  	s4 =	sld [smem:$0x3FAA]  }
0x2a: {  	p0 =	seq.s32 s5, $0x0;
	s5 =	sld [smem:$0x3FAB]  }
0x2b: {  	s6 =	sld [smem:$0x3FAC]  }
0x2c: {  	s7 =	sld [smem:$0x3FAD]  }
0x2d: {  	s3 =	simm.s32 $0x108;
	s8 =	sld [smem:$0x3FAE]  }
0x2e: {  	s3 =	simm.s32 @!p0 $0x1082;
	s9 =	sld [smem:$0x3FAF]  }
0x2f: {  	lr =	sadd.s32 s0, s3;
	s0 =	sld [smem:$0x3FA6]  }
0x30: {  	s3 =	sld [smem:$0x3FA9]  }
0x31: {  	[smem:$0x3FB2] =	sst s10  }
0x32: {  	s10 =	sld [smem:$0x3FB0];
	_ =	sdelay $0x3  }
0x33: {  	p0 =	seq.s32 s10, $0x1;
	s10 =	sld [smem:$0x3FB2];
	_ =	sdelay $0x3  }
0x34: {  	[smem:$0x3FB2] =	sst s10  }
0x35: {  	s10 =	sld [smem:$0x3FB1];
	_ =	sdelay $0x3  }
0x36: {  	p1 =	seq.s32 s10, $0x1;
	s10 =	sld [smem:$0x3FB2];
	_ =	sdelay $0x3  }
0x37: {  	[smem:$0x3FB2] =	sst s10  }
0x38: {  	s10 =	sld [smem:$0x3FB3]  }
0x39: {  	_ = 	snop;
	(pc) =	sbr.ind lr, $3  }
0x3a: {  	_ = 	snop  }
0x3b: {  	_ = 	snop  }
0x3c: {  	p2 =	seq.s32 s10, $0x1;
	s10 =	sld [smem:$0x3FB2]  }
0x3d: {  	_ =	shalt  }
0x3e: {  	_ =	shalt  }
0x3f: {  	_ =	shalt  }
0x40: {  	_ =	shalt  }
0x41: {  	_ =	shalt  }
0x42: {  	_ =	shalt  }
0x43: {  	_ =	shalt  }
0x44: {  	_ =	shalt  }
0x45: {  	_ =	shalt  }
0x46: {  	_ =	shalt  }
0x47: {  	_ =	shalt  }
0x48: {  	_ =	shalt  }
0x49: {  	_ =	shalt  }
0x4a: {  	_ =	shalt  }
0x4b: {  	_ =	shalt  }
0x4c: {  	_ =	shalt  }
0x4d: {  	_ =	shalt  }
0x4e: {  	_ =	shalt  }
0x4f: {  	_ =	shalt  }
0x50: {  	_ =	shalt  }
0x51: {  	_ =	shalt  }
0x52: {  	_ =	shalt  }
0x53: {  	_ =	shalt  }
0x54: {  	_ =	shalt  }
0x55: {  	_ =	shalt  }
0x56: {  	_ =	shalt  }
0x57: {  	_ =	shalt  }
0x58: {  	_ =	shalt  }
0x59: {  	_ =	shalt  }
0x5a: {  	_ =	shalt  }
0x5b: {  	_ =	shalt  }
0x5c: {  	_ =	shalt  }
0x5d: {  	_ =	shalt  }
0x5e: {  	_ =	shalt  }
0x5f: {  	_ =	shalt  }
0x60: {  	_ =	shalt  }
0x61: {  	_ =	shalt  }
0x62: {  	_ =	shalt  }
0x63: {  	_ =	shalt  }
0x64: {  	_ =	shalt  }
0x65: {  	_ =	shalt  }
0x66: {  	_ =	shalt  }
0x67: {  	_ =	shalt  }
0x68: {  	_ =	shalt  }
0x69: {  	_ =	shalt  }
0x6a: {  	_ =	shalt  }
0x6b: {  	_ =	shalt  }
0x6c: {  	_ =	shalt  }
0x6d: {  	_ =	shalt  }
0x6e: {  	_ =	shalt  }
0x6f: {  	_ =	shalt  }
0x70: {  	_ =	shalt  }
0x71: {  	_ =	shalt  }
0x72: {  	_ =	shalt  }
0x73: {  	_ =	shalt  }
0x74: {  	_ =	shalt  }
0x75: {  	_ =	shalt  }
0x76: {  	_ =	shalt  }
0x77: {  	_ =	shalt  }
0x78: {  	_ =	shalt  }
0x79: {  	_ =	shalt  }
0x7a: {  	_ =	shalt  }
0x7b: {  	_ =	shalt  }
0x7c: {  	_ =	shalt  }
0x7d: {  	_ =	shalt  }
0x7e: {  	_ =	shalt  }
0x7f: {  	_ =	shalt  }
0x80: {  	_ =	shalt  }
0x81: {  	_ =	shalt  }
0x82: {  	_ =	shalt  }
0x83: {  	_ =	shalt  }
0x84: {  	_ =	shalt  }
0x85: {  	_ =	shalt  }
0x86: {  	_ =	shalt  }
0x87: {  	_ =	shalt  }
.Lfunc_end0:
.L_simem_size_0:
called_computation_lowered:
.L_overlay_start_0:
0x88: {  	s2 =	sld [smem:$0x3FD9]  }
0x89: {  	s3 =	sld [smem:$0x3FFE];
	_ =	sdelay $0x1  }
0x8a: {  	s1 =	srdreg.scid  }
0x8b: {  	s0 =	sand.u32 $0x1, s1  }
0x8c: {  	s14 =	sshll.u32 s0, $0xA;
	s2 =	sadd.s32 s3, s2  }
0x8d: {  	s2 =	sadd.s32 s2, s14  }
0x8e: {  	[smem:$0x3FBE] =	sst s2  }
0x8f: {  	_ = 	snop  }
0x90: {  	s2 =	sld [smem:$0x3FD0];
	_ =	sdelay $0x2  }
0x91: {  	s15 =	simm.s32 $0xA;
	s4 =	simm.s32 $0x10  }
0x92: {  	[smem:s4], [sflag:s15] =	dma.local [hbm:s2], $0x1  }
0x93: {  	_ =	swait.eq [sflag:s15], $0x1  }
0x94: {  	[sflag:s15] =	ssyncset.done $0x0  }
0x95: {  	[sflag:s15] =	ssyncadd.s32 $0xFFFFFFFF  }
0x96: {  	s16 =	sld [smem:$0x11];
	(tm) =	ssettm $0x1  }
0x97: {  	s17 =	sld [smem:$0x3FFB];
	_ =	sdelay $0x3  }
0x98: {  	_ =	strace s17  }
0x99: {  	s3 =	sld [smem:$0x3FFC];
	_ =	sdelay $0x3  }
0x9a: {  	_ =	strace s3  }
0x9b: {  	s3 =	sld [smem:$0x3FFD];
	_ =	sdelay $0x3  }
0x9c: {  	_ =	strace s3  }
0x9d: {  	_ =	strace $0x8FFFFFFF  }
0x9e: {  	s18 =	sld [smem:$0x3FDB];
	_ =	sdelay $0x1  }
0x9f: {  	s19 =	simm.s32 $_scs_section_size  }
0xa0: {  	s5 =	simm.s32 $_size__tile_overlayer_lowered;
	s6 =	simm.s32 $_tile_overlayer_lowered  }
0xa1: {  	s22 =	simm.s32 $0x1BFF;
	s21 =	sshll.u32 s6, $0x1;
	s3 =	sadd.s32 s19, s18  }
0xa2: {  	s7 =	simm.s32 $0x0;
	s20 =	sshll.u32 s5, $0x1;
	s5 =	sadd.s32 s21, s3  }
0xa3: {  	[timem:s7], [sflag:s22] =	dma.local [hbm:s5], s20  }
0xa4: {  	_ =	swait.ge [sflag:s22], s20  }
0xa5: {  	s4 =	ssub.s32 $0x0, s20;
	[sflag:s22] =	ssyncset.done $0x0  }
0xa6: {  	[sflag:s22] =	ssyncadd.s32 s4;
	_ =	sdelay $0x1  }
0xa7: {  	s23 =	simm.s32 $0x1B8B  }
0xa8: {  	_ =	swait.ge [sflag:s23], $0x1  }
0xa9: {  	[sflag:s23] =	ssyncset.done $0x0  }
0xaa: {  	s25 =	simm.s32 $0x1B8E;
	s24 =	sld [smem:$0x3FFE];
	[sflag:s23] =	ssyncadd.s32 $0xFFFFFFFF  }
0xab: {  	s26 =	simm.s32 $execute0_lowered;
	[smem:$0x3FD2] =	sst s25  }
0xac: {  	s5 =	sshll.u32 s26, $0x1;
	_ =	strace $0x80000046;
	[dreg:$0x1] =	wrdreg $0xFFFFFFFF  }
0xad: {  	s28 =	simm.s32 $_size_execute0_lowered;
	s3 =	sadd.s32 s3, s5;
	[dreg:$0x0] =	wrdreg $0x0  }
0xae: {  	s5 =	sshll.u32 s28, $0x1;
	[dreg:$0x2] =	wrdreg s3  }
0xaf: {  	[dreg:$0x3] =	wrdreg s5  }
0xb0: {  	[dreg:$0x4] =	wrdreg $0xC0  }
0xb1: {  	_ =	task [dreg:s7], $0x5FFFF  }
0xb2: {  	[dreg:$0x1] =	wrdreg $0xFFFFFFFF  }
0xb3: {  	[dreg:$0x0] =	wrdreg $0x60  }
0xb4: {  	[dreg:$0x2] =	wrdreg s24  }
0xb5: {  	[dreg:$0x3] =	wrdreg s16  }
0xb6: {  	[dreg:$0x4] =	wrdreg $0x0  }
0xb7: {  	[dreg:$0x5] =	wrdreg $0x9  }
0xb8: {  	_ =	task.clear_ibuf [dreg:s7], $0x6FFFF;
	_ =	strace $0x90000046  }
0xb9: {  	s29 =	simm.s32 $0x9;
	_ =	strace $0x80000048  }
0xba: {  	_ =	swait.ge [sflag:s29], $0x1  }
0xbb: {  	[sflag:s29] =	ssyncadd.s32 $0xFFFFFFFF  }
0xbc: {  	_ =	strace $0x90000048  }
0xbd: {  	_ =	sfence  }
0xbe: {  	s30 =	sld [smem:$0x0];
	_ =	sdelay $0x2  }
0xbf: {  	s31 =	sshll.u32 s1, $0xD;
	s1 =	sshrl.u32 s1, $0x2  }
0xc0: {  	s3 =	sand.u32 $0x4000, s31;
	s1 =	sadd.s32 s1, s30  }
0xc1: {  	s0 =	sor.u32 s3, s0;
	s1 =	sshll.u32 s1, $0x11  }
0xc2: {  	s0 =	sor.u32 s1, s0  }
0xc3: {  	s0 =	sadd.s32 $0x8F2B, s0  }
0xc4: {  	[sflag:s0] =	ssyncadd.remote.s32 $0x1  }
0xc5: {  	_ =	sfence.sel $0xFFFF  }
0xc6: {  	[dreg:$0x0] =	wrdreg $0xFFFFFFFF;
	(pc) =	sbr.abs _section_cstart, $3  }
0xc7: {  	[dreg:$0x1] =	wrdreg $0xFFFFFFFF  }
0xc8: {  	_ =	task.clear_ibuf [dreg:s7], $0x2FFFF;
	_ =	strace $0x9FFFFFFF  }
0xc9: {  	(tm) =	ssettm $0x7FFFFFFF  }
tec
execute0_lowered:
.L_overlay_start_1:
0x0: {  	(tag) =	ssettag $0x1  }
0x1: {  	s0 =	rddreg [dreg:$0x0]  }
0x2: {  	s2 =	rddreg [dreg:$0x2];
	s1 =	simm.s32 $0x0;
	s29 =	srdreg.scid  }
0x3: {  	s3 =	stileid.u32;
	s18 =	simm.s32 $0x9;
	s19 =	simm.s32 $0x3400  }
0x4: {  	s23 =	simm.s32 $0x0;
	[smem:$0x7FF] =	sst s1;
	s1 =	sand.u32 $0x1, s29  }
0x5: {  	s5 =	sadd.s32 $0x1400, s0;
	s7 =	sshll.u32 s3, $0xB;
	s9 =	sshll.u32 s3, $0xD  }
0x6: {  	s31 =	sshll.u32 s3, $0xE;
	_ =	strace $0x80000047;
	s6 =	sshll.u32 s1, $0x4  }
0x7: {  	s30 =	ssub.s32 $0x2, s1;
	s1 =	sshll.u32 s1, $0xD;
	s0 =	sadd.s32 s6, s0  }
0x8: {  	s8 =	sshrl.u32 s30, $0x1;
	s6 =	sadd.s32 s9, s2;
	s16 =	sor.u32 s1, s31  }
0x9: {  	s0 =	sadd.s32 s7, s0;
	s8 =	ssub.s32 s30, s8;
	s9 =	sadd.s32 $0x400, s6  }
0xa: {  	s10 =	sadd.s32 $0x800, s6;
	s11 =	sadd.s32 $0xC00, s6;
	s12 =	sadd.s32 $0x1000, s6  }
0xb: {  	s13 =	sadd.s32 $0x1400, s6;
	s14 =	sadd.s32 $0x1800, s6;
	s0 =	sadd.s32 $0x41400, s0  }
0xc: {  	v0 =	vimm.f32 $0.0e+00;
	s15 =	sadd.s32 $0x1C00, s6;
	s8 =	smax.u32 s8, $0x1;
	[dreg:$0x4] =	wrdreg s0  }
.LBB2_1:
0xd: {  	s0 =	rddreg [dreg:$0x1];
	s1 =	simm.s32 $0x0;
	s3 =	simm.s32 $0x3000  }
0xe: {  	[tilespmem:s3], [sflag:$0x9] =	stream.linear.gather [hbm4b:s0+s1], $0x400, $0x38;
	[tilespmem:$0x3800] =	vst v63  }
0xf: {  	_ =	swait.ge [sflag:s18], $0x400  }
0x10: {  	[sflag:s18] =	ssyncset.done $0x0  }
0x11: {  	[sflag:s18] =	ssyncadd.s32 $0xFFFFFC00  }
0x12: {  	[tilespmem:$0x3400] =	vst v0  }
0x13: {  	[tilespmem:$0x3410] =	vst v0  }
0x14: {  	[tilespmem:$0x3420] =	vst v0  }
0x15: {  	[tilespmem:$0x3430] =	vst v0  }
0x16: {  	[tilespmem:$0x3440] =	vst v0  }
0x17: {  	[tilespmem:$0x3450] =	vst v0  }
0x18: {  	[tilespmem:$0x3460] =	vst v0  }
0x19: {  	[tilespmem:$0x3470] =	vst v0  }
0x1a: {  	[tilespmem:$0x3480] =	vst v0  }
0x1b: {  	[tilespmem:$0x3490] =	vst v0  }
0x1c: {  	[tilespmem:$0x34A0] =	vst v0  }
0x1d: {  	[tilespmem:$0x34B0] =	vst v0  }
0x1e: {  	[tilespmem:$0x34C0] =	vst v0  }
0x1f: {  	[tilespmem:$0x34D0] =	vst v0  }
0x20: {  	[tilespmem:$0x34E0] =	vst v0  }
0x21: {  	[tilespmem:$0x34F0] =	vst v0  }
0x22: {  	[tilespmem:$0x3500] =	vst v0  }
0x23: {  	[tilespmem:$0x3510] =	vst v0  }
0x24: {  	[tilespmem:$0x3520] =	vst v0  }
0x25: {  	[tilespmem:$0x3530] =	vst v0  }
0x26: {  	[tilespmem:$0x3540] =	vst v0  }
0x27: {  	[tilespmem:$0x3550] =	vst v0  }
0x28: {  	[tilespmem:$0x3560] =	vst v0  }
0x29: {  	[tilespmem:$0x3570] =	vst v0  }
0x2a: {  	[tilespmem:$0x3580] =	vst v0  }
0x2b: {  	[tilespmem:$0x3590] =	vst v0  }
0x2c: {  	[tilespmem:$0x35A0] =	vst v0  }
0x2d: {  	[tilespmem:$0x35B0] =	vst v0  }
0x2e: {  	[tilespmem:$0x35C0] =	vst v0  }
0x2f: {  	[tilespmem:$0x35D0] =	vst v0  }
0x30: {  	[tilespmem:$0x35E0] =	vst v0  }
0x31: {  	[tilespmem:$0x35F0] =	vst v0  }
0x32: {  	[tilespmem:$0x3600] =	vst v0  }
0x33: {  	[tilespmem:$0x3610] =	vst v0  }
0x34: {  	[tilespmem:$0x3620] =	vst v0  }
0x35: {  	[tilespmem:$0x3630] =	vst v0  }
0x36: {  	[tilespmem:$0x3640] =	vst v0  }
0x37: {  	[tilespmem:$0x3650] =	vst v0  }
0x38: {  	[tilespmem:$0x3660] =	vst v0  }
0x39: {  	[tilespmem:$0x3670] =	vst v0  }
0x3a: {  	[tilespmem:$0x3680] =	vst v0  }
0x3b: {  	[tilespmem:$0x3690] =	vst v0  }
0x3c: {  	[tilespmem:$0x36A0] =	vst v0  }
0x3d: {  	[tilespmem:$0x36B0] =	vst v0  }
0x3e: {  	[tilespmem:$0x36C0] =	vst v0  }
0x3f: {  	[tilespmem:$0x36D0] =	vst v0  }
0x40: {  	[tilespmem:$0x36E0] =	vst v0  }
0x41: {  	[tilespmem:$0x36F0] =	vst v0  }
0x42: {  	[tilespmem:$0x3700] =	vst v0  }
0x43: {  	[tilespmem:$0x3710] =	vst v0  }
0x44: {  	[tilespmem:$0x3720] =	vst v0  }
0x45: {  	[tilespmem:$0x3730] =	vst v0  }
0x46: {  	[tilespmem:$0x3740] =	vst v0  }
0x47: {  	[tilespmem:$0x3750] =	vst v0  }
0x48: {  	[tilespmem:$0x3760] =	vst v0  }
0x49: {  	[tilespmem:$0x3770] =	vst v0  }
0x4a: {  	[tilespmem:$0x3780] =	vst v0  }
0x4b: {  	[tilespmem:$0x3790] =	vst v0  }
0x4c: {  	[tilespmem:$0x37A0] =	vst v0  }
0x4d: {  	[tilespmem:$0x37B0] =	vst v0  }
0x4e: {  	[tilespmem:$0x37C0] =	vst v0  }
0x4f: {  	[tilespmem:$0x37D0] =	vst v0  }
0x50: {  	[tilespmem:$0x37E0] =	vst v0  }
0x51: {  	[tilespmem:$0x37F0] =	vst v0  }
0x52: {  	[spmem:s6] =	stream.linear.scatter [tilespmem:s19], [sflag:$0x9], $0x400, $0x38;
	[tilespmem:$0x3800] =	vst v63  }
0x53: {  	_ =	swait.ge [sflag:s18], $0x400  }
0x54: {  	[sflag:s18] =	ssyncset.done $0x0  }
0x55: {  	[sflag:s18] =	ssyncadd.s32 $0xFFFFFC00  }
0x56: {  	[spmem:s9] =	stream.linear.scatter [tilespmem:s19], [sflag:$0x9], $0x400, $0x38;
	[tilespmem:$0x3800] =	vst v63  }
0x57: {  	_ =	swait.ge [sflag:s18], $0x400  }
0x58: {  	[sflag:s18] =	ssyncset.done $0x0  }
0x59: {  	[sflag:s18] =	ssyncadd.s32 $0xFFFFFC00  }
0x5a: {  	[spmem:s10] =	stream.linear.scatter [tilespmem:s19], [sflag:$0x9], $0x400, $0x38;
	[tilespmem:$0x3800] =	vst v63  }
0x5b: {  	_ =	swait.ge [sflag:s18], $0x400  }
0x5c: {  	[sflag:s18] =	ssyncset.done $0x0  }
0x5d: {  	[sflag:s18] =	ssyncadd.s32 $0xFFFFFC00  }
0x5e: {  	[spmem:s11] =	stream.linear.scatter [tilespmem:s19], [sflag:$0x9], $0x400, $0x38;
	[tilespmem:$0x3800] =	vst v63  }
0x5f: {  	_ =	swait.ge [sflag:s18], $0x400  }
0x60: {  	[sflag:s18] =	ssyncset.done $0x0  }
0x61: {  	[sflag:s18] =	ssyncadd.s32 $0xFFFFFC00  }
0x62: {  	[spmem:s12] =	stream.linear.scatter [tilespmem:s19], [sflag:$0x9], $0x400, $0x38;
	[tilespmem:$0x3800] =	vst v63  }
0x63: {  	_ =	swait.ge [sflag:s18], $0x400  }
0x64: {  	[sflag:s18] =	ssyncset.done $0x0  }
0x65: {  	[sflag:s18] =	ssyncadd.s32 $0xFFFFFC00  }
0x66: {  	[spmem:s13] =	stream.linear.scatter [tilespmem:s19], [sflag:$0x9], $0x400, $0x38;
	[tilespmem:$0x3800] =	vst v63  }
0x67: {  	_ =	swait.ge [sflag:s18], $0x400  }
0x68: {  	[sflag:s18] =	ssyncset.done $0x0  }
0x69: {  	[sflag:s18] =	ssyncadd.s32 $0xFFFFFC00  }
0x6a: {  	[spmem:s14] =	stream.linear.scatter [tilespmem:s19], [sflag:$0x9], $0x400, $0x38;
	[tilespmem:$0x3800] =	vst v63  }
0x6b: {  	_ =	swait.ge [sflag:s18], $0x400  }
0x6c: {  	[sflag:s18] =	ssyncset.done $0x0  }
0x6d: {  	[sflag:s18] =	ssyncadd.s32 $0xFFFFFC00  }
0x6e: {  	[spmem:s15] =	stream.linear.scatter [tilespmem:s19], [sflag:$0x9], $0x400, $0x38;
	[tilespmem:$0x3800] =	vst v63  }
0x6f: {  	_ =	swait.ge [sflag:s18], $0x400  }
0x70: {  	p0 =	por $0x1, $0x1;
	[sflag:s18] =	ssyncset.done $0x0  }
0x71: {  	p2 =	por $0x0, $0x0;
	s0 =	simm.s32 @!p0 $0x5;
	[sflag:s18] =	ssyncadd.s32 $0xFFFFFC00  }
0x72: {  	s1 =	sand.u32 @!p2 $0x40, s1;
	s24 =	simm.s32 @!p2 $0x400;
	[bflag:$0x0] =	sbarrier.arrive $0xFFFF  }
0x73: {  	s17 =	sand.u32 @!p2 $0x3FC00, s16;
	s26 =	simm.s32 @!p0 $0x4;
	_ =	swait.ge @!p0 [sflag:s0], $0x400  }
0x74: {  	s28 =	simm.s32 @!p2 $0x80;
	s25 =	sadd.s32 @!p2 s5, s1;
	[sflag:s0] =	ssyncset.done @!p0 $0x0  }
0x75: {  	s25 =	sadd.s32 @!p2 s17, s25;
	[sflag:s0] =	ssyncadd.s32 @!p0 $0xFFFFFC00;
	s0 =	simm.s32 @!p2 $0x2000  }
0x76: {  	[tilespmem:s0], [sflag:$0x1] =	stream.strided.gather @!p2 [hbm4b:s25+s28], $0x400, s24, s28, $0x38;
	[tilespmem:$0x3800] =	vst v63  }
0x77: {  	s29 =	simm.s32 @!p0 $0x6;
	_ =	swait.ge @!p0 [sflag:s26], $0x400  }
0x78: {  	s30 =	simm.s32 @!p0 $0x400;
	s1 =	sadd.s32 @!p2 s1, s5;
	[sflag:s26] =	ssyncset.done @!p0 $0x0  }
0x79: {  	s25 =	simm.s32 @!p0 $0x3000;
	[sflag:s26] =	ssyncadd.s32 @!p0 $0xFFFFFC00;
	s26 =	simm.s32 @!p0 $0x2C00  }
0x7a: {  	[spmem:s2] =	stream.indirect.scatter.add.f32 @!p0 [tilespmem:s25], [sflag:$0x8], $0x1, s26, s30, $0xb8;
	[tilespmem:$0x3800] =	vst v63  }
0x7b: {  	s1 =	sadd.s32 @!p2 s17, s1;
	_ =	swait.ge @!p0 [sflag:s29], $0x400  }
0x7c: {  	s17 =	sadd.s32 @!p2 $0x10, s1;
	[sflag:s29] =	ssyncset.done @!p0 $0x0  }
0x7d: {  	s25 =	simm.s32 @!p2 $0x2400;
	s26 =	simm.s32 @!p2 $0x1;
	[sflag:s29] =	ssyncadd.s32 @!p0 $0xFFFFFC00  }
0x7e: {  	[tilespmem:s25], [sflag:$0x2] =	stream.strided.gather @!p2 [hbm4b:s17+s28], $0x400, s24, s28, $0x38;
	[tilespmem:$0x3800] =	vst v63  }
0x7f: {  	_ =	swait.ge @!p2 [sflag:s26], $0x400  }
0x80: {  	p1 =	por p2, p2;
	[sflag:s26] =	ssyncset.done @!p2 $0x0  }
0x81: {  	s30 =	simm.s32 @!p2 $0x3000;
	s17 =	simm.s32 @!p0 $0x7;
	[sflag:s26] =	ssyncadd.s32 @!p2 $0xFFFFFC00  }
0x82: {  	[spmem:s2] =	stream.indirect.scatter.add.f32 @!p1 [tilespmem:s30], [sflag:$0x5], $0x1, s0, s24, $0xb8;
	[tilespmem:$0x3800] =	vst v63  }
0x83: {  	_ =	swait.ge @!p0 [sflag:s17], $0x400  }
0x84: {  	s26 =	sadd.s32 @!p2 $0x20, s1;
	[sflag:s17] =	ssyncset.done @!p0 $0x0  }
0x85: {  	s0 =	simm.s32 @!p1 $0x2800;
	[sflag:s17] =	ssyncadd.s32 @!p0 $0xFFFFFC00;
	s17 =	simm.s32 @!p1 $0x2  }
0x86: {  	[tilespmem:s0], [sflag:$0x3] =	stream.strided.gather @!p1 [hbm4b:s26+s28], $0x400, s24, s28, $0x38;
	[tilespmem:$0x3800] =	vst v63  }
0x87: {  	_ =	swait.ge @!p1 [sflag:s17], $0x400  }
0x88: {  	[sflag:s17] =	ssyncset.done @!p1 $0x0  }
0x89: {  	s29 =	simm.s32 @!p0 $0x8;
	[sflag:s17] =	ssyncadd.s32 @!p1 $0xFFFFFC00  }
0x8a: {  	[spmem:s2] =	stream.indirect.scatter.add.f32 @!p1 [tilespmem:s30], [sflag:$0x6], $0x1, s25, s24, $0xb8;
	[tilespmem:$0x3800] =	vst v63  }
0x8b: {  	_ =	swait.ge @!p0 [sflag:s29], $0x400  }
0x8c: {  	s26 =	simm.s32 $0x80;
	s17 =	sadd.s32 @!p2 $0x30, s1;
	[sflag:s29] =	ssyncset.done @!p0 $0x0  }
0x8d: {  	s1 =	simm.s32 $0x40;
	s25 =	simm.s32 @!p1 $0x2C00;
	[sflag:s29] =	ssyncadd.s32 @!p0 $0xFFFFFC00  }
0x8e: {  	[tilespmem:s25], [sflag:$0x4] =	stream.strided.gather @!p1 [hbm4b:s17+s28], $0x400, s24, s28, $0x38;
	[tilespmem:$0x3800] =	vst v63  }
0x8f: {  	p0 =	por $0x0, $0x0;
	s29 =	simm.s32 $0x1;
	s17 =	simm.s32 @!p1 $0x3  }
0x90: {  	s25 =	sadd.s32 $0x200, s16;
	s28 =	simm.s32 $0x0;
	_ =	swait.ge @!p1 [sflag:s17], $0x400  }
.LBB2_2:
0x91: {  	s31 =	simm.s32 @!p0 $0x5  }
0x92: {  	p2 =	sgt.u32 s29, $0xF;
	[sflag:s17] =	ssyncset.done @!p1 $0x0;
	s20 =	smov.u32 s26  }
0x93: {  	s1 =	sand.u32 @!p2 $0x40, s1;
	s21 =	simm.s32 @!p2 $0x400;
	[sflag:s17] =	ssyncadd.s32 @!p1 $0xFFFFFC00  }
0x94: {  	[spmem:s2] =	stream.indirect.scatter.add.f32 @!p1 [tilespmem:s30], [sflag:$0x7], $0x1, s0, s24, $0xb8;
	[tilespmem:$0x3800] =	vst v63  }
0x95: {  	s0 =	sand.u32 @!p2 $0x3FC00, s25;
	s17 =	sadd.s32 @!p2 s5, s1;
	_ =	swait.ge @!p0 [sflag:s31], $0x400  }
0x96: {  	s24 =	simm.s32 @!p0 $0x4;
	s17 =	sadd.s32 @!p2 s0, s17;
	[sflag:s31] =	ssyncset.done @!p0 $0x0  }
0x97: {  	s22 =	simm.s32 @!p2 $0x2000;
	[sflag:s31] =	ssyncadd.s32 @!p0 $0xFFFFFC00;
	s31 =	simm.s32 @!p2 $0x80  }
0x98: {  	[tilespmem:s22], [sflag:$0x1] =	stream.strided.gather @!p2 [hbm4b:s17+s31], $0x400, s21, s31, $0x38;
	[tilespmem:$0x3800] =	vst v63  }
0x99: {  	s30 =	simm.s32 @!p0 $0x6;
	s17 =	simm.s32 @!p0 $0x3000;
	_ =	swait.ge @!p0 [sflag:s24], $0x400  }
0x9a: {  	s4 =	simm.s32 @!p0 $0x400;
	s3 =	simm.s32 @!p0 $0x2C00;
	[sflag:s24] =	ssyncset.done @!p0 $0x0  }
0x9b: {  	s26 =	sadd.s32 $0x40, s26;
	s1 =	sadd.s32 @!p2 s1, s5;
	[sflag:s24] =	ssyncadd.s32 @!p0 $0xFFFFFC00  }
0x9c: {  	[spmem:s2] =	stream.indirect.scatter.add.f32 @!p0 [tilespmem:s17], [sflag:$0x8], $0x1, s3, s4, $0xb8;
	[tilespmem:$0x3800] =	vst v63  }
0x9d: {  	p3 =	sne.s32 s26, $0x480;
	s0 =	sadd.s32 @!p2 s0, s1;
	_ =	swait.ge @!p0 [sflag:s30], $0x400  }
0x9e: {  	s1 =	sadd.s32 @!p2 $0x10, s0;
	s3 =	sadd.s32 @!p2 $0x20, s0;
	[sflag:s30] =	ssyncset.done @!p0 $0x0  }
0x9f: {  	s4 =	simm.s32 @!p2 $0x2400;
	s17 =	simm.s32 @!p2 $0x1;
	[sflag:s30] =	ssyncadd.s32 @!p0 $0xFFFFFC00  }
0xa0: {  	[tilespmem:s4], [sflag:$0x2] =	stream.strided.gather @!p2 [hbm4b:s1+s31], $0x400, s21, s31, $0x38;
	[tilespmem:$0x3800] =	vst v63  }
0xa1: {  	s7 =	sadd.s32 @!p2 $0x30, s0;
	s24 =	smov.u32 s21;
	_ =	swait.ge @!p2 [sflag:s17], $0x400  }
0xa2: {  	s0 =	simm.s32 @!p0 $0x7;
	s1 =	smov.u32 s20;
	[sflag:s17] =	ssyncset.done @!p2 $0x0  }
0xa3: {  	p1 =	por p2, p2;
	s30 =	simm.s32 @!p2 $0x3000;
	[sflag:s17] =	ssyncadd.s32 @!p2 $0xFFFFFC00  }
0xa4: {  	[spmem:s2] =	stream.indirect.scatter.add.f32 @!p1 [tilespmem:s30], [sflag:$0x5], $0x1, s22, s24, $0xb8;
	[tilespmem:$0x3800] =	vst v63  }
0xa5: {  	_ =	swait.ge @!p0 [sflag:s0], $0x400  }
0xa6: {  	[sflag:s0] =	ssyncset.done @!p0 $0x0  }
0xa7: {  	s17 =	simm.s32 @!p1 $0x2;
	[sflag:s0] =	ssyncadd.s32 @!p0 $0xFFFFFC00;
	s0 =	simm.s32 @!p1 $0x2800  }
0xa8: {  	[tilespmem:s0], [sflag:$0x3] =	stream.strided.gather @!p1 [hbm4b:s3+s31], $0x400, s24, s31, $0x38;
	[tilespmem:$0x3800] =	vst v63  }
0xa9: {  	_ =	swait.ge @!p1 [sflag:s17], $0x400  }
0xaa: {  	s3 =	simm.s32 @!p0 $0x8;
	[sflag:s17] =	ssyncset.done @!p1 $0x0  }
0xab: {  	[sflag:s17] =	ssyncadd.s32 @!p1 $0xFFFFFC00  }
0xac: {  	[spmem:s2] =	stream.indirect.scatter.add.f32 @!p1 [tilespmem:s30], [sflag:$0x6], $0x1, s4, s24, $0xb8;
	[tilespmem:$0x3800] =	vst v63  }
.Ltmp0:
0xad: {  	_ =	swait.ge @!p0 [sflag:s3], $0x400;
	(pc) =	sbr.rel @p3 .LBB2_2-.Ltmp0, $4  }
0xae: {  	s28 =	sadd.s32 $0x4, s28;
	s25 =	sadd.s32 $0x200, s25;
	[sflag:s3] =	ssyncset.done @!p0 $0x0  }
0xaf: {  	s17 =	simm.s32 @!p1 $0x3;
	[sflag:s3] =	ssyncadd.s32 @!p0 $0xFFFFFC00;
	s3 =	simm.s32 @!p1 $0x2C00  }
0xb0: {  	[tilespmem:s3], [sflag:$0x4] =	stream.strided.gather @!p1 [hbm4b:s7+s31], $0x400, s24, s31, $0x38;
	[tilespmem:$0x3800] =	vst v63  }
0xb1: {  	s29 =	sadd.s32 $0x1, s29;
	p0 =	sgt.u32 s28, $0x3F;
	_ =	swait.ge @!p1 [sflag:s17], $0x400  }
0xb2: {  	s3 =	simm.s32 @!p0 $0x5;
	p2 =	sgt.u32 s29, $0xF;
	[sflag:s17] =	ssyncset.done @!p1 $0x0  }
0xb3: {  	s1 =	sand.u32 @!p2 $0x40, s1;
	s4 =	simm.s32 @!p2 $0x400;
	[sflag:s17] =	ssyncadd.s32 @!p1 $0xFFFFFC00  }
0xb4: {  	[spmem:s2] =	stream.indirect.scatter.add.f32 @!p1 [tilespmem:s30], [sflag:$0x7], $0x1, s0, s24, $0xb8;
	[tilespmem:$0x3800] =	vst v63  }
0xb5: {  	s17 =	simm.s32 @!p0 $0x4;
	s20 =	simm.s32 @!p2 $0x2000;
	_ =	swait.ge @!p0 [sflag:s3], $0x400  }
0xb6: {  	s0 =	sand.u32 @!p2 $0x3FC00, s25;
	s7 =	sadd.s32 @!p2 s5, s1;
	[sflag:s3] =	ssyncset.done @!p0 $0x0  }
0xb7: {  	s7 =	sadd.s32 @!p2 s0, s7;
	[sflag:s3] =	ssyncadd.s32 @!p0 $0xFFFFFC00;
	s3 =	simm.s32 @!p2 $0x80  }
0xb8: {  	[tilespmem:s20], [sflag:$0x1] =	stream.strided.gather @!p2 [hbm4b:s7+s3], $0x400, s4, s3, $0x38;
	[tilespmem:$0x3800] =	vst v63  }
0xb9: {  	s21 =	simm.s32 @!p0 $0x6;
	_ =	swait.ge @!p0 [sflag:s17], $0x400  }
0xba: {  	s22 =	simm.s32 @!p0 $0x400;
	s24 =	simm.s32 @!p0 $0x2C00;
	[sflag:s17] =	ssyncset.done @!p0 $0x0  }
0xbb: {  	s1 =	sadd.s32 @!p2 s1, s5;
	s7 =	simm.s32 @!p0 $0x3000;
	[sflag:s17] =	ssyncadd.s32 @!p0 $0xFFFFFC00  }
0xbc: {  	[spmem:s2] =	stream.indirect.scatter.add.f32 @!p0 [tilespmem:s7], [sflag:$0x8], $0x1, s24, s22, $0xb8;
	[tilespmem:$0x3800] =	vst v63  }
0xbd: {  	s0 =	sadd.s32 @!p2 s0, s1;
	_ =	swait.ge @!p0 [sflag:s21], $0x400  }
0xbe: {  	s1 =	sadd.s32 @!p2 $0x10, s0;
	[sflag:s21] =	ssyncset.done @!p0 $0x0  }
0xbf: {  	s17 =	simm.s32 @!p2 $0x1;
	s7 =	simm.s32 @!p2 $0x2400;
	[sflag:s21] =	ssyncadd.s32 @!p0 $0xFFFFFC00  }
0xc0: {  	[tilespmem:s7], [sflag:$0x2] =	stream.strided.gather @!p2 [hbm4b:s1+s3], $0x400, s4, s3, $0x38;
	[tilespmem:$0x3800] =	vst v63  }
0xc1: {  	_ =	swait.ge @!p2 [sflag:s17], $0x400  }
0xc2: {  	p1 =	por p2, p2;
	[sflag:s17] =	ssyncset.done @!p2 $0x0  }
0xc3: {  	s1 =	simm.s32 @!p0 $0x7;
	[sflag:s17] =	ssyncadd.s32 @!p2 $0xFFFFFC00;
	s17 =	simm.s32 @!p2 $0x3000  }
0xc4: {  	[spmem:s2] =	stream.indirect.scatter.add.f32 @!p1 [tilespmem:s17], [sflag:$0x5], $0x1, s20, s4, $0xb8;
	[tilespmem:$0x3800] =	vst v63  }
0xc5: {  	_ =	swait.ge @!p0 [sflag:s1], $0x400  }
0xc6: {  	s21 =	simm.s32 @!p1 $0x2;
	[sflag:s1] =	ssyncset.done @!p0 $0x0  }
0xc7: {  	s20 =	sadd.s32 @!p2 $0x20, s0;
	[sflag:s1] =	ssyncadd.s32 @!p0 $0xFFFFFC00;
	s1 =	simm.s32 @!p1 $0x2800  }
0xc8: {  	[tilespmem:s1], [sflag:$0x3] =	stream.strided.gather @!p1 [hbm4b:s20+s3], $0x400, s4, s3, $0x38;
	[tilespmem:$0x3800] =	vst v63  }
0xc9: {  	_ =	swait.ge @!p1 [sflag:s21], $0x400  }
0xca: {  	[sflag:s21] =	ssyncset.done @!p1 $0x0  }
0xcb: {  	s20 =	simm.s32 @!p0 $0x8;
	[sflag:s21] =	ssyncadd.s32 @!p1 $0xFFFFFC00  }
0xcc: {  	[spmem:s2] =	stream.indirect.scatter.add.f32 @!p1 [tilespmem:s17], [sflag:$0x6], $0x1, s7, s4, $0xb8;
	[tilespmem:$0x3800] =	vst v63  }
0xcd: {  	_ =	swait.ge @!p0 [sflag:s20], $0x400  }
0xce: {  	s0 =	sadd.s32 @!p2 $0x30, s0;
	[sflag:s20] =	ssyncset.done @!p0 $0x0  }
0xcf: {  	s7 =	simm.s32 @!p1 $0x2C00;
	[sflag:s20] =	ssyncadd.s32 @!p0 $0xFFFFFC00;
	s20 =	simm.s32 @!p1 $0x3  }
0xd0: {  	[tilespmem:s7], [sflag:$0x4] =	stream.strided.gather @!p1 [hbm4b:s0+s3], $0x400, s4, s3, $0x38;
	[tilespmem:$0x3800] =	vst v63  }
0xd1: {  	s26 =	sshrl.u32 s6, $0x3;
	s29 =	simm.s32 $0x1;
	_ =	swait.ge @!p1 [sflag:s20], $0x400  }
0xd2: {  	s31 =	simm.s32 $0x10;
	s23 =	sadd.s32 $0x1, s23;
	[sflag:s20] =	ssyncset.done @!p1 $0x0  }
0xd3: {  	s25 =	stileid.u32;
	s30 =	simm.s32 $0x20;
	[sflag:s20] =	ssyncadd.s32 @!p1 $0xFFFFFC00  }
0xd4: {  	[spmem:s2] =	stream.indirect.scatter.add.f32 @!p1 [tilespmem:s17], [sflag:$0x7], $0x1, s1, s4, $0xb8;
	[tilespmem:$0x3800] =	vst v63  }
0xd5: {  	p0 =	sne.s32 s23, s8;
	s0 =	sshll.u32 s25, $0x6;
	[bflag:$0x0] =	sbarrier.arrive $0xFFFF  }
.Ltmp1:
0xd6: {  	s0 =	sor.u32 $0x1C09, s0;
	s28 =	rddreg [dreg:$0x4];
	(pc) =	sbr.rel @p0 .LBB2_1-.Ltmp1, $4  }
0xd7: {  	[hbm:s28@s30], [sflag:s0] =	dma.strided [spmem:s26@s31], $0x400, s29, $0x10   }
0xd8: {  	_ =	swait.ge [sflag:s18], $0x400  }
0xd9: {  	[sflag:s18] =	ssyncset.done $0x0  }
0xda: {  	[sflag:s18] =	ssyncadd.s32 $0xFFFFFC00  }
0xdb: {  	_ =	sfence.sel $0x180000  }
0xdc: {  	[bflag:$0x0] =	sbarrier.arrive $0xFFFF  }
0xdd: {  	_ =	strace $0x90000047  }
0xde: {  	s0 =	stileid.u32;
	[bflag:$0x2] =	sbarrier.arrive $0xFFFF  }
0xdf: {  	p0 =	sne.s32 s0, $0x0;
	s0 =	rddreg [dreg:$0x3]  }
0xe0: {  	s0 =	sadd.s32 @!p0 $0x100000, s0  }
0xe1: {  	[sflag:s0] =	ssyncadd.tile.s32 @!p0 $0x1;
	_ =	shalt  }
.Lfunc_end2:
_tile_overlayer_lowered:
.L_overlay_start_2:
0xe2: {  	(tag) =	ssettag $0x2  }
0xe3: {  	s0 =	rddreg [dreg:$0x0];
	s2 =	stileid.u32  }
0xe4: {  	s1 =	rddreg [dreg:$0x1];
	p0 =	sne.s32 s2, $0x0  }
0xe5: {  	s3 =	rddreg [dreg:$0x2];
	[bflag:$0x3] =	sbarrier.arrive $0xFFFF;
	s2 =	simm.s32 @!p0 $0x1C09  }
0xe6: {  	[timem:s3], [sflag:s2] =	dma.local @!p0 [hbm:s0], s1  }
0xe7: {  	s0 =	simm.s32 @!p0 $0x9  }
0xe8: {  	_ =	swait.ge @!p0 [sflag:s0], s1  }
0xe9: {  	s1 =	ssub.s32 @!p0 $0x0, s1;
	[sflag:s0] =	ssyncset.done @!p0 $0x0  }
0xea: {  	[sflag:s0] =	ssyncadd.s32 @!p0 s1  }
0xeb: {  	[bflag:$0x3] =	sbarrier.arrive $0xFFFF  }
0xec: {  	_ =	shalt  }

</sc_bundles>
